<compile_context>
chip_gen: v7x
topology: tpu7x:2x2x1
jax: 0.10.2.dev20260603
libtpu: 0.0.44.dev20260713+nightly
codegen_flags: <defaults>
</compile_context>

<pallas_src>
import functools

import jax
import jax.numpy as jnp
from jax import lax
from jax.experimental import pallas as pl
from jax.experimental.pallas import tpu as pltpu
from jax.experimental.pallas import tpu_sc as plsc

N = 10000
NP = 10240
D = 128
E = 320000
NC = 2
NS = 16
NW = NC * NS
C = 128
NJ = 80
E_PAD = NW * NJ * C
RPT = NP // NS
DW = 128

_mesh = plsc.VectorSubcoreMesh(core_axis_name="c", subcore_axis_name="s",
                               num_cores=NC, num_subcores=NS)


@functools.partial(
    pl.kernel,
    out_type=jax.ShapeDtypeStruct((NC, NP, D), jnp.float32),
    mesh=_mesh,
    scratch_types=[
        pltpu.VMEM((NJ // 2, C), jnp.int32),
        pltpu.VMEM((NJ // 2, C), jnp.int32),
        pltpu.VMEM((C, D), jnp.float32),
        pltpu.VMEM((C, D), jnp.float32),
        pltpu.VMEM_SHARED((NP, D), jnp.float32),
        pltpu.SemaphoreType.DMA,
        pltpu.SemaphoreType.DMA,
    ],
)
def _edge_scatter(xs_hbm, src_hbm, dst_hbm, out_hbm,
                  srcb, dstb, rows0, rows1, acc_sh, sem0, sem1):
    cid = lax.axis_index("c")
    sid = lax.axis_index("s")
    wid = cid * NS + sid
    roff = pl.multiple_of(sid * RPT, 8)
    JPH = NJ // 2

    zv = jnp.zeros((16,), jnp.float32)

    def zrow(j, carry):
        for k in range(8):
            rows0[j, pl.ds(k * 16, 16)] = zv
        return carry

    lax.fori_loop(0, C, zrow, 0)
    for r in range(RPT // C):
        pltpu.sync_copy(rows0, acc_sh.at[pl.ds(roff + r * C, C)])
    plsc.subcore_barrier()

    rows = (rows0, rows1)
    sems = (sem0, sem1)

    for ph in range(2):
        coff = pl.multiple_of(wid * NJ + ph * JPH, 8)
        pltpu.sync_copy(src_hbm.at[pl.ds(coff, JPH)], srcb)
        pltpu.sync_copy(dst_hbm.at[pl.ds(coff, JPH)], dstb)

        pltpu.async_copy(xs_hbm.at[srcb.at[0]], rows0, sem0)
        pltpu.async_copy(xs_hbm.at[srcb.at[1]], rows1, sem1)

        def body(t, carry):
            for b in range(2):
                j = 2 * t + b
                pltpu.make_async_copy(
                    xs_hbm.at[srcb.at[j]], rows[b], sems[b]).wait()
                pltpu.sync_copy(rows[b], acc_sh.at[dstb.at[j]], add=True)

                @pl.when(t < JPH // 2 - 1)
                def _():
                    pltpu.async_copy(xs_hbm.at[srcb.at[j + 2]], rows[b], sems[b])

            return carry

        lax.fori_loop(0, JPH // 2, body, 0)

    plsc.subcore_barrier()

    pltpu.sync_copy(acc_sh.at[pl.ds(roff, RPT)],
                    out_hbm.at[cid, pl.ds(roff, RPT)])


@functools.partial(
    pl.kernel,
    out_type=jax.ShapeDtypeStruct((NC, NP, DW), jnp.float32),
    mesh=_mesh,
    scratch_types=[
        pltpu.VMEM((NJ, C), jnp.int32),
        pltpu.VMEM((C, DW), jnp.float32),
        pltpu.VMEM_SHARED((NP, DW), jnp.float32),
    ],
)
def _deg_scatter(dst_hbm, out_hbm, dstb, ones_v, acc_sh):
    cid = lax.axis_index("c")
    sid = lax.axis_index("s")
    wid = cid * NS + sid
    roff = pl.multiple_of(sid * RPT, 8)
    coff = pl.multiple_of(wid * NJ, 8)

    zv = jnp.zeros((16,), jnp.float32)
    ov = jnp.ones((16,), jnp.float32)

    def zrow(j, carry):
        for k in range(8):
            ones_v[j, pl.ds(k * 16, 16)] = zv
        return carry

    lax.fori_loop(0, C, zrow, 0)
    for r in range(RPT // C):
        pltpu.sync_copy(ones_v, acc_sh.at[pl.ds(roff + r * C, C)])

    def orow(j, carry):
        for k in range(8):
            ones_v[j, pl.ds(k * 16, 16)] = ov
        return carry

    lax.fori_loop(0, C, orow, 0)
    pltpu.sync_copy(dst_hbm.at[pl.ds(coff, NJ)], dstb)
    plsc.subcore_barrier()

    def body(j, carry):
        pltpu.sync_copy(ones_v, acc_sh.at[dstb.at[j]], add=True)
        return carry

    lax.fori_loop(0, NJ, body, 0)
    plsc.subcore_barrier()

    pltpu.sync_copy(acc_sh.at[pl.ds(roff, RPT)],
                    out_hbm.at[cid, pl.ds(roff, RPT)])



BT = 2048
_GRID_T = NP // BT
B3 = 2000
_GRID_3 = N // B3


def _tc1_body(deg_ref, x_ref, w_ref, dinv_ref, xs_ref):
    dp = deg_ref[...]
    deg = dp[0, :, 0:1] + dp[1, :, 0:1] + 1.0
    dinv = lax.rsqrt(deg)
    xw = jnp.dot(x_ref[...], w_ref[...], preferred_element_type=jnp.float32)
    dinvb = jnp.broadcast_to(dinv, (BT, D))
    dinv_ref[...] = dinvb
    xs_ref[...] = xw * dinvb


_tc1 = pl.pallas_call(
    _tc1_body,
    grid=(_GRID_T,),
    in_specs=[
        pl.BlockSpec((NC, BT, DW), lambda i: (0, i, 0)),
        pl.BlockSpec((BT, D), lambda i: (i, 0)),
        pl.BlockSpec((D, D), lambda i: (0, 0)),
    ],
    out_specs=[
        pl.BlockSpec((BT, D), lambda i: (i, 0)),
        pl.BlockSpec((BT, D), lambda i: (i, 0)),
    ],
    out_shape=[
        jax.ShapeDtypeStruct((NP, D), jnp.float32),
        jax.ShapeDtypeStruct((NP, D), jnp.float32),
    ],
)


def _tc2_body(p_ref, xs1_ref, dinv_ref, b1_ref, w2_ref, xs2_ref):
    pp = p_ref[...]
    s = pp[0] + pp[1] + xs1_ref[...]
    h = jnp.maximum(dinv_ref[...] * s + b1_ref[...], 0.0)
    hw = jnp.dot(h, w2_ref[...], preferred_element_type=jnp.float32)
    xs2_ref[...] = hw * dinv_ref[...]


_tc2 = pl.pallas_call(
    _tc2_body,
    grid=(_GRID_T,),
    in_specs=[
        pl.BlockSpec((NC, BT, D), lambda i: (0, i, 0)),
        pl.BlockSpec((BT, D), lambda i: (i, 0)),
        pl.BlockSpec((BT, D), lambda i: (i, 0)),
        pl.BlockSpec((1, D), lambda i: (0, 0)),
        pl.BlockSpec((D, D), lambda i: (0, 0)),
    ],
    out_specs=pl.BlockSpec((BT, D), lambda i: (i, 0)),
    out_shape=jax.ShapeDtypeStruct((NP, D), jnp.float32),
)


def _tc3_body(q_ref, xs2_ref, dinv_ref, b2_ref, out_ref):
    qq = q_ref[...]
    s = qq[0] + qq[1] + xs2_ref[...]
    out_ref[...] = dinv_ref[...] * s + b2_ref[...]


_tc3 = pl.pallas_call(
    _tc3_body,
    grid=(_GRID_3,),
    in_specs=[
        pl.BlockSpec((NC, B3, D), lambda i: (0, i, 0)),
        pl.BlockSpec((B3, D), lambda i: (i, 0)),
        pl.BlockSpec((B3, D), lambda i: (i, 0)),
        pl.BlockSpec((1, D), lambda i: (0, 0)),
    ],
    out_specs=pl.BlockSpec((B3, D), lambda i: (i, 0)),
    out_shape=jax.ShapeDtypeStruct((N, D), jnp.float32),
)


def kernel(x, edge_index, W1, b1, W2, b2):
    ei = edge_index.astype(jnp.int32)
    pad = N + (jnp.arange(E_PAD - E, dtype=jnp.int32) % C)
    src = jnp.concatenate([ei[0], pad]).reshape(E_PAD // C, C)
    dst = jnp.concatenate([ei[1], pad]).reshape(E_PAD // C, C)

    degp = _deg_scatter(dst)
    dinv, xs1 = _tc1(degp, x, W1)
    p = _edge_scatter(xs1, src, dst)
    xs2 = _tc2(p, xs1, dinv, b1.reshape(1, D), W2)
    q = _edge_scatter(xs2, src, dst)
    out = _tc3(q, xs2, dinv, b2.reshape(1, D))
    return out

# --- scband reference (transcript-rebuilt; emitter-appended) ---
"""Pipeline reference for scband-supreme-25065429139537 (READ-ONLY COPY).

The authoritative reference and input builder live on the scoring server;
editing this copy changes nothing except your own understanding.
"""

import jax, jax.numpy as jnp
import numpy as np

N_NODES = 10000


def gcn_conv(x, edge_index, W, b, num_nodes):
    # PyG GCNConv: x' = D^{-1/2} (A + I) D^{-1/2} (X W) + b
    xw = x @ W
    src, dst = edge_index[0], edge_index[1]
    # add self loops
    loop = jnp.arange(num_nodes, dtype=edge_index.dtype)
    src = jnp.concatenate([src, loop])
    dst = jnp.concatenate([dst, loop])
    # symmetric normalization
    ones = jnp.ones(src.shape[0], dtype=xw.dtype)
    deg = jax.ops.segment_sum(ones, dst, num_segments=num_nodes)
    deg_inv_sqrt = jnp.where(deg > 0, jax.lax.rsqrt(deg), 0.0)
    norm = deg_inv_sqrt[src] * deg_inv_sqrt[dst]
    msg = xw[src] * norm[:, None]
    out = jax.ops.segment_sum(msg, dst, num_segments=num_nodes)
    return out + b


def setup_inputs(seed: int = 0) -> dict:
    key = jax.random.key(seed)
    k1, k2, k3, k4, k5, k6 = jax.random.split(key, 6)
    in_size, hid_size, out_size = 128, 128, 128
    x = jax.random.normal(k1, (N_NODES, in_size), dtype=jnp.float32)
    edge_index = jax.random.randint(k2, (2, 320000), 0, N_NODES, dtype=jnp.int64)
    s1 = 1.0 / np.sqrt(in_size)
    s2 = 1.0 / np.sqrt(hid_size)
    W1 = jax.random.uniform(k3, (in_size, hid_size), jnp.float32, -s1, s1)
    b1 = jax.random.uniform(k4, (hid_size,), jnp.float32, -s1, s1)
    W2 = jax.random.uniform(k5, (hid_size, out_size), jnp.float32, -s2, s2)
    b2 = jax.random.uniform(k6, (out_size,), jnp.float32, -s2, s2)
    return {"x": x, "edge_index": edge_index, "W1": W1, "b1": b1, "W2": W2, "b2": b2}


def reference(x, edge_index, W1, b1, W2, b2):
    h = gcn_conv(x, edge_index, W1, b1, N_NODES)
    h = jax.nn.relu(h)
    out = gcn_conv(h, edge_index, W2, b2, N_NODES)
    return out

if __name__ == "__main__":
    import jax
    _d = setup_inputs()
    print(jax.jit(kernel)(*tuple(_d.values())))

</pallas_src>

<mosaic_0001>
#map = affine_map<(d0, d1) -> (0, 0)>
#map1 = affine_map<(d0, d1) -> (0, 0, 0)>
module attributes {stable_mosaic.version = 14 : i64} {
  func.func @_deg_scatter(%arg0: i32, %arg1: i32, %arg2: memref<2560x128xi32, #tpu.memory_space<hbm>>, %arg3: memref<2x10240x128xf32, #tpu.memory_space<hbm>>, %arg4: memref<80x128xi32, #tpu.memory_space<vmem>>, %arg5: memref<128x128xf32, #tpu.memory_space<vmem>>, %arg6: memref<10240x128xf32, #tpu.memory_space<vmem_shared>>) attributes {dimension_semantics = [#tpu.dimension_semantics<core_parallel>, #tpu.dimension_semantics<subcore_parallel>], iteration_bounds = array<i64: 2, 16>, scalar_prefetch = 0 : i64, scratch_operands = 3 : i64, tpu.core_type = #tpu.core_type<sc_vector_subcore>, window_params = [{transform_indices = #map}, {transform_indices = #map1}]} {
    %mul3A = arith.constant 16 : i32
    %mul3A_0 = arith.muli %arg0, %mul3A : i32
    %add3A = arith.addi %mul3A_0, %arg1 : i32
    %mul3A_1 = arith.constant 640 : i32
    %mul3A_2 = arith.muli %arg1, %mul3A_1 : i32
    %multiple_of3A = tpu.assume_multiple %mul3A_2, 8 : i32
    %mul3A_3 = arith.constant 80 : i32
    %mul3A_4 = arith.muli %add3A, %mul3A_3 : i32
    %multiple_of3A_5 = tpu.assume_multiple %mul3A_4, 8 : i32
    %broadcast_in_dim3A = arith.constant 0.000000e+00 : f32
    %broadcast_in_dim3A_6 = vector.broadcast %broadcast_in_dim3A : f32 to vector<16xf32>
    %broadcast_in_dim3A_7 = arith.constant 1.000000e+00 : f32
    %broadcast_in_dim3A_8 = vector.broadcast %broadcast_in_dim3A_7 : f32 to vector<16xf32>
    %scan3A = arith.constant 0 : i32
    %scan3A_9 = arith.constant 0 : i32
    %scan3A_10 = arith.constant 128 : i32
    %scan3A_11 = arith.addi %scan3A_9, %scan3A_10 : i32
    %scan3A_12 = arith.constant 1 : i32
    scf.for %scan3A_37 = %scan3A_9 to %scan3A_11 step %scan3A_12  : i32 {
      %swap3A = arith.index_cast %scan3A_37 : i32 to index
      %swap3A_38 = arith.constant 0 : index
      %swap3A_39 = tpu.vector_load %arg5[%swap3A, %swap3A_38] {strides = array<i32>} : memref<128x128xf32, #tpu.memory_space<vmem>>, vector<1x16xf32>,
      %swap3A_40 = vector.shape_cast %swap3A_39 : vector<1x16xf32> to vector<16xf32>
      %swap3A_41 = vector.shape_cast %broadcast_in_dim3A_6 : vector<16xf32> to vector<1x16xf32>
      tpu.vector_store %arg5[%swap3A, %swap3A_38], %swap3A_41 {strides = array<i32>} : memref<128x128xf32, #tpu.memory_space<vmem>>, vector<1x16xf32>,
      %swap3A_42 = arith.index_cast %scan3A_37 : i32 to index
      %swap3A_43 = arith.constant 16 : index
      %swap3A_44 = tpu.vector_load %arg5[%swap3A_42, %swap3A_43] {strides = array<i32>} : memref<128x128xf32, #tpu.memory_space<vmem>>, vector<1x16xf32>,
      %swap3A_45 = vector.shape_cast %swap3A_44 : vector<1x16xf32> to vector<16xf32>
      %swap3A_46 = vector.shape_cast %broadcast_in_dim3A_6 : vector<16xf32> to vector<1x16xf32>
      tpu.vector_store %arg5[%swap3A_42, %swap3A_43], %swap3A_46 {strides = array<i32>} : memref<128x128xf32, #tpu.memory_space<vmem>>, vector<1x16xf32>,
      %swap3A_47 = arith.index_cast %scan3A_37 : i32 to index
      %swap3A_48 = arith.constant 32 : index
      %swap3A_49 = tpu.vector_load %arg5[%swap3A_47, %swap3A_48] {strides = array<i32>} : memref<128x128xf32, #tpu.memory_space<vmem>>, vector<1x16xf32>,
      %swap3A_50 = vector.shape_cast %swap3A_49 : vector<1x16xf32> to vector<16xf32>
      %swap3A_51 = vector.shape_cast %broadcast_in_dim3A_6 : vector<16xf32> to vector<1x16xf32>
      tpu.vector_store %arg5[%swap3A_47, %swap3A_48], %swap3A_51 {strides = array<i32>} : memref<128x128xf32, #tpu.memory_space<vmem>>, vector<1x16xf32>,
      %swap3A_52 = arith.index_cast %scan3A_37 : i32 to index
      %swap3A_53 = arith.constant 48 : index
      %swap3A_54 = tpu.vector_load %arg5[%swap3A_52, %swap3A_53] {strides = array<i32>} : memref<128x128xf32, #tpu.memory_space<vmem>>, vector<1x16xf32>,
      %swap3A_55 = vector.shape_cast %swap3A_54 : vector<1x16xf32> to vector<16xf32>
      %swap3A_56 = vector.shape_cast %broadcast_in_dim3A_6 : vector<16xf32> to vector<1x16xf32>
      tpu.vector_store %arg5[%swap3A_52, %swap3A_53], %swap3A_56 {strides = array<i32>} : memref<128x128xf32, #tpu.memory_space<vmem>>, vector<1x16xf32>,
      %swap3A_57 = arith.index_cast %scan3A_37 : i32 to index
      %swap3A_58 = arith.constant 64 : index
      %swap3A_59 = tpu.vector_load %arg5[%swap3A_57, %swap3A_58] {strides = array<i32>} : memref<128x128xf32, #tpu.memory_space<vmem>>, vector<1x16xf32>,
      %swap3A_60 = vector.shape_cast %swap3A_59 : vector<1x16xf32> to vector<16xf32>
      %swap3A_61 = vector.shape_cast %broadcast_in_dim3A_6 : vector<16xf32> to vector<1x16xf32>
      tpu.vector_store %arg5[%swap3A_57, %swap3A_58], %swap3A_61 {strides = array<i32>} : memref<128x128xf32, #tpu.memory_space<vmem>>, vector<1x16xf32>,
      %swap3A_62 = arith.index_cast %scan3A_37 : i32 to index
      %swap3A_63 = arith.constant 80 : index
      %swap3A_64 = tpu.vector_load %arg5[%swap3A_62, %swap3A_63] {strides = array<i32>} : memref<128x128xf32, #tpu.memory_space<vmem>>, vector<1x16xf32>,
      %swap3A_65 = vector.shape_cast %swap3A_64 : vector<1x16xf32> to vector<16xf32>
      %swap3A_66 = vector.shape_cast %broadcast_in_dim3A_6 : vector<16xf32> to vector<1x16xf32>
      tpu.vector_store %arg5[%swap3A_62, %swap3A_63], %swap3A_66 {strides = array<i32>} : memref<128x128xf32, #tpu.memory_space<vmem>>, vector<1x16xf32>,
      %swap3A_67 = arith.index_cast %scan3A_37 : i32 to index
      %swap3A_68 = arith.constant 96 : index
      %swap3A_69 = tpu.vector_load %arg5[%swap3A_67, %swap3A_68] {strides = array<i32>} : memref<128x128xf32, #tpu.memory_space<vmem>>, vector<1x16xf32>,
      %swap3A_70 = vector.shape_cast %swap3A_69 : vector<1x16xf32> to vector<16xf32>
      %swap3A_71 = vector.shape_cast %broadcast_in_dim3A_6 : vector<16xf32> to vector<1x16xf32>
      tpu.vector_store %arg5[%swap3A_67, %swap3A_68], %swap3A_71 {strides = array<i32>} : memref<128x128xf32, #tpu.memory_space<vmem>>, vector<1x16xf32>,
      %swap3A_72 = arith.index_cast %scan3A_37 : i32 to index
      %swap3A_73 = arith.constant 112 : index
      %swap3A_74 = tpu.vector_load %arg5[%swap3A_72, %swap3A_73] {strides = array<i32>} : memref<128x128xf32, #tpu.memory_space<vmem>>, vector<1x16xf32>,
      %swap3A_75 = vector.shape_cast %swap3A_74 : vector<1x16xf32> to vector<16xf32>
      %swap3A_76 = vector.shape_cast %broadcast_in_dim3A_6 : vector<16xf32> to vector<1x16xf32>
      tpu.vector_store %arg5[%swap3A_72, %swap3A_73], %swap3A_76 {strides = array<i32>} : memref<128x128xf32, #tpu.memory_space<vmem>>, vector<1x16xf32>,
    }
    %scan3A_13 = arith.constant 128 : i32
    %add3A_14 = arith.constant 0 : i32
    %add3A_15 = arith.addi %multiple_of3A, %add3A_14 : i32
    "tpu.region"() ({
      %run_scoped3A = tpu.sem_alloc : memref<!tpu.dma_semaphore, #tpu.memory_space<semaphore_mem>>
      %dma_start3A = arith.constant 0 : i32
      %dma_start3A_37 = tpu.memref_slice %arg6[%add3A_15, %dma_start3A] : memref<10240x128xf32, #tpu.memory_space<vmem_shared>> -> memref<128x128xf32, #tpu.memory_space<vmem_shared>>
      %dma_start3A_38 = arith.constant 0 : i32
      %dma_start3A_39 = tpu.memref_slice %arg6[%add3A_15, %dma_start3A_38] : memref<10240x128xf32, #tpu.memory_space<vmem_shared>> -> memref<128x128xf32, #tpu.memory_space<vmem_shared>>
      tpu.enqueue_dma source(%arg5 : memref<128x128xf32, #tpu.memory_space<vmem>>) target(%dma_start3A_39 : memref<128x128xf32, #tpu.memory_space<vmem_shared>>) target_semaphore(%run_scoped3A : memref<!tpu.dma_semaphore, #tpu.memory_space<semaphore_mem>>)
      %dma_wait3A = arith.constant 0 : i32
      %dma_wait3A_40 = tpu.memref_slice %arg6[%add3A_15, %dma_wait3A] : memref<10240x128xf32, #tpu.memory_space<vmem_shared>> -> memref<128x128xf32, #tpu.memory_space<vmem_shared>>
      %dma_wait3A_41 = arith.constant 0 : i32
      %dma_wait3A_42 = tpu.memref_slice %arg6[%add3A_15, %dma_wait3A_41] : memref<10240x128xf32, #tpu.memory_space<vmem_shared>> -> memref<128x128xf32, #tpu.memory_space<vmem_shared>>
      tpu.wait_dma2 semaphore(%run_scoped3A : memref<!tpu.dma_semaphore, #tpu.memory_space<semaphore_mem>>) src(%arg5 : memref<128x128xf32, #tpu.memory_space<vmem>>) dst(%dma_wait3A_42 : memref<128x128xf32, #tpu.memory_space<vmem_shared>>)
      tpu.yield
    }) : () -> ()
    %add3A_16 = arith.constant 128 : i32
    %add3A_17 = arith.addi %multiple_of3A, %add3A_16 : i32
    "tpu.region"() ({
      %run_scoped3A = tpu.sem_alloc : memref<!tpu.dma_semaphore, #tpu.memory_space<semaphore_mem>>
      %dma_start3A = arith.constant 0 : i32
      %dma_start3A_37 = tpu.memref_slice %arg6[%add3A_17, %dma_start3A] : memref<10240x128xf32, #tpu.memory_space<vmem_shared>> -> memref<128x128xf32, #tpu.memory_space<vmem_shared>>
      %dma_start3A_38 = arith.constant 0 : i32
      %dma_start3A_39 = tpu.memref_slice %arg6[%add3A_17, %dma_start3A_38] : memref<10240x128xf32, #tpu.memory_space<vmem_shared>> -> memref<128x128xf32, #tpu.memory_space<vmem_shared>>
      tpu.enqueue_dma source(%arg5 : memref<128x128xf32, #tpu.memory_space<vmem>>) target(%dma_start3A_39 : memref<128x128xf32, #tpu.memory_space<vmem_shared>>) target_semaphore(%run_scoped3A : memref<!tpu.dma_semaphore, #tpu.memory_space<semaphore_mem>>)
      %dma_wait3A = arith.constant 0 : i32
      %dma_wait3A_40 = tpu.memref_slice %arg6[%add3A_17, %dma_wait3A] : memref<10240x128xf32, #tpu.memory_space<vmem_shared>> -> memref<128x128xf32, #tpu.memory_space<vmem_shared>>
      %dma_wait3A_41 = arith.constant 0 : i32
      %dma_wait3A_42 = tpu.memref_slice %arg6[%add3A_17, %dma_wait3A_41] : memref<10240x128xf32, #tpu.memory_space<vmem_shared>> -> memref<128x128xf32, #tpu.memory_space<vmem_shared>>
      tpu.wait_dma2 semaphore(%run_scoped3A : memref<!tpu.dma_semaphore, #tpu.memory_space<semaphore_mem>>) src(%arg5 : memref<128x128xf32, #tpu.memory_space<vmem>>) dst(%dma_wait3A_42 : memref<128x128xf32, #tpu.memory_space<vmem_shared>>)
      tpu.yield
    }) : () -> ()
    %add3A_18 = arith.constant 256 : i32
    %add3A_19 = arith.addi %multiple_of3A, %add3A_18 : i32
    "tpu.region"() ({
      %run_scoped3A = tpu.sem_alloc : memref<!tpu.dma_semaphore, #tpu.memory_space<semaphore_mem>>
      %dma_start3A = arith.constant 0 : i32
      %dma_start3A_37 = tpu.memref_slice %arg6[%add3A_19, %dma_start3A] : memref<10240x128xf32, #tpu.memory_space<vmem_shared>> -> memref<128x128xf32, #tpu.memory_space<vmem_shared>>
      %dma_start3A_38 = arith.constant 0 : i32
      %dma_start3A_39 = tpu.memref_slice %arg6[%add3A_19, %dma_start3A_38] : memref<10240x128xf32, #tpu.memory_space<vmem_shared>> -> memref<128x128xf32, #tpu.memory_space<vmem_shared>>
      tpu.enqueue_dma source(%arg5 : memref<128x128xf32, #tpu.memory_space<vmem>>) target(%dma_start3A_39 : memref<128x128xf32, #tpu.memory_space<vmem_shared>>) target_semaphore(%run_scoped3A : memref<!tpu.dma_semaphore, #tpu.memory_space<semaphore_mem>>)
      %dma_wait3A = arith.constant 0 : i32
      %dma_wait3A_40 = tpu.memref_slice %arg6[%add3A_19, %dma_wait3A] : memref<10240x128xf32, #tpu.memory_space<vmem_shared>> -> memref<128x128xf32, #tpu.memory_space<vmem_shared>>
      %dma_wait3A_41 = arith.constant 0 : i32
      %dma_wait3A_42 = tpu.memref_slice %arg6[%add3A_19, %dma_wait3A_41] : memref<10240x128xf32, #tpu.memory_space<vmem_shared>> -> memref<128x128xf32, #tpu.memory_space<vmem_shared>>
      tpu.wait_dma2 semaphore(%run_scoped3A : memref<!tpu.dma_semaphore, #tpu.memory_space<semaphore_mem>>) src(%arg5 : memref<128x128xf32, #tpu.memory_space<vmem>>) dst(%dma_wait3A_42 : memref<128x128xf32, #tpu.memory_space<vmem_shared>>)
      tpu.yield
    }) : () -> ()
    %add3A_20 = arith.constant 384 : i32
    %add3A_21 = arith.addi %multiple_of3A, %add3A_20 : i32
    "tpu.region"() ({
      %run_scoped3A = tpu.sem_alloc : memref<!tpu.dma_semaphore, #tpu.memory_space<semaphore_mem>>
      %dma_start3A = arith.constant 0 : i32
      %dma_start3A_37 = tpu.memref_slice %arg6[%add3A_21, %dma_start3A] : memref<10240x128xf32, #tpu.memory_space<vmem_shared>> -> memref<128x128xf32, #tpu.memory_space<vmem_shared>>
      %dma_start3A_38 = arith.constant 0 : i32
      %dma_start3A_39 = tpu.memref_slice %arg6[%add3A_21, %dma_start3A_38] : memref<10240x128xf32, #tpu.memory_space<vmem_shared>> -> memref<128x128xf32, #tpu.memory_space<vmem_shared>>
      tpu.enqueue_dma source(%arg5 : memref<128x128xf32, #tpu.memory_space<vmem>>) target(%dma_start3A_39 : memref<128x128xf32, #tpu.memory_space<vmem_shared>>) target_semaphore(%run_scoped3A : memref<!tpu.dma_semaphore, #tpu.memory_space<semaphore_mem>>)
      %dma_wait3A = arith.constant 0 : i32
      %dma_wait3A_40 = tpu.memref_slice %arg6[%add3A_21, %dma_wait3A] : memref<10240x128xf32, #tpu.memory_space<vmem_shared>> -> memref<128x128xf32, #tpu.memory_space<vmem_shared>>
      %dma_wait3A_41 = arith.constant 0 : i32
      %dma_wait3A_42 = tpu.memref_slice %arg6[%add3A_21, %dma_wait3A_41] : memref<10240x128xf32, #tpu.memory_space<vmem_shared>> -> memref<128x128xf32, #tpu.memory_space<vmem_shared>>
      tpu.wait_dma2 semaphore(%run_scoped3A : memref<!tpu.dma_semaphore, #tpu.memory_space<semaphore_mem>>) src(%arg5 : memref<128x128xf32, #tpu.memory_space<vmem>>) dst(%dma_wait3A_42 : memref<128x128xf32, #tpu.memory_space<vmem_shared>>)
      tpu.yield
    }) : () -> ()
    %add3A_22 = arith.constant 512 : i32
    %add3A_23 = arith.addi %multiple_of3A, %add3A_22 : i32
    "tpu.region"() ({
      %run_scoped3A = tpu.sem_alloc : memref<!tpu.dma_semaphore, #tpu.memory_space<semaphore_mem>>
      %dma_start3A = arith.constant 0 : i32
      %dma_start3A_37 = tpu.memref_slice %arg6[%add3A_23, %dma_start3A] : memref<10240x128xf32, #tpu.memory_space<vmem_shared>> -> memref<128x128xf32, #tpu.memory_space<vmem_shared>>
      %dma_start3A_38 = arith.constant 0 : i32
      %dma_start3A_39 = tpu.memref_slice %arg6[%add3A_23, %dma_start3A_38] : memref<10240x128xf32, #tpu.memory_space<vmem_shared>> -> memref<128x128xf32, #tpu.memory_space<vmem_shared>>
      tpu.enqueue_dma source(%arg5 : memref<128x128xf32, #tpu.memory_space<vmem>>) target(%dma_start3A_39 : memref<128x128xf32, #tpu.memory_space<vmem_shared>>) target_semaphore(%run_scoped3A : memref<!tpu.dma_semaphore, #tpu.memory_space<semaphore_mem>>)
      %dma_wait3A = arith.constant 0 : i32
      %dma_wait3A_40 = tpu.memref_slice %arg6[%add3A_23, %dma_wait3A] : memref<10240x128xf32, #tpu.memory_space<vmem_shared>> -> memref<128x128xf32, #tpu.memory_space<vmem_shared>>
      %dma_wait3A_41 = arith.constant 0 : i32
      %dma_wait3A_42 = tpu.memref_slice %arg6[%add3A_23, %dma_wait3A_41] : memref<10240x128xf32, #tpu.memory_space<vmem_shared>> -> memref<128x128xf32, #tpu.memory_space<vmem_shared>>
      tpu.wait_dma2 semaphore(%run_scoped3A : memref<!tpu.dma_semaphore, #tpu.memory_space<semaphore_mem>>) src(%arg5 : memref<128x128xf32, #tpu.memory_space<vmem>>) dst(%dma_wait3A_42 : memref<128x128xf32, #tpu.memory_space<vmem_shared>>)
      tpu.yield
    }) : () -> ()
    %scan3A_24 = arith.constant 0 : i32
    %scan3A_25 = arith.constant 0 : i32
    %scan3A_26 = arith.constant 128 : i32
    %scan3A_27 = arith.addi %scan3A_25, %scan3A_26 : i32
    %scan3A_28 = arith.constant 1 : i32
    scf.for %scan3A_37 = %scan3A_25 to %scan3A_27 step %scan3A_28  : i32 {
      %swap3A = arith.index_cast %scan3A_37 : i32 to index
      %swap3A_38 = arith.constant 0 : index
      %swap3A_39 = tpu.vector_load %arg5[%swap3A, %swap3A_38] {strides = array<i32>} : memref<128x128xf32, #tpu.memory_space<vmem>>, vector<1x16xf32>,
      %swap3A_40 = vector.shape_cast %swap3A_39 : vector<1x16xf32> to vector<16xf32>
      %swap3A_41 = vector.shape_cast %broadcast_in_dim3A_8 : vector<16xf32> to vector<1x16xf32>
      tpu.vector_store %arg5[%swap3A, %swap3A_38], %swap3A_41 {strides = array<i32>} : memref<128x128xf32, #tpu.memory_space<vmem>>, vector<1x16xf32>,
      %swap3A_42 = arith.index_cast %scan3A_37 : i32 to index
      %swap3A_43 = arith.constant 16 : index
      %swap3A_44 = tpu.vector_load %arg5[%swap3A_42, %swap3A_43] {strides = array<i32>} : memref<128x128xf32, #tpu.memory_space<vmem>>, vector<1x16xf32>,
      %swap3A_45 = vector.shape_cast %swap3A_44 : vector<1x16xf32> to vector<16xf32>
      %swap3A_46 = vector.shape_cast %broadcast_in_dim3A_8 : vector<16xf32> to vector<1x16xf32>
      tpu.vector_store %arg5[%swap3A_42, %swap3A_43], %swap3A_46 {strides = array<i32>} : memref<128x128xf32, #tpu.memory_space<vmem>>, vector<1x16xf32>,
      %swap3A_47 = arith.index_cast %scan3A_37 : i32 to index
      %swap3A_48 = arith.constant 32 : index
      %swap3A_49 = tpu.vector_load %arg5[%swap3A_47, %swap3A_48] {strides = array<i32>} : memref<128x128xf32, #tpu.memory_space<vmem>>, vector<1x16xf32>,
      %swap3A_50 = vector.shape_cast %swap3A_49 : vector<1x16xf32> to vector<16xf32>
      %swap3A_51 = vector.shape_cast %broadcast_in_dim3A_8 : vector<16xf32> to vector<1x16xf32>
      tpu.vector_store %arg5[%swap3A_47, %swap3A_48], %swap3A_51 {strides = array<i32>} : memref<128x128xf32, #tpu.memory_space<vmem>>, vector<1x16xf32>,
      %swap3A_52 = arith.index_cast %scan3A_37 : i32 to index
      %swap3A_53 = arith.constant 48 : index
      %swap3A_54 = tpu.vector_load %arg5[%swap3A_52, %swap3A_53] {strides = array<i32>} : memref<128x128xf32, #tpu.memory_space<vmem>>, vector<1x16xf32>,
      %swap3A_55 = vector.shape_cast %swap3A_54 : vector<1x16xf32> to vector<16xf32>
      %swap3A_56 = vector.shape_cast %broadcast_in_dim3A_8 : vector<16xf32> to vector<1x16xf32>
      tpu.vector_store %arg5[%swap3A_52, %swap3A_53], %swap3A_56 {strides = array<i32>} : memref<128x128xf32, #tpu.memory_space<vmem>>, vector<1x16xf32>,
      %swap3A_57 = arith.index_cast %scan3A_37 : i32 to index
      %swap3A_58 = arith.constant 64 : index
      %swap3A_59 = tpu.vector_load %arg5[%swap3A_57, %swap3A_58] {strides = array<i32>} : memref<128x128xf32, #tpu.memory_space<vmem>>, vector<1x16xf32>,
      %swap3A_60 = vector.shape_cast %swap3A_59 : vector<1x16xf32> to vector<16xf32>
      %swap3A_61 = vector.shape_cast %broadcast_in_dim3A_8 : vector<16xf32> to vector<1x16xf32>
      tpu.vector_store %arg5[%swap3A_57, %swap3A_58], %swap3A_61 {strides = array<i32>} : memref<128x128xf32, #tpu.memory_space<vmem>>, vector<1x16xf32>,
      %swap3A_62 = arith.index_cast %scan3A_37 : i32 to index
      %swap3A_63 = arith.constant 80 : index
      %swap3A_64 = tpu.vector_load %arg5[%swap3A_62, %swap3A_63] {strides = array<i32>} : memref<128x128xf32, #tpu.memory_space<vmem>>, vector<1x16xf32>,
      %swap3A_65 = vector.shape_cast %swap3A_64 : vector<1x16xf32> to vector<16xf32>
      %swap3A_66 = vector.shape_cast %broadcast_in_dim3A_8 : vector<16xf32> to vector<1x16xf32>
      tpu.vector_store %arg5[%swap3A_62, %swap3A_63], %swap3A_66 {strides = array<i32>} : memref<128x128xf32, #tpu.memory_space<vmem>>, vector<1x16xf32>,
      %swap3A_67 = arith.index_cast %scan3A_37 : i32 to index
      %swap3A_68 = arith.constant 96 : index
      %swap3A_69 = tpu.vector_load %arg5[%swap3A_67, %swap3A_68] {strides = array<i32>} : memref<128x128xf32, #tpu.memory_space<vmem>>, vector<1x16xf32>,
      %swap3A_70 = vector.shape_cast %swap3A_69 : vector<1x16xf32> to vector<16xf32>
      %swap3A_71 = vector.shape_cast %broadcast_in_dim3A_8 : vector<16xf32> to vector<1x16xf32>
      tpu.vector_store %arg5[%swap3A_67, %swap3A_68], %swap3A_71 {strides = array<i32>} : memref<128x128xf32, #tpu.memory_space<vmem>>, vector<1x16xf32>,
      %swap3A_72 = arith.index_cast %scan3A_37 : i32 to index
      %swap3A_73 = arith.constant 112 : index
      %swap3A_74 = tpu.vector_load %arg5[%swap3A_72, %swap3A_73] {strides = array<i32>} : memref<128x128xf32, #tpu.memory_space<vmem>>, vector<1x16xf32>,
      %swap3A_75 = vector.shape_cast %swap3A_74 : vector<1x16xf32> to vector<16xf32>
      %swap3A_76 = vector.shape_cast %broadcast_in_dim3A_8 : vector<16xf32> to vector<1x16xf32>
      tpu.vector_store %arg5[%swap3A_72, %swap3A_73], %swap3A_76 {strides = array<i32>} : memref<128x128xf32, #tpu.memory_space<vmem>>, vector<1x16xf32>,
    }
    %scan3A_29 = arith.constant 128 : i32
    "tpu.region"() ({
      %run_scoped3A = tpu.sem_alloc : memref<!tpu.dma_semaphore, #tpu.memory_space<semaphore_mem>>
      %dma_start3A = arith.constant 0 : i32
      %dma_start3A_37 = tpu.memref_slice %arg2[%multiple_of3A_5, %dma_start3A] : memref<2560x128xi32, #tpu.memory_space<hbm>> -> memref<80x128xi32, #tpu.memory_space<hbm>>
      %dma_start3A_38 = arith.constant 0 : i32
      %dma_start3A_39 = tpu.memref_slice %arg2[%multiple_of3A_5, %dma_start3A_38] : memref<2560x128xi32, #tpu.memory_space<hbm>> -> memref<80x128xi32, #tpu.memory_space<hbm>>
      tpu.enqueue_dma source(%dma_start3A_39 : memref<80x128xi32, #tpu.memory_space<hbm>>) target(%arg4 : memref<80x128xi32, #tpu.memory_space<vmem>>) target_semaphore(%run_scoped3A : memref<!tpu.dma_semaphore, #tpu.memory_space<semaphore_mem>>)
      %dma_wait3A = arith.constant 0 : i32
      %dma_wait3A_40 = tpu.memref_slice %arg2[%multiple_of3A_5, %dma_wait3A] : memref<2560x128xi32, #tpu.memory_space<hbm>> -> memref<80x128xi32, #tpu.memory_space<hbm>>
      %dma_wait3A_41 = arith.constant 0 : i32
      %dma_wait3A_42 = tpu.memref_slice %arg2[%multiple_of3A_5, %dma_wait3A_41] : memref<2560x128xi32, #tpu.memory_space<hbm>> -> memref<80x128xi32, #tpu.memory_space<hbm>>
      tpu.wait_dma2 semaphore(%run_scoped3A : memref<!tpu.dma_semaphore, #tpu.memory_space<semaphore_mem>>) src(%dma_wait3A_42 : memref<80x128xi32, #tpu.memory_space<hbm>>) dst(%arg4 : memref<80x128xi32, #tpu.memory_space<vmem>>)
      tpu.yield
    }) : () -> ()
    %barrier3A = arith.constant 0 : index
    tpu.barrier barrier_id(%barrier3A)
    %scan3A_30 = arith.constant 0 : i32
    %scan3A_31 = arith.constant 0 : i32
    %scan3A_32 = arith.constant 80 : i32
    %scan3A_33 = arith.addi %scan3A_31, %scan3A_32 : i32
    %scan3A_34 = arith.constant 1 : i32
    scf.for %scan3A_37 = %scan3A_31 to %scan3A_33 step %scan3A_34  : i32 {
      "tpu.region"() ({
        %run_scoped3A = tpu.sem_alloc : memref<!tpu.dma_semaphore, #tpu.memory_space<semaphore_mem>>
        %dma_start3A = arith.constant 0 : i32
        %dma_start3A_38 = tpu.memref_slice %arg4[%scan3A_37, %dma_start3A] : memref<80x128xi32, #tpu.memory_space<vmem>> -> memref<1x128xi32, #tpu.memory_space<vmem>>
        %dma_start3A_39 = tpu.memref_squeeze %dma_start3A_38 : memref<1x128xi32, #tpu.memory_space<vmem>> -> memref<128xi32, #tpu.memory_space<vmem>>
        %dma_start3A_40 = arith.constant 0 : i32
        %dma_start3A_41 = arith.constant 0 : i32
        %dma_start3A_42 = tpu.memref_slice %arg6[%dma_start3A_40, %dma_start3A_41] : memref<10240x128xf32, #tpu.memory_space<vmem_shared>> -> memref<10240x128xf32, #tpu.memory_space<vmem_shared>>
        tpu.enqueue_indirect_dma source(%arg5 : memref<128x128xf32, #tpu.memory_space<vmem>>) target(%dma_start3A_42 : memref<10240x128xf32, #tpu.memory_space<vmem_shared>>) offsets(%dma_start3A_39 : memref<128xi32, #tpu.memory_space<vmem>>) semaphore(%run_scoped3A : memref<!tpu.dma_semaphore, #tpu.memory_space<semaphore_mem>>) {add = true}
        %dma_wait3A = arith.constant 0 : i32
        %dma_wait3A_43 = tpu.memref_slice %arg4[%scan3A_37, %dma_wait3A] : memref<80x128xi32, #tpu.memory_space<vmem>> -> memref<1x128xi32, #tpu.memory_space<vmem>>
        %dma_wait3A_44 = tpu.memref_squeeze %dma_wait3A_43 : memref<1x128xi32, #tpu.memory_space<vmem>> -> memref<128xi32, #tpu.memory_space<vmem>>
        %dma_wait3A_45 = arith.constant 0 : i32
        %dma_wait3A_46 = arith.constant 0 : i32
        %dma_wait3A_47 = tpu.memref_slice %arg6[%dma_wait3A_45, %dma_wait3A_46] : memref<10240x128xf32, #tpu.memory_space<vmem_shared>> -> memref<10240x128xf32, #tpu.memory_space<vmem_shared>>
        tpu.wait_indirect_dma semaphore(%run_scoped3A : memref<!tpu.dma_semaphore, #tpu.memory_space<semaphore_mem>>) src(%arg5 : memref<128x128xf32, #tpu.memory_space<vmem>>) dst(%dma_wait3A_47 : memref<10240x128xf32, #tpu.memory_space<vmem_shared>>)
        tpu.yield
      }) : () -> ()
    }
    %scan3A_35 = arith.constant 80 : i32
    %barrier3A_36 = arith.constant 0 : index
    tpu.barrier barrier_id(%barrier3A_36)
    "tpu.region"() ({
      %run_scoped3A = tpu.sem_alloc : memref<!tpu.dma_semaphore, #tpu.memory_space<semaphore_mem>>
      %dma_start3A = arith.constant 0 : i32
      %dma_start3A_37 = tpu.memref_slice %arg3[%arg0, %multiple_of3A, %dma_start3A] : memref<2x10240x128xf32, #tpu.memory_space<hbm>> -> memref<1x640x128xf32, #tpu.memory_space<hbm>>
      %dma_start3A_38 = tpu.memref_squeeze %dma_start3A_37 : memref<1x640x128xf32, #tpu.memory_space<hbm>> -> memref<640x128xf32, #tpu.memory_space<hbm>>
      %dma_start3A_39 = arith.constant 0 : i32
      %dma_start3A_40 = tpu.memref_slice %arg6[%multiple_of3A, %dma_start3A_39] : memref<10240x128xf32, #tpu.memory_space<vmem_shared>> -> memref<640x128xf32, #tpu.memory_space<vmem_shared>>
      tpu.enqueue_dma source(%dma_start3A_40 : memref<640x128xf32, #tpu.memory_space<vmem_shared>>) target(%dma_start3A_38 : memref<640x128xf32, #tpu.memory_space<hbm>>) target_semaphore(%run_scoped3A : memref<!tpu.dma_semaphore, #tpu.memory_space<semaphore_mem>>)
      %dma_wait3A = arith.constant 0 : i32
      %dma_wait3A_41 = tpu.memref_slice %arg3[%arg0, %multiple_of3A, %dma_wait3A] : memref<2x10240x128xf32, #tpu.memory_space<hbm>> -> memref<1x640x128xf32, #tpu.memory_space<hbm>>
      %dma_wait3A_42 = tpu.memref_squeeze %dma_wait3A_41 : memref<1x640x128xf32, #tpu.memory_space<hbm>> -> memref<640x128xf32, #tpu.memory_space<hbm>>
      %dma_wait3A_43 = arith.constant 0 : i32
      %dma_wait3A_44 = tpu.memref_slice %arg6[%multiple_of3A, %dma_wait3A_43] : memref<10240x128xf32, #tpu.memory_space<vmem_shared>> -> memref<640x128xf32, #tpu.memory_space<vmem_shared>>
      tpu.wait_dma2 semaphore(%run_scoped3A : memref<!tpu.dma_semaphore, #tpu.memory_space<semaphore_mem>>) src(%dma_wait3A_44 : memref<640x128xf32, #tpu.memory_space<vmem_shared>>) dst(%dma_wait3A_42 : memref<640x128xf32, #tpu.memory_space<hbm>>)
      tpu.yield
    }) : () -> ()
    return
  }
}

#map = affine_map<(d0, d1) -> (0, 0)>
#map1 = affine_map<(d0, d1) -> (0, 0, 0)>
module attributes {stable_mosaic.version = 14 : i64} {
  func.func @_edge_scatter(%arg0: i32, %arg1: i32, %arg2: memref<10240x128xf32, #tpu.memory_space<hbm>>, %arg3: memref<2560x128xi32, #tpu.memory_space<hbm>>, %arg4: memref<2560x128xi32, #tpu.memory_space<hbm>>, %arg5: memref<2x10240x128xf32, #tpu.memory_space<hbm>>, %arg6: memref<40x128xi32, #tpu.memory_space<vmem>>, %arg7: memref<40x128xi32, #tpu.memory_space<vmem>>, %arg8: memref<128x128xf32, #tpu.memory_space<vmem>>, %arg9: memref<128x128xf32, #tpu.memory_space<vmem>>, %arg10: memref<10240x128xf32, #tpu.memory_space<vmem_shared>>, %arg11: memref<!tpu.dma_semaphore, #tpu.memory_space<semaphore_mem>>, %arg12: memref<!tpu.dma_semaphore, #tpu.memory_space<semaphore_mem>>) attributes {dimension_semantics = [#tpu.dimension_semantics<core_parallel>, #tpu.dimension_semantics<subcore_parallel>], iteration_bounds = array<i64: 2, 16>, scalar_prefetch = 0 : i64, scratch_operands = 7 : i64, tpu.core_type = #tpu.core_type<sc_vector_subcore>, window_params = [{transform_indices = #map}, {transform_indices = #map}, {transform_indices = #map}, {transform_indices = #map1}]} {
    %mul3A = arith.constant 16 : i32
    %mul3A_0 = arith.muli %arg0, %mul3A : i32
    %add3A = arith.addi %mul3A_0, %arg1 : i32
    %mul3A_1 = arith.constant 640 : i32
    %mul3A_2 = arith.muli %arg1, %mul3A_1 : i32
    %multiple_of3A = tpu.assume_multiple %mul3A_2, 8 : i32
    %broadcast_in_dim3A = arith.constant 0.000000e+00 : f32
    %broadcast_in_dim3A_3 = vector.broadcast %broadcast_in_dim3A : f32 to vector<16xf32>
    %scan3A = arith.constant 0 : i32
    %scan3A_4 = arith.constant 0 : i32
    %scan3A_5 = arith.constant 128 : i32
    %scan3A_6 = arith.addi %scan3A_4, %scan3A_5 : i32
    %scan3A_7 = arith.constant 1 : i32
    scf.for %scan3A_69 = %scan3A_4 to %scan3A_6 step %scan3A_7  : i32 {
      %swap3A = arith.index_cast %scan3A_69 : i32 to index
      %swap3A_70 = arith.constant 0 : index
      %swap3A_71 = tpu.vector_load %arg8[%swap3A, %swap3A_70] {strides = array<i32>} : memref<128x128xf32, #tpu.memory_space<vmem>>, vector<1x16xf32>,
      %swap3A_72 = vector.shape_cast %swap3A_71 : vector<1x16xf32> to vector<16xf32>
      %swap3A_73 = vector.shape_cast %broadcast_in_dim3A_3 : vector<16xf32> to vector<1x16xf32>
      tpu.vector_store %arg8[%swap3A, %swap3A_70], %swap3A_73 {strides = array<i32>} : memref<128x128xf32, #tpu.memory_space<vmem>>, vector<1x16xf32>,
      %swap3A_74 = arith.index_cast %scan3A_69 : i32 to index
      %swap3A_75 = arith.constant 16 : index
      %swap3A_76 = tpu.vector_load %arg8[%swap3A_74, %swap3A_75] {strides = array<i32>} : memref<128x128xf32, #tpu.memory_space<vmem>>, vector<1x16xf32>,
      %swap3A_77 = vector.shape_cast %swap3A_76 : vector<1x16xf32> to vector<16xf32>
      %swap3A_78 = vector.shape_cast %broadcast_in_dim3A_3 : vector<16xf32> to vector<1x16xf32>
      tpu.vector_store %arg8[%swap3A_74, %swap3A_75], %swap3A_78 {strides = array<i32>} : memref<128x128xf32, #tpu.memory_space<vmem>>, vector<1x16xf32>,
      %swap3A_79 = arith.index_cast %scan3A_69 : i32 to index
      %swap3A_80 = arith.constant 32 : index
      %swap3A_81 = tpu.vector_load %arg8[%swap3A_79, %swap3A_80] {strides = array<i32>} : memref<128x128xf32, #tpu.memory_space<vmem>>, vector<1x16xf32>,
      %swap3A_82 = vector.shape_cast %swap3A_81 : vector<1x16xf32> to vector<16xf32>
      %swap3A_83 = vector.shape_cast %broadcast_in_dim3A_3 : vector<16xf32> to vector<1x16xf32>
      tpu.vector_store %arg8[%swap3A_79, %swap3A_80], %swap3A_83 {strides = array<i32>} : memref<128x128xf32, #tpu.memory_space<vmem>>, vector<1x16xf32>,
      %swap3A_84 = arith.index_cast %scan3A_69 : i32 to index
      %swap3A_85 = arith.constant 48 : index
      %swap3A_86 = tpu.vector_load %arg8[%swap3A_84, %swap3A_85] {strides = array<i32>} : memref<128x128xf32, #tpu.memory_space<vmem>>, vector<1x16xf32>,
      %swap3A_87 = vector.shape_cast %swap3A_86 : vector<1x16xf32> to vector<16xf32>
      %swap3A_88 = vector.shape_cast %broadcast_in_dim3A_3 : vector<16xf32> to vector<1x16xf32>
      tpu.vector_store %arg8[%swap3A_84, %swap3A_85], %swap3A_88 {strides = array<i32>} : memref<128x128xf32, #tpu.memory_space<vmem>>, vector<1x16xf32>,
      %swap3A_89 = arith.index_cast %scan3A_69 : i32 to index
      %swap3A_90 = arith.constant 64 : index
      %swap3A_91 = tpu.vector_load %arg8[%swap3A_89, %swap3A_90] {strides = array<i32>} : memref<128x128xf32, #tpu.memory_space<vmem>>, vector<1x16xf32>,
      %swap3A_92 = vector.shape_cast %swap3A_91 : vector<1x16xf32> to vector<16xf32>
      %swap3A_93 = vector.shape_cast %broadcast_in_dim3A_3 : vector<16xf32> to vector<1x16xf32>
      tpu.vector_store %arg8[%swap3A_89, %swap3A_90], %swap3A_93 {strides = array<i32>} : memref<128x128xf32, #tpu.memory_space<vmem>>, vector<1x16xf32>,
      %swap3A_94 = arith.index_cast %scan3A_69 : i32 to index
      %swap3A_95 = arith.constant 80 : index
      %swap3A_96 = tpu.vector_load %arg8[%swap3A_94, %swap3A_95] {strides = array<i32>} : memref<128x128xf32, #tpu.memory_space<vmem>>, vector<1x16xf32>,
      %swap3A_97 = vector.shape_cast %swap3A_96 : vector<1x16xf32> to vector<16xf32>
      %swap3A_98 = vector.shape_cast %broadcast_in_dim3A_3 : vector<16xf32> to vector<1x16xf32>
      tpu.vector_store %arg8[%swap3A_94, %swap3A_95], %swap3A_98 {strides = array<i32>} : memref<128x128xf32, #tpu.memory_space<vmem>>, vector<1x16xf32>,
      %swap3A_99 = arith.index_cast %scan3A_69 : i32 to index
      %swap3A_100 = arith.constant 96 : index
      %swap3A_101 = tpu.vector_load %arg8[%swap3A_99, %swap3A_100] {strides = array<i32>} : memref<128x128xf32, #tpu.memory_space<vmem>>, vector<1x16xf32>,
      %swap3A_102 = vector.shape_cast %swap3A_101 : vector<1x16xf32> to vector<16xf32>
      %swap3A_103 = vector.shape_cast %broadcast_in_dim3A_3 : vector<16xf32> to vector<1x16xf32>
      tpu.vector_store %arg8[%swap3A_99, %swap3A_100], %swap3A_103 {strides = array<i32>} : memref<128x128xf32, #tpu.memory_space<vmem>>, vector<1x16xf32>,
      %swap3A_104 = arith.index_cast %scan3A_69 : i32 to index
      %swap3A_105 = arith.constant 112 : index
      %swap3A_106 = tpu.vector_load %arg8[%swap3A_104, %swap3A_105] {strides = array<i32>} : memref<128x128xf32, #tpu.memory_space<vmem>>, vector<1x16xf32>,
      %swap3A_107 = vector.shape_cast %swap3A_106 : vector<1x16xf32> to vector<16xf32>
      %swap3A_108 = vector.shape_cast %broadcast_in_dim3A_3 : vector<16xf32> to vector<1x16xf32>
      tpu.vector_store %arg8[%swap3A_104, %swap3A_105], %swap3A_108 {strides = array<i32>} : memref<128x128xf32, #tpu.memory_space<vmem>>, vector<1x16xf32>,
    }
    %scan3A_8 = arith.constant 128 : i32
    %add3A_9 = arith.constant 0 : i32
    %add3A_10 = arith.addi %multiple_of3A, %add3A_9 : i32
    "tpu.region"() ({
      %run_scoped3A = tpu.sem_alloc : memref<!tpu.dma_semaphore, #tpu.memory_space<semaphore_mem>>
      %dma_start3A_69 = arith.constant 0 : i32
      %dma_start3A_70 = tpu.memref_slice %arg10[%add3A_10, %dma_start3A_69] : memref<10240x128xf32, #tpu.memory_space<vmem_shared>> -> memref<128x128xf32, #tpu.memory_space<vmem_shared>>
      %dma_start3A_71 = arith.constant 0 : i32
      %dma_start3A_72 = tpu.memref_slice %arg10[%add3A_10, %dma_start3A_71] : memref<10240x128xf32, #tpu.memory_space<vmem_shared>> -> memref<128x128xf32, #tpu.memory_space<vmem_shared>>
      tpu.enqueue_dma source(%arg8 : memref<128x128xf32, #tpu.memory_space<vmem>>) target(%dma_start3A_72 : memref<128x128xf32, #tpu.memory_space<vmem_shared>>) target_semaphore(%run_scoped3A : memref<!tpu.dma_semaphore, #tpu.memory_space<semaphore_mem>>)
      %dma_wait3A = arith.constant 0 : i32
      %dma_wait3A_73 = tpu.memref_slice %arg10[%add3A_10, %dma_wait3A] : memref<10240x128xf32, #tpu.memory_space<vmem_shared>> -> memref<128x128xf32, #tpu.memory_space<vmem_shared>>
      %dma_wait3A_74 = arith.constant 0 : i32
      %dma_wait3A_75 = tpu.memref_slice %arg10[%add3A_10, %dma_wait3A_74] : memref<10240x128xf32, #tpu.memory_space<vmem_shared>> -> memref<128x128xf32, #tpu.memory_space<vmem_shared>>
      tpu.wait_dma2 semaphore(%run_scoped3A : memref<!tpu.dma_semaphore, #tpu.memory_space<semaphore_mem>>) src(%arg8 : memref<128x128xf32, #tpu.memory_space<vmem>>) dst(%dma_wait3A_75 : memref<128x128xf32, #tpu.memory_space<vmem_shared>>)
      tpu.yield
    }) : () -> ()
    %add3A_11 = arith.constant 128 : i32
    %add3A_12 = arith.addi %multiple_of3A, %add3A_11 : i32
    "tpu.region"() ({
      %run_scoped3A = tpu.sem_alloc : memref<!tpu.dma_semaphore, #tpu.memory_space<semaphore_mem>>
      %dma_start3A_69 = arith.constant 0 : i32
      %dma_start3A_70 = tpu.memref_slice %arg10[%add3A_12, %dma_start3A_69] : memref<10240x128xf32, #tpu.memory_space<vmem_shared>> -> memref<128x128xf32, #tpu.memory_space<vmem_shared>>
      %dma_start3A_71 = arith.constant 0 : i32
      %dma_start3A_72 = tpu.memref_slice %arg10[%add3A_12, %dma_start3A_71] : memref<10240x128xf32, #tpu.memory_space<vmem_shared>> -> memref<128x128xf32, #tpu.memory_space<vmem_shared>>
      tpu.enqueue_dma source(%arg8 : memref<128x128xf32, #tpu.memory_space<vmem>>) target(%dma_start3A_72 : memref<128x128xf32, #tpu.memory_space<vmem_shared>>) target_semaphore(%run_scoped3A : memref<!tpu.dma_semaphore, #tpu.memory_space<semaphore_mem>>)
      %dma_wait3A = arith.constant 0 : i32
      %dma_wait3A_73 = tpu.memref_slice %arg10[%add3A_12, %dma_wait3A] : memref<10240x128xf32, #tpu.memory_space<vmem_shared>> -> memref<128x128xf32, #tpu.memory_space<vmem_shared>>
      %dma_wait3A_74 = arith.constant 0 : i32
      %dma_wait3A_75 = tpu.memref_slice %arg10[%add3A_12, %dma_wait3A_74] : memref<10240x128xf32, #tpu.memory_space<vmem_shared>> -> memref<128x128xf32, #tpu.memory_space<vmem_shared>>
      tpu.wait_dma2 semaphore(%run_scoped3A : memref<!tpu.dma_semaphore, #tpu.memory_space<semaphore_mem>>) src(%arg8 : memref<128x128xf32, #tpu.memory_space<vmem>>) dst(%dma_wait3A_75 : memref<128x128xf32, #tpu.memory_space<vmem_shared>>)
      tpu.yield
    }) : () -> ()
    %add3A_13 = arith.constant 256 : i32
    %add3A_14 = arith.addi %multiple_of3A, %add3A_13 : i32
    "tpu.region"() ({
      %run_scoped3A = tpu.sem_alloc : memref<!tpu.dma_semaphore, #tpu.memory_space<semaphore_mem>>
      %dma_start3A_69 = arith.constant 0 : i32
      %dma_start3A_70 = tpu.memref_slice %arg10[%add3A_14, %dma_start3A_69] : memref<10240x128xf32, #tpu.memory_space<vmem_shared>> -> memref<128x128xf32, #tpu.memory_space<vmem_shared>>
      %dma_start3A_71 = arith.constant 0 : i32
      %dma_start3A_72 = tpu.memref_slice %arg10[%add3A_14, %dma_start3A_71] : memref<10240x128xf32, #tpu.memory_space<vmem_shared>> -> memref<128x128xf32, #tpu.memory_space<vmem_shared>>
      tpu.enqueue_dma source(%arg8 : memref<128x128xf32, #tpu.memory_space<vmem>>) target(%dma_start3A_72 : memref<128x128xf32, #tpu.memory_space<vmem_shared>>) target_semaphore(%run_scoped3A : memref<!tpu.dma_semaphore, #tpu.memory_space<semaphore_mem>>)
      %dma_wait3A = arith.constant 0 : i32
      %dma_wait3A_73 = tpu.memref_slice %arg10[%add3A_14, %dma_wait3A] : memref<10240x128xf32, #tpu.memory_space<vmem_shared>> -> memref<128x128xf32, #tpu.memory_space<vmem_shared>>
      %dma_wait3A_74 = arith.constant 0 : i32
      %dma_wait3A_75 = tpu.memref_slice %arg10[%add3A_14, %dma_wait3A_74] : memref<10240x128xf32, #tpu.memory_space<vmem_shared>> -> memref<128x128xf32, #tpu.memory_space<vmem_shared>>
      tpu.wait_dma2 semaphore(%run_scoped3A : memref<!tpu.dma_semaphore, #tpu.memory_space<semaphore_mem>>) src(%arg8 : memref<128x128xf32, #tpu.memory_space<vmem>>) dst(%dma_wait3A_75 : memref<128x128xf32, #tpu.memory_space<vmem_shared>>)
      tpu.yield
    }) : () -> ()
    %add3A_15 = arith.constant 384 : i32
    %add3A_16 = arith.addi %multiple_of3A, %add3A_15 : i32
    "tpu.region"() ({
      %run_scoped3A = tpu.sem_alloc : memref<!tpu.dma_semaphore, #tpu.memory_space<semaphore_mem>>
      %dma_start3A_69 = arith.constant 0 : i32
      %dma_start3A_70 = tpu.memref_slice %arg10[%add3A_16, %dma_start3A_69] : memref<10240x128xf32, #tpu.memory_space<vmem_shared>> -> memref<128x128xf32, #tpu.memory_space<vmem_shared>>
      %dma_start3A_71 = arith.constant 0 : i32
      %dma_start3A_72 = tpu.memref_slice %arg10[%add3A_16, %dma_start3A_71] : memref<10240x128xf32, #tpu.memory_space<vmem_shared>> -> memref<128x128xf32, #tpu.memory_space<vmem_shared>>
      tpu.enqueue_dma source(%arg8 : memref<128x128xf32, #tpu.memory_space<vmem>>) target(%dma_start3A_72 : memref<128x128xf32, #tpu.memory_space<vmem_shared>>) target_semaphore(%run_scoped3A : memref<!tpu.dma_semaphore, #tpu.memory_space<semaphore_mem>>)
      %dma_wait3A = arith.constant 0 : i32
      %dma_wait3A_73 = tpu.memref_slice %arg10[%add3A_16, %dma_wait3A] : memref<10240x128xf32, #tpu.memory_space<vmem_shared>> -> memref<128x128xf32, #tpu.memory_space<vmem_shared>>
      %dma_wait3A_74 = arith.constant 0 : i32
      %dma_wait3A_75 = tpu.memref_slice %arg10[%add3A_16, %dma_wait3A_74] : memref<10240x128xf32, #tpu.memory_space<vmem_shared>> -> memref<128x128xf32, #tpu.memory_space<vmem_shared>>
      tpu.wait_dma2 semaphore(%run_scoped3A : memref<!tpu.dma_semaphore, #tpu.memory_space<semaphore_mem>>) src(%arg8 : memref<128x128xf32, #tpu.memory_space<vmem>>) dst(%dma_wait3A_75 : memref<128x128xf32, #tpu.memory_space<vmem_shared>>)
      tpu.yield
    }) : () -> ()
    %add3A_17 = arith.constant 512 : i32
    %add3A_18 = arith.addi %multiple_of3A, %add3A_17 : i32
    "tpu.region"() ({
      %run_scoped3A = tpu.sem_alloc : memref<!tpu.dma_semaphore, #tpu.memory_space<semaphore_mem>>
      %dma_start3A_69 = arith.constant 0 : i32
      %dma_start3A_70 = tpu.memref_slice %arg10[%add3A_18, %dma_start3A_69] : memref<10240x128xf32, #tpu.memory_space<vmem_shared>> -> memref<128x128xf32, #tpu.memory_space<vmem_shared>>
      %dma_start3A_71 = arith.constant 0 : i32
      %dma_start3A_72 = tpu.memref_slice %arg10[%add3A_18, %dma_start3A_71] : memref<10240x128xf32, #tpu.memory_space<vmem_shared>> -> memref<128x128xf32, #tpu.memory_space<vmem_shared>>
      tpu.enqueue_dma source(%arg8 : memref<128x128xf32, #tpu.memory_space<vmem>>) target(%dma_start3A_72 : memref<128x128xf32, #tpu.memory_space<vmem_shared>>) target_semaphore(%run_scoped3A : memref<!tpu.dma_semaphore, #tpu.memory_space<semaphore_mem>>)
      %dma_wait3A = arith.constant 0 : i32
      %dma_wait3A_73 = tpu.memref_slice %arg10[%add3A_18, %dma_wait3A] : memref<10240x128xf32, #tpu.memory_space<vmem_shared>> -> memref<128x128xf32, #tpu.memory_space<vmem_shared>>
      %dma_wait3A_74 = arith.constant 0 : i32
      %dma_wait3A_75 = tpu.memref_slice %arg10[%add3A_18, %dma_wait3A_74] : memref<10240x128xf32, #tpu.memory_space<vmem_shared>> -> memref<128x128xf32, #tpu.memory_space<vmem_shared>>
      tpu.wait_dma2 semaphore(%run_scoped3A : memref<!tpu.dma_semaphore, #tpu.memory_space<semaphore_mem>>) src(%arg8 : memref<128x128xf32, #tpu.memory_space<vmem>>) dst(%dma_wait3A_75 : memref<128x128xf32, #tpu.memory_space<vmem_shared>>)
      tpu.yield
    }) : () -> ()
    %barrier3A = arith.constant 0 : index
    tpu.barrier barrier_id(%barrier3A)
    %mul3A_19 = arith.constant 80 : i32
    %mul3A_20 = arith.muli %add3A, %mul3A_19 : i32
    %add3A_21 = arith.constant 0 : i32
    %add3A_22 = arith.addi %mul3A_20, %add3A_21 : i32
    %multiple_of3A_23 = tpu.assume_multiple %add3A_22, 8 : i32
    "tpu.region"() ({
      %run_scoped3A = tpu.sem_alloc : memref<!tpu.dma_semaphore, #tpu.memory_space<semaphore_mem>>
      %dma_start3A_69 = arith.constant 0 : i32
      %dma_start3A_70 = tpu.memref_slice %arg3[%multiple_of3A_23, %dma_start3A_69] : memref<2560x128xi32, #tpu.memory_space<hbm>> -> memref<40x128xi32, #tpu.memory_space<hbm>>
      %dma_start3A_71 = arith.constant 0 : i32
      %dma_start3A_72 = tpu.memref_slice %arg3[%multiple_of3A_23, %dma_start3A_71] : memref<2560x128xi32, #tpu.memory_space<hbm>> -> memref<40x128xi32, #tpu.memory_space<hbm>>
      tpu.enqueue_dma source(%dma_start3A_72 : memref<40x128xi32, #tpu.memory_space<hbm>>) target(%arg6 : memref<40x128xi32, #tpu.memory_space<vmem>>) target_semaphore(%run_scoped3A : memref<!tpu.dma_semaphore, #tpu.memory_space<semaphore_mem>>)
      %dma_wait3A = arith.constant 0 : i32
      %dma_wait3A_73 = tpu.memref_slice %arg3[%multiple_of3A_23, %dma_wait3A] : memref<2560x128xi32, #tpu.memory_space<hbm>> -> memref<40x128xi32, #tpu.memory_space<hbm>>
      %dma_wait3A_74 = arith.constant 0 : i32
      %dma_wait3A_75 = tpu.memref_slice %arg3[%multiple_of3A_23, %dma_wait3A_74] : memref<2560x128xi32, #tpu.memory_space<hbm>> -> memref<40x128xi32, #tpu.memory_space<hbm>>
      tpu.wait_dma2 semaphore(%run_scoped3A : memref<!tpu.dma_semaphore, #tpu.memory_space<semaphore_mem>>) src(%dma_wait3A_75 : memref<40x128xi32, #tpu.memory_space<hbm>>) dst(%arg6 : memref<40x128xi32, #tpu.memory_space<vmem>>)
      tpu.yield
    }) : () -> ()
    "tpu.region"() ({
      %run_scoped3A = tpu.sem_alloc : memref<!tpu.dma_semaphore, #tpu.memory_space<semaphore_mem>>
      %dma_start3A_69 = arith.constant 0 : i32
      %dma_start3A_70 = tpu.memref_slice %arg4[%multiple_of3A_23, %dma_start3A_69] : memref<2560x128xi32, #tpu.memory_space<hbm>> -> memref<40x128xi32, #tpu.memory_space<hbm>>
      %dma_start3A_71 = arith.constant 0 : i32
      %dma_start3A_72 = tpu.memref_slice %arg4[%multiple_of3A_23, %dma_start3A_71] : memref<2560x128xi32, #tpu.memory_space<hbm>> -> memref<40x128xi32, #tpu.memory_space<hbm>>
      tpu.enqueue_dma source(%dma_start3A_72 : memref<40x128xi32, #tpu.memory_space<hbm>>) target(%arg7 : memref<40x128xi32, #tpu.memory_space<vmem>>) target_semaphore(%run_scoped3A : memref<!tpu.dma_semaphore, #tpu.memory_space<semaphore_mem>>)
      %dma_wait3A = arith.constant 0 : i32
      %dma_wait3A_73 = tpu.memref_slice %arg4[%multiple_of3A_23, %dma_wait3A] : memref<2560x128xi32, #tpu.memory_space<hbm>> -> memref<40x128xi32, #tpu.memory_space<hbm>>
      %dma_wait3A_74 = arith.constant 0 : i32
      %dma_wait3A_75 = tpu.memref_slice %arg4[%multiple_of3A_23, %dma_wait3A_74] : memref<2560x128xi32, #tpu.memory_space<hbm>> -> memref<40x128xi32, #tpu.memory_space<hbm>>
      tpu.wait_dma2 semaphore(%run_scoped3A : memref<!tpu.dma_semaphore, #tpu.memory_space<semaphore_mem>>) src(%dma_wait3A_75 : memref<40x128xi32, #tpu.memory_space<hbm>>) dst(%arg7 : memref<40x128xi32, #tpu.memory_space<vmem>>)
      tpu.yield
    }) : () -> ()
    %dma_start3A = arith.constant 0 : i32
    %dma_start3A_24 = arith.constant 0 : i32
    %dma_start3A_25 = tpu.memref_slice %arg6[%dma_start3A, %dma_start3A_24] : memref<40x128xi32, #tpu.memory_space<vmem>> -> memref<1x128xi32, #tpu.memory_space<vmem>>
    %dma_start3A_26 = tpu.memref_squeeze %dma_start3A_25 : memref<1x128xi32, #tpu.memory_space<vmem>> -> memref<128xi32, #tpu.memory_space<vmem>>
    %dma_start3A_27 = arith.constant 0 : i32
    %dma_start3A_28 = arith.constant 0 : i32
    %dma_start3A_29 = tpu.memref_slice %arg2[%dma_start3A_27, %dma_start3A_28] : memref<10240x128xf32, #tpu.memory_space<hbm>> -> memref<10240x128xf32, #tpu.memory_space<hbm>>
    tpu.enqueue_indirect_dma source(%dma_start3A_29 : memref<10240x128xf32, #tpu.memory_space<hbm>>) target(%arg8 : memref<128x128xf32, #tpu.memory_space<vmem>>) offsets(%dma_start3A_26 : memref<128xi32, #tpu.memory_space<vmem>>) semaphore(%arg11 : memref<!tpu.dma_semaphore, #tpu.memory_space<semaphore_mem>>)
    %dma_start3A_30 = arith.constant 1 : i32
    %dma_start3A_31 = arith.constant 0 : i32
    %dma_start3A_32 = tpu.memref_slice %arg6[%dma_start3A_30, %dma_start3A_31] : memref<40x128xi32, #tpu.memory_space<vmem>> -> memref<1x128xi32, #tpu.memory_space<vmem>>
    %dma_start3A_33 = tpu.memref_squeeze %dma_start3A_32 : memref<1x128xi32, #tpu.memory_space<vmem>> -> memref<128xi32, #tpu.memory_space<vmem>>
    %dma_start3A_34 = arith.constant 0 : i32
    %dma_start3A_35 = arith.constant 0 : i32
    %dma_start3A_36 = tpu.memref_slice %arg2[%dma_start3A_34, %dma_start3A_35] : memref<10240x128xf32, #tpu.memory_space<hbm>> -> memref<10240x128xf32, #tpu.memory_space<hbm>>
    tpu.enqueue_indirect_dma source(%dma_start3A_36 : memref<10240x128xf32, #tpu.memory_space<hbm>>) target(%arg9 : memref<128x128xf32, #tpu.memory_space<vmem>>) offsets(%dma_start3A_33 : memref<128xi32, #tpu.memory_space<vmem>>) semaphore(%arg12 : memref<!tpu.dma_semaphore, #tpu.memory_space<semaphore_mem>>)
    %scan3A_37 = arith.constant 0 : i32
    %scan3A_38 = arith.constant 0 : i32
    %scan3A_39 = arith.constant 20 : i32
    %scan3A_40 = arith.addi %scan3A_38, %scan3A_39 : i32
    %scan3A_41 = arith.constant 1 : i32
    scf.for %scan3A_69 = %scan3A_38 to %scan3A_40 step %scan3A_41  : i32 {
      %mul3A_70 = arith.constant 2 : i32
      %mul3A_71 = arith.muli %mul3A_70, %scan3A_69 : i32
      %add3A_72 = arith.constant 0 : i32
      %add3A_73 = arith.addi %mul3A_71, %add3A_72 : i32
      %dma_wait3A = arith.constant 0 : i32
      %dma_wait3A_74 = tpu.memref_slice %arg6[%add3A_73, %dma_wait3A] : memref<40x128xi32, #tpu.memory_space<vmem>> -> memref<1x128xi32, #tpu.memory_space<vmem>>
      %dma_wait3A_75 = tpu.memref_squeeze %dma_wait3A_74 : memref<1x128xi32, #tpu.memory_space<vmem>> -> memref<128xi32, #tpu.memory_space<vmem>>
      %dma_wait3A_76 = arith.constant 0 : i32
      %dma_wait3A_77 = arith.constant 0 : i32
      %dma_wait3A_78 = tpu.memref_slice %arg2[%dma_wait3A_76, %dma_wait3A_77] : memref<10240x128xf32, #tpu.memory_space<hbm>> -> memref<10240x128xf32, #tpu.memory_space<hbm>>
      tpu.wait_indirect_dma semaphore(%arg11 : memref<!tpu.dma_semaphore, #tpu.memory_space<semaphore_mem>>) src(%dma_wait3A_78 : memref<10240x128xf32, #tpu.memory_space<hbm>>) dst(%arg8 : memref<128x128xf32, #tpu.memory_space<vmem>>)
      "tpu.region"() ({
        %run_scoped3A = tpu.sem_alloc : memref<!tpu.dma_semaphore, #tpu.memory_space<semaphore_mem>>
        %dma_start3A_96 = arith.constant 0 : i32
        %dma_start3A_97 = tpu.memref_slice %arg7[%add3A_73, %dma_start3A_96] : memref<40x128xi32, #tpu.memory_space<vmem>> -> memref<1x128xi32, #tpu.memory_space<vmem>>
        %dma_start3A_98 = tpu.memref_squeeze %dma_start3A_97 : memref<1x128xi32, #tpu.memory_space<vmem>> -> memref<128xi32, #tpu.memory_space<vmem>>
        %dma_start3A_99 = arith.constant 0 : i32
        %dma_start3A_100 = arith.constant 0 : i32
        %dma_start3A_101 = tpu.memref_slice %arg10[%dma_start3A_99, %dma_start3A_100] : memref<10240x128xf32, #tpu.memory_space<vmem_shared>> -> memref<10240x128xf32, #tpu.memory_space<vmem_shared>>
        tpu.enqueue_indirect_dma source(%arg8 : memref<128x128xf32, #tpu.memory_space<vmem>>) target(%dma_start3A_101 : memref<10240x128xf32, #tpu.memory_space<vmem_shared>>) offsets(%dma_start3A_98 : memref<128xi32, #tpu.memory_space<vmem>>) semaphore(%run_scoped3A : memref<!tpu.dma_semaphore, #tpu.memory_space<semaphore_mem>>) {add = true}
        %dma_wait3A_102 = arith.constant 0 : i32
        %dma_wait3A_103 = tpu.memref_slice %arg7[%add3A_73, %dma_wait3A_102] : memref<40x128xi32, #tpu.memory_space<vmem>> -> memref<1x128xi32, #tpu.memory_space<vmem>>
        %dma_wait3A_104 = tpu.memref_squeeze %dma_wait3A_103 : memref<1x128xi32, #tpu.memory_space<vmem>> -> memref<128xi32, #tpu.memory_space<vmem>>
        %dma_wait3A_105 = arith.constant 0 : i32
        %dma_wait3A_106 = arith.constant 0 : i32
        %dma_wait3A_107 = tpu.memref_slice %arg10[%dma_wait3A_105, %dma_wait3A_106] : memref<10240x128xf32, #tpu.memory_space<vmem_shared>> -> memref<10240x128xf32, #tpu.memory_space<vmem_shared>>
        tpu.wait_indirect_dma semaphore(%run_scoped3A : memref<!tpu.dma_semaphore, #tpu.memory_space<semaphore_mem>>) src(%arg8 : memref<128x128xf32, #tpu.memory_space<vmem>>) dst(%dma_wait3A_107 : memref<10240x128xf32, #tpu.memory_space<vmem_shared>>)
        tpu.yield
      }) : () -> ()
      %lt3A = arith.constant 19 : i32
      %lt3A_79 = arith.cmpi slt, %scan3A_69, %lt3A : i32
      %convert_element_type3A = arith.extui %lt3A_79 : i1 to i32
      %cond3A = arith.constant 0 : i32
      %cond3A_80 = arith.cmpi ne, %convert_element_type3A, %cond3A : i32
      scf.if %cond3A_80 {
        %add3A_96 = arith.constant 2 : i32
        %add3A_97 = arith.addi %add3A_73, %add3A_96 : i32
        %dma_start3A_98 = arith.constant 0 : i32
        %dma_start3A_99 = tpu.memref_slice %arg6[%add3A_97, %dma_start3A_98] : memref<40x128xi32, #tpu.memory_space<vmem>> -> memref<1x128xi32, #tpu.memory_space<vmem>>
        %dma_start3A_100 = tpu.memref_squeeze %dma_start3A_99 : memref<1x128xi32, #tpu.memory_space<vmem>> -> memref<128xi32, #tpu.memory_space<vmem>>
        %dma_start3A_101 = arith.constant 0 : i32
        %dma_start3A_102 = arith.constant 0 : i32
        %dma_start3A_103 = tpu.memref_slice %arg2[%dma_start3A_101, %dma_start3A_102] : memref<10240x128xf32, #tpu.memory_space<hbm>> -> memref<10240x128xf32, #tpu.memory_space<hbm>>
        tpu.enqueue_indirect_dma source(%dma_start3A_103 : memref<10240x128xf32, #tpu.memory_space<hbm>>) target(%arg8 : memref<128x128xf32, #tpu.memory_space<vmem>>) offsets(%dma_start3A_100 : memref<128xi32, #tpu.memory_space<vmem>>) semaphore(%arg11 : memref<!tpu.dma_semaphore, #tpu.memory_space<semaphore_mem>>)
      } else {
      }
      %mul3A_81 = arith.constant 2 : i32
      %mul3A_82 = arith.muli %mul3A_81, %scan3A_69 : i32
      %add3A_83 = arith.constant 1 : i32
      %add3A_84 = arith.addi %mul3A_82, %add3A_83 : i32
      %dma_wait3A_85 = arith.constant 0 : i32
      %dma_wait3A_86 = tpu.memref_slice %arg6[%add3A_84, %dma_wait3A_85] : memref<40x128xi32, #tpu.memory_space<vmem>> -> memref<1x128xi32, #tpu.memory_space<vmem>>
      %dma_wait3A_87 = tpu.memref_squeeze %dma_wait3A_86 : memref<1x128xi32, #tpu.memory_space<vmem>> -> memref<128xi32, #tpu.memory_space<vmem>>
      %dma_wait3A_88 = arith.constant 0 : i32
      %dma_wait3A_89 = arith.constant 0 : i32
      %dma_wait3A_90 = tpu.memref_slice %arg2[%dma_wait3A_88, %dma_wait3A_89] : memref<10240x128xf32, #tpu.memory_space<hbm>> -> memref<10240x128xf32, #tpu.memory_space<hbm>>
      tpu.wait_indirect_dma semaphore(%arg12 : memref<!tpu.dma_semaphore, #tpu.memory_space<semaphore_mem>>) src(%dma_wait3A_90 : memref<10240x128xf32, #tpu.memory_space<hbm>>) dst(%arg9 : memref<128x128xf32, #tpu.memory_space<vmem>>)
      "tpu.region"() ({
        %run_scoped3A = tpu.sem_alloc : memref<!tpu.dma_semaphore, #tpu.memory_space<semaphore_mem>>
        %dma_start3A_96 = arith.constant 0 : i32
        %dma_start3A_97 = tpu.memref_slice %arg7[%add3A_84, %dma_start3A_96] : memref<40x128xi32, #tpu.memory_space<vmem>> -> memref<1x128xi32, #tpu.memory_space<vmem>>
        %dma_start3A_98 = tpu.memref_squeeze %dma_start3A_97 : memref<1x128xi32, #tpu.memory_space<vmem>> -> memref<128xi32, #tpu.memory_space<vmem>>
        %dma_start3A_99 = arith.constant 0 : i32
        %dma_start3A_100 = arith.constant 0 : i32
        %dma_start3A_101 = tpu.memref_slice %arg10[%dma_start3A_99, %dma_start3A_100] : memref<10240x128xf32, #tpu.memory_space<vmem_shared>> -> memref<10240x128xf32, #tpu.memory_space<vmem_shared>>
        tpu.enqueue_indirect_dma source(%arg9 : memref<128x128xf32, #tpu.memory_space<vmem>>) target(%dma_start3A_101 : memref<10240x128xf32, #tpu.memory_space<vmem_shared>>) offsets(%dma_start3A_98 : memref<128xi32, #tpu.memory_space<vmem>>) semaphore(%run_scoped3A : memref<!tpu.dma_semaphore, #tpu.memory_space<semaphore_mem>>) {add = true}
        %dma_wait3A_102 = arith.constant 0 : i32
        %dma_wait3A_103 = tpu.memref_slice %arg7[%add3A_84, %dma_wait3A_102] : memref<40x128xi32, #tpu.memory_space<vmem>> -> memref<1x128xi32, #tpu.memory_space<vmem>>
        %dma_wait3A_104 = tpu.memref_squeeze %dma_wait3A_103 : memref<1x128xi32, #tpu.memory_space<vmem>> -> memref<128xi32, #tpu.memory_space<vmem>>
        %dma_wait3A_105 = arith.constant 0 : i32
        %dma_wait3A_106 = arith.constant 0 : i32
        %dma_wait3A_107 = tpu.memref_slice %arg10[%dma_wait3A_105, %dma_wait3A_106] : memref<10240x128xf32, #tpu.memory_space<vmem_shared>> -> memref<10240x128xf32, #tpu.memory_space<vmem_shared>>
        tpu.wait_indirect_dma semaphore(%run_scoped3A : memref<!tpu.dma_semaphore, #tpu.memory_space<semaphore_mem>>) src(%arg9 : memref<128x128xf32, #tpu.memory_space<vmem>>) dst(%dma_wait3A_107 : memref<10240x128xf32, #tpu.memory_space<vmem_shared>>)
        tpu.yield
      }) : () -> ()
      %lt3A_91 = arith.constant 19 : i32
      %lt3A_92 = arith.cmpi slt, %scan3A_69, %lt3A_91 : i32
      %convert_element_type3A_93 = arith.extui %lt3A_92 : i1 to i32
      %cond3A_94 = arith.constant 0 : i32
      %cond3A_95 = arith.cmpi ne, %convert_element_type3A_93, %cond3A_94 : i32
      scf.if %cond3A_95 {
        %add3A_96 = arith.constant 2 : i32
        %add3A_97 = arith.addi %add3A_84, %add3A_96 : i32
        %dma_start3A_98 = arith.constant 0 : i32
        %dma_start3A_99 = tpu.memref_slice %arg6[%add3A_97, %dma_start3A_98] : memref<40x128xi32, #tpu.memory_space<vmem>> -> memref<1x128xi32, #tpu.memory_space<vmem>>
        %dma_start3A_100 = tpu.memref_squeeze %dma_start3A_99 : memref<1x128xi32, #tpu.memory_space<vmem>> -> memref<128xi32, #tpu.memory_space<vmem>>
        %dma_start3A_101 = arith.constant 0 : i32
        %dma_start3A_102 = arith.constant 0 : i32
        %dma_start3A_103 = tpu.memref_slice %arg2[%dma_start3A_101, %dma_start3A_102] : memref<10240x128xf32, #tpu.memory_space<hbm>> -> memref<10240x128xf32, #tpu.memory_space<hbm>>
        tpu.enqueue_indirect_dma source(%dma_start3A_103 : memref<10240x128xf32, #tpu.memory_space<hbm>>) target(%arg9 : memref<128x128xf32, #tpu.memory_space<vmem>>) offsets(%dma_start3A_100 : memref<128xi32, #tpu.memory_space<vmem>>) semaphore(%arg12 : memref<!tpu.dma_semaphore, #tpu.memory_space<semaphore_mem>>)
      } else {
      }
    }
    %scan3A_42 = arith.constant 20 : i32
    %mul3A_43 = arith.constant 80 : i32
    %mul3A_44 = arith.muli %add3A, %mul3A_43 : i32
    %add3A_45 = arith.constant 40 : i32
    %add3A_46 = arith.addi %mul3A_44, %add3A_45 : i32
    %multiple_of3A_47 = tpu.assume_multiple %add3A_46, 8 : i32
    "tpu.region"() ({
      %run_scoped3A = tpu.sem_alloc : memref<!tpu.dma_semaphore, #tpu.memory_space<semaphore_mem>>
      %dma_start3A_69 = arith.constant 0 : i32
      %dma_start3A_70 = tpu.memref_slice %arg3[%multiple_of3A_47, %dma_start3A_69] : memref<2560x128xi32, #tpu.memory_space<hbm>> -> memref<40x128xi32, #tpu.memory_space<hbm>>
      %dma_start3A_71 = arith.constant 0 : i32
      %dma_start3A_72 = tpu.memref_slice %arg3[%multiple_of3A_47, %dma_start3A_71] : memref<2560x128xi32, #tpu.memory_space<hbm>> -> memref<40x128xi32, #tpu.memory_space<hbm>>
      tpu.enqueue_dma source(%dma_start3A_72 : memref<40x128xi32, #tpu.memory_space<hbm>>) target(%arg6 : memref<40x128xi32, #tpu.memory_space<vmem>>) target_semaphore(%run_scoped3A : memref<!tpu.dma_semaphore, #tpu.memory_space<semaphore_mem>>)
      %dma_wait3A = arith.constant 0 : i32
      %dma_wait3A_73 = tpu.memref_slice %arg3[%multiple_of3A_47, %dma_wait3A] : memref<2560x128xi32, #tpu.memory_space<hbm>> -> memref<40x128xi32, #tpu.memory_space<hbm>>
      %dma_wait3A_74 = arith.constant 0 : i32
      %dma_wait3A_75 = tpu.memref_slice %arg3[%multiple_of3A_47, %dma_wait3A_74] : memref<2560x128xi32, #tpu.memory_space<hbm>> -> memref<40x128xi32, #tpu.memory_space<hbm>>
      tpu.wait_dma2 semaphore(%run_scoped3A : memref<!tpu.dma_semaphore, #tpu.memory_space<semaphore_mem>>) src(%dma_wait3A_75 : memref<40x128xi32, #tpu.memory_space<hbm>>) dst(%arg6 : memref<40x128xi32, #tpu.memory_space<vmem>>)
      tpu.yield
    }) : () -> ()
    "tpu.region"() ({
      %run_scoped3A = tpu.sem_alloc : memref<!tpu.dma_semaphore, #tpu.memory_space<semaphore_mem>>
      %dma_start3A_69 = arith.constant 0 : i32
      %dma_start3A_70 = tpu.memref_slice %arg4[%multiple_of3A_47, %dma_start3A_69] : memref<2560x128xi32, #tpu.memory_space<hbm>> -> memref<40x128xi32, #tpu.memory_space<hbm>>
      %dma_start3A_71 = arith.constant 0 : i32
      %dma_start3A_72 = tpu.memref_slice %arg4[%multiple_of3A_47, %dma_start3A_71] : memref<2560x128xi32, #tpu.memory_space<hbm>> -> memref<40x128xi32, #tpu.memory_space<hbm>>
      tpu.enqueue_dma source(%dma_start3A_72 : memref<40x128xi32, #tpu.memory_space<hbm>>) target(%arg7 : memref<40x128xi32, #tpu.memory_space<vmem>>) target_semaphore(%run_scoped3A : memref<!tpu.dma_semaphore, #tpu.memory_space<semaphore_mem>>)
      %dma_wait3A = arith.constant 0 : i32
      %dma_wait3A_73 = tpu.memref_slice %arg4[%multiple_of3A_47, %dma_wait3A] : memref<2560x128xi32, #tpu.memory_space<hbm>> -> memref<40x128xi32, #tpu.memory_space<hbm>>
      %dma_wait3A_74 = arith.constant 0 : i32
      %dma_wait3A_75 = tpu.memref_slice %arg4[%multiple_of3A_47, %dma_wait3A_74] : memref<2560x128xi32, #tpu.memory_space<hbm>> -> memref<40x128xi32, #tpu.memory_space<hbm>>
      tpu.wait_dma2 semaphore(%run_scoped3A : memref<!tpu.dma_semaphore, #tpu.memory_space<semaphore_mem>>) src(%dma_wait3A_75 : memref<40x128xi32, #tpu.memory_space<hbm>>) dst(%arg7 : memref<40x128xi32, #tpu.memory_space<vmem>>)
      tpu.yield
    }) : () -> ()
    %dma_start3A_48 = arith.constant 0 : i32
    %dma_start3A_49 = arith.constant 0 : i32
    %dma_start3A_50 = tpu.memref_slice %arg6[%dma_start3A_48, %dma_start3A_49] : memref<40x128xi32, #tpu.memory_space<vmem>> -> memref<1x128xi32, #tpu.memory_space<vmem>>
    %dma_start3A_51 = tpu.memref_squeeze %dma_start3A_50 : memref<1x128xi32, #tpu.memory_space<vmem>> -> memref<128xi32, #tpu.memory_space<vmem>>
    %dma_start3A_52 = arith.constant 0 : i32
    %dma_start3A_53 = arith.constant 0 : i32
    %dma_start3A_54 = tpu.memref_slice %arg2[%dma_start3A_52, %dma_start3A_53] : memref<10240x128xf32, #tpu.memory_space<hbm>> -> memref<10240x128xf32, #tpu.memory_space<hbm>>
    tpu.enqueue_indirect_dma source(%dma_start3A_54 : memref<10240x128xf32, #tpu.memory_space<hbm>>) target(%arg8 : memref<128x128xf32, #tpu.memory_space<vmem>>) offsets(%dma_start3A_51 : memref<128xi32, #tpu.memory_space<vmem>>) semaphore(%arg11 : memref<!tpu.dma_semaphore, #tpu.memory_space<semaphore_mem>>)
    %dma_start3A_55 = arith.constant 1 : i32
    %dma_start3A_56 = arith.constant 0 : i32
    %dma_start3A_57 = tpu.memref_slice %arg6[%dma_start3A_55, %dma_start3A_56] : memref<40x128xi32, #tpu.memory_space<vmem>> -> memref<1x128xi32, #tpu.memory_space<vmem>>
    %dma_start3A_58 = tpu.memref_squeeze %dma_start3A_57 : memref<1x128xi32, #tpu.memory_space<vmem>> -> memref<128xi32, #tpu.memory_space<vmem>>
    %dma_start3A_59 = arith.constant 0 : i32
    %dma_start3A_60 = arith.constant 0 : i32
    %dma_start3A_61 = tpu.memref_slice %arg2[%dma_start3A_59, %dma_start3A_60] : memref<10240x128xf32, #tpu.memory_space<hbm>> -> memref<10240x128xf32, #tpu.memory_space<hbm>>
    tpu.enqueue_indirect_dma source(%dma_start3A_61 : memref<10240x128xf32, #tpu.memory_space<hbm>>) target(%arg9 : memref<128x128xf32, #tpu.memory_space<vmem>>) offsets(%dma_start3A_58 : memref<128xi32, #tpu.memory_space<vmem>>) semaphore(%arg12 : memref<!tpu.dma_semaphore, #tpu.memory_space<semaphore_mem>>)
    %scan3A_62 = arith.constant 0 : i32
    %scan3A_63 = arith.constant 0 : i32
    %scan3A_64 = arith.constant 20 : i32
    %scan3A_65 = arith.addi %scan3A_63, %scan3A_64 : i32
    %scan3A_66 = arith.constant 1 : i32
    scf.for %scan3A_69 = %scan3A_63 to %scan3A_65 step %scan3A_66  : i32 {
      %mul3A_70 = arith.constant 2 : i32
      %mul3A_71 = arith.muli %mul3A_70, %scan3A_69 : i32
      %add3A_72 = arith.constant 0 : i32
      %add3A_73 = arith.addi %mul3A_71, %add3A_72 : i32
      %dma_wait3A = arith.constant 0 : i32
      %dma_wait3A_74 = tpu.memref_slice %arg6[%add3A_73, %dma_wait3A] : memref<40x128xi32, #tpu.memory_space<vmem>> -> memref<1x128xi32, #tpu.memory_space<vmem>>
      %dma_wait3A_75 = tpu.memref_squeeze %dma_wait3A_74 : memref<1x128xi32, #tpu.memory_space<vmem>> -> memref<128xi32, #tpu.memory_space<vmem>>
      %dma_wait3A_76 = arith.constant 0 : i32
      %dma_wait3A_77 = arith.constant 0 : i32
      %dma_wait3A_78 = tpu.memref_slice %arg2[%dma_wait3A_76, %dma_wait3A_77] : memref<10240x128xf32, #tpu.memory_space<hbm>> -> memref<10240x128xf32, #tpu.memory_space<hbm>>
      tpu.wait_indirect_dma semaphore(%arg11 : memref<!tpu.dma_semaphore, #tpu.memory_space<semaphore_mem>>) src(%dma_wait3A_78 : memref<10240x128xf32, #tpu.memory_space<hbm>>) dst(%arg8 : memref<128x128xf32, #tpu.memory_space<vmem>>)
      "tpu.region"() ({
        %run_scoped3A = tpu.sem_alloc : memref<!tpu.dma_semaphore, #tpu.memory_space<semaphore_mem>>
        %dma_start3A_96 = arith.constant 0 : i32
        %dma_start3A_97 = tpu.memref_slice %arg7[%add3A_73, %dma_start3A_96] : memref<40x128xi32, #tpu.memory_space<vmem>> -> memref<1x128xi32, #tpu.memory_space<vmem>>
        %dma_start3A_98 = tpu.memref_squeeze %dma_start3A_97 : memref<1x128xi32, #tpu.memory_space<vmem>> -> memref<128xi32, #tpu.memory_space<vmem>>
        %dma_start3A_99 = arith.constant 0 : i32
        %dma_start3A_100 = arith.constant 0 : i32
        %dma_start3A_101 = tpu.memref_slice %arg10[%dma_start3A_99, %dma_start3A_100] : memref<10240x128xf32, #tpu.memory_space<vmem_shared>> -> memref<10240x128xf32, #tpu.memory_space<vmem_shared>>
        tpu.enqueue_indirect_dma source(%arg8 : memref<128x128xf32, #tpu.memory_space<vmem>>) target(%dma_start3A_101 : memref<10240x128xf32, #tpu.memory_space<vmem_shared>>) offsets(%dma_start3A_98 : memref<128xi32, #tpu.memory_space<vmem>>) semaphore(%run_scoped3A : memref<!tpu.dma_semaphore, #tpu.memory_space<semaphore_mem>>) {add = true}
        %dma_wait3A_102 = arith.constant 0 : i32
        %dma_wait3A_103 = tpu.memref_slice %arg7[%add3A_73, %dma_wait3A_102] : memref<40x128xi32, #tpu.memory_space<vmem>> -> memref<1x128xi32, #tpu.memory_space<vmem>>
        %dma_wait3A_104 = tpu.memref_squeeze %dma_wait3A_103 : memref<1x128xi32, #tpu.memory_space<vmem>> -> memref<128xi32, #tpu.memory_space<vmem>>
        %dma_wait3A_105 = arith.constant 0 : i32
        %dma_wait3A_106 = arith.constant 0 : i32
        %dma_wait3A_107 = tpu.memref_slice %arg10[%dma_wait3A_105, %dma_wait3A_106] : memref<10240x128xf32, #tpu.memory_space<vmem_shared>> -> memref<10240x128xf32, #tpu.memory_space<vmem_shared>>
        tpu.wait_indirect_dma semaphore(%run_scoped3A : memref<!tpu.dma_semaphore, #tpu.memory_space<semaphore_mem>>) src(%arg8 : memref<128x128xf32, #tpu.memory_space<vmem>>) dst(%dma_wait3A_107 : memref<10240x128xf32, #tpu.memory_space<vmem_shared>>)
        tpu.yield
      }) : () -> ()
      %lt3A = arith.constant 19 : i32
      %lt3A_79 = arith.cmpi slt, %scan3A_69, %lt3A : i32
      %convert_element_type3A = arith.extui %lt3A_79 : i1 to i32
      %cond3A = arith.constant 0 : i32
      %cond3A_80 = arith.cmpi ne, %convert_element_type3A, %cond3A : i32
      scf.if %cond3A_80 {
        %add3A_96 = arith.constant 2 : i32
        %add3A_97 = arith.addi %add3A_73, %add3A_96 : i32
        %dma_start3A_98 = arith.constant 0 : i32
        %dma_start3A_99 = tpu.memref_slice %arg6[%add3A_97, %dma_start3A_98] : memref<40x128xi32, #tpu.memory_space<vmem>> -> memref<1x128xi32, #tpu.memory_space<vmem>>
        %dma_start3A_100 = tpu.memref_squeeze %dma_start3A_99 : memref<1x128xi32, #tpu.memory_space<vmem>> -> memref<128xi32, #tpu.memory_space<vmem>>
        %dma_start3A_101 = arith.constant 0 : i32
        %dma_start3A_102 = arith.constant 0 : i32
        %dma_start3A_103 = tpu.memref_slice %arg2[%dma_start3A_101, %dma_start3A_102] : memref<10240x128xf32, #tpu.memory_space<hbm>> -> memref<10240x128xf32, #tpu.memory_space<hbm>>
        tpu.enqueue_indirect_dma source(%dma_start3A_103 : memref<10240x128xf32, #tpu.memory_space<hbm>>) target(%arg8 : memref<128x128xf32, #tpu.memory_space<vmem>>) offsets(%dma_start3A_100 : memref<128xi32, #tpu.memory_space<vmem>>) semaphore(%arg11 : memref<!tpu.dma_semaphore, #tpu.memory_space<semaphore_mem>>)
      } else {
      }
      %mul3A_81 = arith.constant 2 : i32
      %mul3A_82 = arith.muli %mul3A_81, %scan3A_69 : i32
      %add3A_83 = arith.constant 1 : i32
      %add3A_84 = arith.addi %mul3A_82, %add3A_83 : i32
      %dma_wait3A_85 = arith.constant 0 : i32
      %dma_wait3A_86 = tpu.memref_slice %arg6[%add3A_84, %dma_wait3A_85] : memref<40x128xi32, #tpu.memory_space<vmem>> -> memref<1x128xi32, #tpu.memory_space<vmem>>
      %dma_wait3A_87 = tpu.memref_squeeze %dma_wait3A_86 : memref<1x128xi32, #tpu.memory_space<vmem>> -> memref<128xi32, #tpu.memory_space<vmem>>
      %dma_wait3A_88 = arith.constant 0 : i32
      %dma_wait3A_89 = arith.constant 0 : i32
      %dma_wait3A_90 = tpu.memref_slice %arg2[%dma_wait3A_88, %dma_wait3A_89] : memref<10240x128xf32, #tpu.memory_space<hbm>> -> memref<10240x128xf32, #tpu.memory_space<hbm>>
      tpu.wait_indirect_dma semaphore(%arg12 : memref<!tpu.dma_semaphore, #tpu.memory_space<semaphore_mem>>) src(%dma_wait3A_90 : memref<10240x128xf32, #tpu.memory_space<hbm>>) dst(%arg9 : memref<128x128xf32, #tpu.memory_space<vmem>>)
      "tpu.region"() ({
        %run_scoped3A = tpu.sem_alloc : memref<!tpu.dma_semaphore, #tpu.memory_space<semaphore_mem>>
        %dma_start3A_96 = arith.constant 0 : i32
        %dma_start3A_97 = tpu.memref_slice %arg7[%add3A_84, %dma_start3A_96] : memref<40x128xi32, #tpu.memory_space<vmem>> -> memref<1x128xi32, #tpu.memory_space<vmem>>
        %dma_start3A_98 = tpu.memref_squeeze %dma_start3A_97 : memref<1x128xi32, #tpu.memory_space<vmem>> -> memref<128xi32, #tpu.memory_space<vmem>>
        %dma_start3A_99 = arith.constant 0 : i32
        %dma_start3A_100 = arith.constant 0 : i32
        %dma_start3A_101 = tpu.memref_slice %arg10[%dma_start3A_99, %dma_start3A_100] : memref<10240x128xf32, #tpu.memory_space<vmem_shared>> -> memref<10240x128xf32, #tpu.memory_space<vmem_shared>>
        tpu.enqueue_indirect_dma source(%arg9 : memref<128x128xf32, #tpu.memory_space<vmem>>) target(%dma_start3A_101 : memref<10240x128xf32, #tpu.memory_space<vmem_shared>>) offsets(%dma_start3A_98 : memref<128xi32, #tpu.memory_space<vmem>>) semaphore(%run_scoped3A : memref<!tpu.dma_semaphore, #tpu.memory_space<semaphore_mem>>) {add = true}
        %dma_wait3A_102 = arith.constant 0 : i32
        %dma_wait3A_103 = tpu.memref_slice %arg7[%add3A_84, %dma_wait3A_102] : memref<40x128xi32, #tpu.memory_space<vmem>> -> memref<1x128xi32, #tpu.memory_space<vmem>>
        %dma_wait3A_104 = tpu.memref_squeeze %dma_wait3A_103 : memref<1x128xi32, #tpu.memory_space<vmem>> -> memref<128xi32, #tpu.memory_space<vmem>>
        %dma_wait3A_105 = arith.constant 0 : i32
        %dma_wait3A_106 = arith.constant 0 : i32
        %dma_wait3A_107 = tpu.memref_slice %arg10[%dma_wait3A_105, %dma_wait3A_106] : memref<10240x128xf32, #tpu.memory_space<vmem_shared>> -> memref<10240x128xf32, #tpu.memory_space<vmem_shared>>
        tpu.wait_indirect_dma semaphore(%run_scoped3A : memref<!tpu.dma_semaphore, #tpu.memory_space<semaphore_mem>>) src(%arg9 : memref<128x128xf32, #tpu.memory_space<vmem>>) dst(%dma_wait3A_107 : memref<10240x128xf32, #tpu.memory_space<vmem_shared>>)
        tpu.yield
      }) : () -> ()
      %lt3A_91 = arith.constant 19 : i32
      %lt3A_92 = arith.cmpi slt, %scan3A_69, %lt3A_91 : i32
      %convert_element_type3A_93 = arith.extui %lt3A_92 : i1 to i32
      %cond3A_94 = arith.constant 0 : i32
      %cond3A_95 = arith.cmpi ne, %convert_element_type3A_93, %cond3A_94 : i32
      scf.if %cond3A_95 {
        %add3A_96 = arith.constant 2 : i32
        %add3A_97 = arith.addi %add3A_84, %add3A_96 : i32
        %dma_start3A_98 = arith.constant 0 : i32
        %dma_start3A_99 = tpu.memref_slice %arg6[%add3A_97, %dma_start3A_98] : memref<40x128xi32, #tpu.memory_space<vmem>> -> memref<1x128xi32, #tpu.memory_space<vmem>>
        %dma_start3A_100 = tpu.memref_squeeze %dma_start3A_99 : memref<1x128xi32, #tpu.memory_space<vmem>> -> memref<128xi32, #tpu.memory_space<vmem>>
        %dma_start3A_101 = arith.constant 0 : i32
        %dma_start3A_102 = arith.constant 0 : i32
        %dma_start3A_103 = tpu.memref_slice %arg2[%dma_start3A_101, %dma_start3A_102] : memref<10240x128xf32, #tpu.memory_space<hbm>> -> memref<10240x128xf32, #tpu.memory_space<hbm>>
        tpu.enqueue_indirect_dma source(%dma_start3A_103 : memref<10240x128xf32, #tpu.memory_space<hbm>>) target(%arg9 : memref<128x128xf32, #tpu.memory_space<vmem>>) offsets(%dma_start3A_100 : memref<128xi32, #tpu.memory_space<vmem>>) semaphore(%arg12 : memref<!tpu.dma_semaphore, #tpu.memory_space<semaphore_mem>>)
      } else {
      }
    }
    %scan3A_67 = arith.constant 20 : i32
    %barrier3A_68 = arith.constant 0 : index
    tpu.barrier barrier_id(%barrier3A_68)
    "tpu.region"() ({
      %run_scoped3A = tpu.sem_alloc : memref<!tpu.dma_semaphore, #tpu.memory_space<semaphore_mem>>
      %dma_start3A_69 = arith.constant 0 : i32
      %dma_start3A_70 = tpu.memref_slice %arg5[%arg0, %multiple_of3A, %dma_start3A_69] : memref<2x10240x128xf32, #tpu.memory_space<hbm>> -> memref<1x640x128xf32, #tpu.memory_space<hbm>>
      %dma_start3A_71 = tpu.memref_squeeze %dma_start3A_70 : memref<1x640x128xf32, #tpu.memory_space<hbm>> -> memref<640x128xf32, #tpu.memory_space<hbm>>
      %dma_start3A_72 = arith.constant 0 : i32
      %dma_start3A_73 = tpu.memref_slice %arg10[%multiple_of3A, %dma_start3A_72] : memref<10240x128xf32, #tpu.memory_space<vmem_shared>> -> memref<640x128xf32, #tpu.memory_space<vmem_shared>>
      tpu.enqueue_dma source(%dma_start3A_73 : memref<640x128xf32, #tpu.memory_space<vmem_shared>>) target(%dma_start3A_71 : memref<640x128xf32, #tpu.memory_space<hbm>>) target_semaphore(%run_scoped3A : memref<!tpu.dma_semaphore, #tpu.memory_space<semaphore_mem>>)
      %dma_wait3A = arith.constant 0 : i32
      %dma_wait3A_74 = tpu.memref_slice %arg5[%arg0, %multiple_of3A, %dma_wait3A] : memref<2x10240x128xf32, #tpu.memory_space<hbm>> -> memref<1x640x128xf32, #tpu.memory_space<hbm>>
      %dma_wait3A_75 = tpu.memref_squeeze %dma_wait3A_74 : memref<1x640x128xf32, #tpu.memory_space<hbm>> -> memref<640x128xf32, #tpu.memory_space<hbm>>
      %dma_wait3A_76 = arith.constant 0 : i32
      %dma_wait3A_77 = tpu.memref_slice %arg10[%multiple_of3A, %dma_wait3A_76] : memref<10240x128xf32, #tpu.memory_space<vmem_shared>> -> memref<640x128xf32, #tpu.memory_space<vmem_shared>>
      tpu.wait_dma2 semaphore(%run_scoped3A : memref<!tpu.dma_semaphore, #tpu.memory_space<semaphore_mem>>) src(%dma_wait3A_77 : memref<640x128xf32, #tpu.memory_space<vmem_shared>>) dst(%dma_wait3A_75 : memref<640x128xf32, #tpu.memory_space<hbm>>)
      tpu.yield
    }) : () -> ()
    return
  }
}

#map = affine_map<(d0, d1) -> (0, 0)>
#map1 = affine_map<(d0, d1) -> (0, 0, 0)>
module attributes {stable_mosaic.version = 14 : i64} {
  func.func @_edge_scatter(%arg0: i32, %arg1: i32, %arg2: memref<10240x128xf32, #tpu.memory_space<hbm>>, %arg3: memref<2560x128xi32, #tpu.memory_space<hbm>>, %arg4: memref<2560x128xi32, #tpu.memory_space<hbm>>, %arg5: memref<2x10240x128xf32, #tpu.memory_space<hbm>>, %arg6: memref<40x128xi32, #tpu.memory_space<vmem>>, %arg7: memref<40x128xi32, #tpu.memory_space<vmem>>, %arg8: memref<128x128xf32, #tpu.memory_space<vmem>>, %arg9: memref<128x128xf32, #tpu.memory_space<vmem>>, %arg10: memref<10240x128xf32, #tpu.memory_space<vmem_shared>>, %arg11: memref<!tpu.dma_semaphore, #tpu.memory_space<semaphore_mem>>, %arg12: memref<!tpu.dma_semaphore, #tpu.memory_space<semaphore_mem>>) attributes {dimension_semantics = [#tpu.dimension_semantics<core_parallel>, #tpu.dimension_semantics<subcore_parallel>], iteration_bounds = array<i64: 2, 16>, scalar_prefetch = 0 : i64, scratch_operands = 7 : i64, tpu.core_type = #tpu.core_type<sc_vector_subcore>, window_params = [{transform_indices = #map}, {transform_indices = #map}, {transform_indices = #map}, {transform_indices = #map1}]} {
    %mul3A = arith.constant 16 : i32
    %mul3A_0 = arith.muli %arg0, %mul3A : i32
    %add3A = arith.addi %mul3A_0, %arg1 : i32
    %mul3A_1 = arith.constant 640 : i32
    %mul3A_2 = arith.muli %arg1, %mul3A_1 : i32
    %multiple_of3A = tpu.assume_multiple %mul3A_2, 8 : i32
    %broadcast_in_dim3A = arith.constant 0.000000e+00 : f32
    %broadcast_in_dim3A_3 = vector.broadcast %broadcast_in_dim3A : f32 to vector<16xf32>
    %scan3A = arith.constant 0 : i32
    %scan3A_4 = arith.constant 0 : i32
    %scan3A_5 = arith.constant 128 : i32
    %scan3A_6 = arith.addi %scan3A_4, %scan3A_5 : i32
    %scan3A_7 = arith.constant 1 : i32
    scf.for %scan3A_69 = %scan3A_4 to %scan3A_6 step %scan3A_7  : i32 {
      %swap3A = arith.index_cast %scan3A_69 : i32 to index
      %swap3A_70 = arith.constant 0 : index
      %swap3A_71 = tpu.vector_load %arg8[%swap3A, %swap3A_70] {strides = array<i32>} : memref<128x128xf32, #tpu.memory_space<vmem>>, vector<1x16xf32>,
      %swap3A_72 = vector.shape_cast %swap3A_71 : vector<1x16xf32> to vector<16xf32>
      %swap3A_73 = vector.shape_cast %broadcast_in_dim3A_3 : vector<16xf32> to vector<1x16xf32>
      tpu.vector_store %arg8[%swap3A, %swap3A_70], %swap3A_73 {strides = array<i32>} : memref<128x128xf32, #tpu.memory_space<vmem>>, vector<1x16xf32>,
      %swap3A_74 = arith.index_cast %scan3A_69 : i32 to index
      %swap3A_75 = arith.constant 16 : index
      %swap3A_76 = tpu.vector_load %arg8[%swap3A_74, %swap3A_75] {strides = array<i32>} : memref<128x128xf32, #tpu.memory_space<vmem>>, vector<1x16xf32>,
      %swap3A_77 = vector.shape_cast %swap3A_76 : vector<1x16xf32> to vector<16xf32>
      %swap3A_78 = vector.shape_cast %broadcast_in_dim3A_3 : vector<16xf32> to vector<1x16xf32>
      tpu.vector_store %arg8[%swap3A_74, %swap3A_75], %swap3A_78 {strides = array<i32>} : memref<128x128xf32, #tpu.memory_space<vmem>>, vector<1x16xf32>,
      %swap3A_79 = arith.index_cast %scan3A_69 : i32 to index
      %swap3A_80 = arith.constant 32 : index
      %swap3A_81 = tpu.vector_load %arg8[%swap3A_79, %swap3A_80] {strides = array<i32>} : memref<128x128xf32, #tpu.memory_space<vmem>>, vector<1x16xf32>,
      %swap3A_82 = vector.shape_cast %swap3A_81 : vector<1x16xf32> to vector<16xf32>
      %swap3A_83 = vector.shape_cast %broadcast_in_dim3A_3 : vector<16xf32> to vector<1x16xf32>
      tpu.vector_store %arg8[%swap3A_79, %swap3A_80], %swap3A_83 {strides = array<i32>} : memref<128x128xf32, #tpu.memory_space<vmem>>, vector<1x16xf32>,
      %swap3A_84 = arith.index_cast %scan3A_69 : i32 to index
      %swap3A_85 = arith.constant 48 : index
      %swap3A_86 = tpu.vector_load %arg8[%swap3A_84, %swap3A_85] {strides = array<i32>} : memref<128x128xf32, #tpu.memory_space<vmem>>, vector<1x16xf32>,
      %swap3A_87 = vector.shape_cast %swap3A_86 : vector<1x16xf32> to vector<16xf32>
      %swap3A_88 = vector.shape_cast %broadcast_in_dim3A_3 : vector<16xf32> to vector<1x16xf32>
      tpu.vector_store %arg8[%swap3A_84, %swap3A_85], %swap3A_88 {strides = array<i32>} : memref<128x128xf32, #tpu.memory_space<vmem>>, vector<1x16xf32>,
      %swap3A_89 = arith.index_cast %scan3A_69 : i32 to index
      %swap3A_90 = arith.constant 64 : index
      %swap3A_91 = tpu.vector_load %arg8[%swap3A_89, %swap3A_90] {strides = array<i32>} : memref<128x128xf32, #tpu.memory_space<vmem>>, vector<1x16xf32>,
      %swap3A_92 = vector.shape_cast %swap3A_91 : vector<1x16xf32> to vector<16xf32>
      %swap3A_93 = vector.shape_cast %broadcast_in_dim3A_3 : vector<16xf32> to vector<1x16xf32>
      tpu.vector_store %arg8[%swap3A_89, %swap3A_90], %swap3A_93 {strides = array<i32>} : memref<128x128xf32, #tpu.memory_space<vmem>>, vector<1x16xf32>,
      %swap3A_94 = arith.index_cast %scan3A_69 : i32 to index
      %swap3A_95 = arith.constant 80 : index
      %swap3A_96 = tpu.vector_load %arg8[%swap3A_94, %swap3A_95] {strides = array<i32>} : memref<128x128xf32, #tpu.memory_space<vmem>>, vector<1x16xf32>,
      %swap3A_97 = vector.shape_cast %swap3A_96 : vector<1x16xf32> to vector<16xf32>
      %swap3A_98 = vector.shape_cast %broadcast_in_dim3A_3 : vector<16xf32> to vector<1x16xf32>
      tpu.vector_store %arg8[%swap3A_94, %swap3A_95], %swap3A_98 {strides = array<i32>} : memref<128x128xf32, #tpu.memory_space<vmem>>, vector<1x16xf32>,
      %swap3A_99 = arith.index_cast %scan3A_69 : i32 to index
      %swap3A_100 = arith.constant 96 : index
      %swap3A_101 = tpu.vector_load %arg8[%swap3A_99, %swap3A_100] {strides = array<i32>} : memref<128x128xf32, #tpu.memory_space<vmem>>, vector<1x16xf32>,
      %swap3A_102 = vector.shape_cast %swap3A_101 : vector<1x16xf32> to vector<16xf32>
      %swap3A_103 = vector.shape_cast %broadcast_in_dim3A_3 : vector<16xf32> to vector<1x16xf32>
      tpu.vector_store %arg8[%swap3A_99, %swap3A_100], %swap3A_103 {strides = array<i32>} : memref<128x128xf32, #tpu.memory_space<vmem>>, vector<1x16xf32>,
      %swap3A_104 = arith.index_cast %scan3A_69 : i32 to index
      %swap3A_105 = arith.constant 112 : index
      %swap3A_106 = tpu.vector_load %arg8[%swap3A_104, %swap3A_105] {strides = array<i32>} : memref<128x128xf32, #tpu.memory_space<vmem>>, vector<1x16xf32>,
      %swap3A_107 = vector.shape_cast %swap3A_106 : vector<1x16xf32> to vector<16xf32>
      %swap3A_108 = vector.shape_cast %broadcast_in_dim3A_3 : vector<16xf32> to vector<1x16xf32>
      tpu.vector_store %arg8[%swap3A_104, %swap3A_105], %swap3A_108 {strides = array<i32>} : memref<128x128xf32, #tpu.memory_space<vmem>>, vector<1x16xf32>,
    }
    %scan3A_8 = arith.constant 128 : i32
    %add3A_9 = arith.constant 0 : i32
    %add3A_10 = arith.addi %multiple_of3A, %add3A_9 : i32
    "tpu.region"() ({
      %run_scoped3A = tpu.sem_alloc : memref<!tpu.dma_semaphore, #tpu.memory_space<semaphore_mem>>
      %dma_start3A_69 = arith.constant 0 : i32
      %dma_start3A_70 = tpu.memref_slice %arg10[%add3A_10, %dma_start3A_69] : memref<10240x128xf32, #tpu.memory_space<vmem_shared>> -> memref<128x128xf32, #tpu.memory_space<vmem_shared>>
      %dma_start3A_71 = arith.constant 0 : i32
      %dma_start3A_72 = tpu.memref_slice %arg10[%add3A_10, %dma_start3A_71] : memref<10240x128xf32, #tpu.memory_space<vmem_shared>> -> memref<128x128xf32, #tpu.memory_space<vmem_shared>>
      tpu.enqueue_dma source(%arg8 : memref<128x128xf32, #tpu.memory_space<vmem>>) target(%dma_start3A_72 : memref<128x128xf32, #tpu.memory_space<vmem_shared>>) target_semaphore(%run_scoped3A : memref<!tpu.dma_semaphore, #tpu.memory_space<semaphore_mem>>)
      %dma_wait3A = arith.constant 0 : i32
      %dma_wait3A_73 = tpu.memref_slice %arg10[%add3A_10, %dma_wait3A] : memref<10240x128xf32, #tpu.memory_space<vmem_shared>> -> memref<128x128xf32, #tpu.memory_space<vmem_shared>>
      %dma_wait3A_74 = arith.constant 0 : i32
      %dma_wait3A_75 = tpu.memref_slice %arg10[%add3A_10, %dma_wait3A_74] : memref<10240x128xf32, #tpu.memory_space<vmem_shared>> -> memref<128x128xf32, #tpu.memory_space<vmem_shared>>
      tpu.wait_dma2 semaphore(%run_scoped3A : memref<!tpu.dma_semaphore, #tpu.memory_space<semaphore_mem>>) src(%arg8 : memref<128x128xf32, #tpu.memory_space<vmem>>) dst(%dma_wait3A_75 : memref<128x128xf32, #tpu.memory_space<vmem_shared>>)
      tpu.yield
    }) : () -> ()
    %add3A_11 = arith.constant 128 : i32
    %add3A_12 = arith.addi %multiple_of3A, %add3A_11 : i32
    "tpu.region"() ({
      %run_scoped3A = tpu.sem_alloc : memref<!tpu.dma_semaphore, #tpu.memory_space<semaphore_mem>>
      %dma_start3A_69 = arith.constant 0 : i32
      %dma_start3A_70 = tpu.memref_slice %arg10[%add3A_12, %dma_start3A_69] : memref<10240x128xf32, #tpu.memory_space<vmem_shared>> -> memref<128x128xf32, #tpu.memory_space<vmem_shared>>
      %dma_start3A_71 = arith.constant 0 : i32
      %dma_start3A_72 = tpu.memref_slice %arg10[%add3A_12, %dma_start3A_71] : memref<10240x128xf32, #tpu.memory_space<vmem_shared>> -> memref<128x128xf32, #tpu.memory_space<vmem_shared>>
      tpu.enqueue_dma source(%arg8 : memref<128x128xf32, #tpu.memory_space<vmem>>) target(%dma_start3A_72 : memref<128x128xf32, #tpu.memory_space<vmem_shared>>) target_semaphore(%run_scoped3A : memref<!tpu.dma_semaphore, #tpu.memory_space<semaphore_mem>>)
      %dma_wait3A = arith.constant 0 : i32
      %dma_wait3A_73 = tpu.memref_slice %arg10[%add3A_12, %dma_wait3A] : memref<10240x128xf32, #tpu.memory_space<vmem_shared>> -> memref<128x128xf32, #tpu.memory_space<vmem_shared>>
      %dma_wait3A_74 = arith.constant 0 : i32
      %dma_wait3A_75 = tpu.memref_slice %arg10[%add3A_12, %dma_wait3A_74] : memref<10240x128xf32, #tpu.memory_space<vmem_shared>> -> memref<128x128xf32, #tpu.memory_space<vmem_shared>>
      tpu.wait_dma2 semaphore(%run_scoped3A : memref<!tpu.dma_semaphore, #tpu.memory_space<semaphore_mem>>) src(%arg8 : memref<128x128xf32, #tpu.memory_space<vmem>>) dst(%dma_wait3A_75 : memref<128x128xf32, #tpu.memory_space<vmem_shared>>)
      tpu.yield
    }) : () -> ()
    %add3A_13 = arith.constant 256 : i32
    %add3A_14 = arith.addi %multiple_of3A, %add3A_13 : i32
    "tpu.region"() ({
      %run_scoped3A = tpu.sem_alloc : memref<!tpu.dma_semaphore, #tpu.memory_space<semaphore_mem>>
      %dma_start3A_69 = arith.constant 0 : i32
      %dma_start3A_70 = tpu.memref_slice %arg10[%add3A_14, %dma_start3A_69] : memref<10240x128xf32, #tpu.memory_space<vmem_shared>> -> memref<128x128xf32, #tpu.memory_space<vmem_shared>>
      %dma_start3A_71 = arith.constant 0 : i32
      %dma_start3A_72 = tpu.memref_slice %arg10[%add3A_14, %dma_start3A_71] : memref<10240x128xf32, #tpu.memory_space<vmem_shared>> -> memref<128x128xf32, #tpu.memory_space<vmem_shared>>
      tpu.enqueue_dma source(%arg8 : memref<128x128xf32, #tpu.memory_space<vmem>>) target(%dma_start3A_72 : memref<128x128xf32, #tpu.memory_space<vmem_shared>>) target_semaphore(%run_scoped3A : memref<!tpu.dma_semaphore, #tpu.memory_space<semaphore_mem>>)
      %dma_wait3A = arith.constant 0 : i32
      %dma_wait3A_73 = tpu.memref_slice %arg10[%add3A_14, %dma_wait3A] : memref<10240x128xf32, #tpu.memory_space<vmem_shared>> -> memref<128x128xf32, #tpu.memory_space<vmem_shared>>
      %dma_wait3A_74 = arith.constant 0 : i32
      %dma_wait3A_75 = tpu.memref_slice %arg10[%add3A_14, %dma_wait3A_74] : memref<10240x128xf32, #tpu.memory_space<vmem_shared>> -> memref<128x128xf32, #tpu.memory_space<vmem_shared>>
      tpu.wait_dma2 semaphore(%run_scoped3A : memref<!tpu.dma_semaphore, #tpu.memory_space<semaphore_mem>>) src(%arg8 : memref<128x128xf32, #tpu.memory_space<vmem>>) dst(%dma_wait3A_75 : memref<128x128xf32, #tpu.memory_space<vmem_shared>>)
      tpu.yield
    }) : () -> ()
    %add3A_15 = arith.constant 384 : i32
    %add3A_16 = arith.addi %multiple_of3A, %add3A_15 : i32
    "tpu.region"() ({
      %run_scoped3A = tpu.sem_alloc : memref<!tpu.dma_semaphore, #tpu.memory_space<semaphore_mem>>
      %dma_start3A_69 = arith.constant 0 : i32
      %dma_start3A_70 = tpu.memref_slice %arg10[%add3A_16, %dma_start3A_69] : memref<10240x128xf32, #tpu.memory_space<vmem_shared>> -> memref<128x128xf32, #tpu.memory_space<vmem_shared>>
      %dma_start3A_71 = arith.constant 0 : i32
      %dma_start3A_72 = tpu.memref_slice %arg10[%add3A_16, %dma_start3A_71] : memref<10240x128xf32, #tpu.memory_space<vmem_shared>> -> memref<128x128xf32, #tpu.memory_space<vmem_shared>>
      tpu.enqueue_dma source(%arg8 : memref<128x128xf32, #tpu.memory_space<vmem>>) target(%dma_start3A_72 : memref<128x128xf32, #tpu.memory_space<vmem_shared>>) target_semaphore(%run_scoped3A : memref<!tpu.dma_semaphore, #tpu.memory_space<semaphore_mem>>)
      %dma_wait3A = arith.constant 0 : i32
      %dma_wait3A_73 = tpu.memref_slice %arg10[%add3A_16, %dma_wait3A] : memref<10240x128xf32, #tpu.memory_space<vmem_shared>> -> memref<128x128xf32, #tpu.memory_space<vmem_shared>>
      %dma_wait3A_74 = arith.constant 0 : i32
      %dma_wait3A_75 = tpu.memref_slice %arg10[%add3A_16, %dma_wait3A_74] : memref<10240x128xf32, #tpu.memory_space<vmem_shared>> -> memref<128x128xf32, #tpu.memory_space<vmem_shared>>
      tpu.wait_dma2 semaphore(%run_scoped3A : memref<!tpu.dma_semaphore, #tpu.memory_space<semaphore_mem>>) src(%arg8 : memref<128x128xf32, #tpu.memory_space<vmem>>) dst(%dma_wait3A_75 : memref<128x128xf32, #tpu.memory_space<vmem_shared>>)
      tpu.yield
    }) : () -> ()
    %add3A_17 = arith.constant 512 : i32
    %add3A_18 = arith.addi %multiple_of3A, %add3A_17 : i32
    "tpu.region"() ({
      %run_scoped3A = tpu.sem_alloc : memref<!tpu.dma_semaphore, #tpu.memory_space<semaphore_mem>>
      %dma_start3A_69 = arith.constant 0 : i32
      %dma_start3A_70 = tpu.memref_slice %arg10[%add3A_18, %dma_start3A_69] : memref<10240x128xf32, #tpu.memory_space<vmem_shared>> -> memref<128x128xf32, #tpu.memory_space<vmem_shared>>
      %dma_start3A_71 = arith.constant 0 : i32
      %dma_start3A_72 = tpu.memref_slice %arg10[%add3A_18, %dma_start3A_71] : memref<10240x128xf32, #tpu.memory_space<vmem_shared>> -> memref<128x128xf32, #tpu.memory_space<vmem_shared>>
      tpu.enqueue_dma source(%arg8 : memref<128x128xf32, #tpu.memory_space<vmem>>) target(%dma_start3A_72 : memref<128x128xf32, #tpu.memory_space<vmem_shared>>) target_semaphore(%run_scoped3A : memref<!tpu.dma_semaphore, #tpu.memory_space<semaphore_mem>>)
      %dma_wait3A = arith.constant 0 : i32
      %dma_wait3A_73 = tpu.memref_slice %arg10[%add3A_18, %dma_wait3A] : memref<10240x128xf32, #tpu.memory_space<vmem_shared>> -> memref<128x128xf32, #tpu.memory_space<vmem_shared>>
      %dma_wait3A_74 = arith.constant 0 : i32
      %dma_wait3A_75 = tpu.memref_slice %arg10[%add3A_18, %dma_wait3A_74] : memref<10240x128xf32, #tpu.memory_space<vmem_shared>> -> memref<128x128xf32, #tpu.memory_space<vmem_shared>>
      tpu.wait_dma2 semaphore(%run_scoped3A : memref<!tpu.dma_semaphore, #tpu.memory_space<semaphore_mem>>) src(%arg8 : memref<128x128xf32, #tpu.memory_space<vmem>>) dst(%dma_wait3A_75 : memref<128x128xf32, #tpu.memory_space<vmem_shared>>)
      tpu.yield
    }) : () -> ()
    %barrier3A = arith.constant 0 : index
    tpu.barrier barrier_id(%barrier3A)
    %mul3A_19 = arith.constant 80 : i32
    %mul3A_20 = arith.muli %add3A, %mul3A_19 : i32
    %add3A_21 = arith.constant 0 : i32
    %add3A_22 = arith.addi %mul3A_20, %add3A_21 : i32
    %multiple_of3A_23 = tpu.assume_multiple %add3A_22, 8 : i32
    "tpu.region"() ({
      %run_scoped3A = tpu.sem_alloc : memref<!tpu.dma_semaphore, #tpu.memory_space<semaphore_mem>>
      %dma_start3A_69 = arith.constant 0 : i32
      %dma_start3A_70 = tpu.memref_slice %arg3[%multiple_of3A_23, %dma_start3A_69] : memref<2560x128xi32, #tpu.memory_space<hbm>> -> memref<40x128xi32, #tpu.memory_space<hbm>>
      %dma_start3A_71 = arith.constant 0 : i32
      %dma_start3A_72 = tpu.memref_slice %arg3[%multiple_of3A_23, %dma_start3A_71] : memref<2560x128xi32, #tpu.memory_space<hbm>> -> memref<40x128xi32, #tpu.memory_space<hbm>>
      tpu.enqueue_dma source(%dma_start3A_72 : memref<40x128xi32, #tpu.memory_space<hbm>>) target(%arg6 : memref<40x128xi32, #tpu.memory_space<vmem>>) target_semaphore(%run_scoped3A : memref<!tpu.dma_semaphore, #tpu.memory_space<semaphore_mem>>)
      %dma_wait3A = arith.constant 0 : i32
      %dma_wait3A_73 = tpu.memref_slice %arg3[%multiple_of3A_23, %dma_wait3A] : memref<2560x128xi32, #tpu.memory_space<hbm>> -> memref<40x128xi32, #tpu.memory_space<hbm>>
      %dma_wait3A_74 = arith.constant 0 : i32
      %dma_wait3A_75 = tpu.memref_slice %arg3[%multiple_of3A_23, %dma_wait3A_74] : memref<2560x128xi32, #tpu.memory_space<hbm>> -> memref<40x128xi32, #tpu.memory_space<hbm>>
      tpu.wait_dma2 semaphore(%run_scoped3A : memref<!tpu.dma_semaphore, #tpu.memory_space<semaphore_mem>>) src(%dma_wait3A_75 : memref<40x128xi32, #tpu.memory_space<hbm>>) dst(%arg6 : memref<40x128xi32, #tpu.memory_space<vmem>>)
      tpu.yield
    }) : () -> ()
    "tpu.region"() ({
      %run_scoped3A = tpu.sem_alloc : memref<!tpu.dma_semaphore, #tpu.memory_space<semaphore_mem>>
      %dma_start3A_69 = arith.constant 0 : i32
      %dma_start3A_70 = tpu.memref_slice %arg4[%multiple_of3A_23, %dma_start3A_69] : memref<2560x128xi32, #tpu.memory_space<hbm>> -> memref<40x128xi32, #tpu.memory_space<hbm>>
      %dma_start3A_71 = arith.constant 0 : i32
      %dma_start3A_72 = tpu.memref_slice %arg4[%multiple_of3A_23, %dma_start3A_71] : memref<2560x128xi32, #tpu.memory_space<hbm>> -> memref<40x128xi32, #tpu.memory_space<hbm>>
      tpu.enqueue_dma source(%dma_start3A_72 : memref<40x128xi32, #tpu.memory_space<hbm>>) target(%arg7 : memref<40x128xi32, #tpu.memory_space<vmem>>) target_semaphore(%run_scoped3A : memref<!tpu.dma_semaphore, #tpu.memory_space<semaphore_mem>>)
      %dma_wait3A = arith.constant 0 : i32
      %dma_wait3A_73 = tpu.memref_slice %arg4[%multiple_of3A_23, %dma_wait3A] : memref<2560x128xi32, #tpu.memory_space<hbm>> -> memref<40x128xi32, #tpu.memory_space<hbm>>
      %dma_wait3A_74 = arith.constant 0 : i32
      %dma_wait3A_75 = tpu.memref_slice %arg4[%multiple_of3A_23, %dma_wait3A_74] : memref<2560x128xi32, #tpu.memory_space<hbm>> -> memref<40x128xi32, #tpu.memory_space<hbm>>
      tpu.wait_dma2 semaphore(%run_scoped3A : memref<!tpu.dma_semaphore, #tpu.memory_space<semaphore_mem>>) src(%dma_wait3A_75 : memref<40x128xi32, #tpu.memory_space<hbm>>) dst(%arg7 : memref<40x128xi32, #tpu.memory_space<vmem>>)
      tpu.yield
    }) : () -> ()
    %dma_start3A = arith.constant 0 : i32
    %dma_start3A_24 = arith.constant 0 : i32
    %dma_start3A_25 = tpu.memref_slice %arg6[%dma_start3A, %dma_start3A_24] : memref<40x128xi32, #tpu.memory_space<vmem>> -> memref<1x128xi32, #tpu.memory_space<vmem>>
    %dma_start3A_26 = tpu.memref_squeeze %dma_start3A_25 : memref<1x128xi32, #tpu.memory_space<vmem>> -> memref<128xi32, #tpu.memory_space<vmem>>
    %dma_start3A_27 = arith.constant 0 : i32
    %dma_start3A_28 = arith.constant 0 : i32
    %dma_start3A_29 = tpu.memref_slice %arg2[%dma_start3A_27, %dma_start3A_28] : memref<10240x128xf32, #tpu.memory_space<hbm>> -> memref<10240x128xf32, #tpu.memory_space<hbm>>
    tpu.enqueue_indirect_dma source(%dma_start3A_29 : memref<10240x128xf32, #tpu.memory_space<hbm>>) target(%arg8 : memref<128x128xf32, #tpu.memory_space<vmem>>) offsets(%dma_start3A_26 : memref<128xi32, #tpu.memory_space<vmem>>) semaphore(%arg11 : memref<!tpu.dma_semaphore, #tpu.memory_space<semaphore_mem>>)
    %dma_start3A_30 = arith.constant 1 : i32
    %dma_start3A_31 = arith.constant 0 : i32
    %dma_start3A_32 = tpu.memref_slice %arg6[%dma_start3A_30, %dma_start3A_31] : memref<40x128xi32, #tpu.memory_space<vmem>> -> memref<1x128xi32, #tpu.memory_space<vmem>>
    %dma_start3A_33 = tpu.memref_squeeze %dma_start3A_32 : memref<1x128xi32, #tpu.memory_space<vmem>> -> memref<128xi32, #tpu.memory_space<vmem>>
    %dma_start3A_34 = arith.constant 0 : i32
    %dma_start3A_35 = arith.constant 0 : i32
    %dma_start3A_36 = tpu.memref_slice %arg2[%dma_start3A_34, %dma_start3A_35] : memref<10240x128xf32, #tpu.memory_space<hbm>> -> memref<10240x128xf32, #tpu.memory_space<hbm>>
    tpu.enqueue_indirect_dma source(%dma_start3A_36 : memref<10240x128xf32, #tpu.memory_space<hbm>>) target(%arg9 : memref<128x128xf32, #tpu.memory_space<vmem>>) offsets(%dma_start3A_33 : memref<128xi32, #tpu.memory_space<vmem>>) semaphore(%arg12 : memref<!tpu.dma_semaphore, #tpu.memory_space<semaphore_mem>>)
    %scan3A_37 = arith.constant 0 : i32
    %scan3A_38 = arith.constant 0 : i32
    %scan3A_39 = arith.constant 20 : i32
    %scan3A_40 = arith.addi %scan3A_38, %scan3A_39 : i32
    %scan3A_41 = arith.constant 1 : i32
    scf.for %scan3A_69 = %scan3A_38 to %scan3A_40 step %scan3A_41  : i32 {
      %mul3A_70 = arith.constant 2 : i32
      %mul3A_71 = arith.muli %mul3A_70, %scan3A_69 : i32
      %add3A_72 = arith.constant 0 : i32
      %add3A_73 = arith.addi %mul3A_71, %add3A_72 : i32
      %dma_wait3A = arith.constant 0 : i32
      %dma_wait3A_74 = tpu.memref_slice %arg6[%add3A_73, %dma_wait3A] : memref<40x128xi32, #tpu.memory_space<vmem>> -> memref<1x128xi32, #tpu.memory_space<vmem>>
      %dma_wait3A_75 = tpu.memref_squeeze %dma_wait3A_74 : memref<1x128xi32, #tpu.memory_space<vmem>> -> memref<128xi32, #tpu.memory_space<vmem>>
      %dma_wait3A_76 = arith.constant 0 : i32
      %dma_wait3A_77 = arith.constant 0 : i32
      %dma_wait3A_78 = tpu.memref_slice %arg2[%dma_wait3A_76, %dma_wait3A_77] : memref<10240x128xf32, #tpu.memory_space<hbm>> -> memref<10240x128xf32, #tpu.memory_space<hbm>>
      tpu.wait_indirect_dma semaphore(%arg11 : memref<!tpu.dma_semaphore, #tpu.memory_space<semaphore_mem>>) src(%dma_wait3A_78 : memref<10240x128xf32, #tpu.memory_space<hbm>>) dst(%arg8 : memref<128x128xf32, #tpu.memory_space<vmem>>)
      "tpu.region"() ({
        %run_scoped3A = tpu.sem_alloc : memref<!tpu.dma_semaphore, #tpu.memory_space<semaphore_mem>>
        %dma_start3A_96 = arith.constant 0 : i32
        %dma_start3A_97 = tpu.memref_slice %arg7[%add3A_73, %dma_start3A_96] : memref<40x128xi32, #tpu.memory_space<vmem>> -> memref<1x128xi32, #tpu.memory_space<vmem>>
        %dma_start3A_98 = tpu.memref_squeeze %dma_start3A_97 : memref<1x128xi32, #tpu.memory_space<vmem>> -> memref<128xi32, #tpu.memory_space<vmem>>
        %dma_start3A_99 = arith.constant 0 : i32
        %dma_start3A_100 = arith.constant 0 : i32
        %dma_start3A_101 = tpu.memref_slice %arg10[%dma_start3A_99, %dma_start3A_100] : memref<10240x128xf32, #tpu.memory_space<vmem_shared>> -> memref<10240x128xf32, #tpu.memory_space<vmem_shared>>
        tpu.enqueue_indirect_dma source(%arg8 : memref<128x128xf32, #tpu.memory_space<vmem>>) target(%dma_start3A_101 : memref<10240x128xf32, #tpu.memory_space<vmem_shared>>) offsets(%dma_start3A_98 : memref<128xi32, #tpu.memory_space<vmem>>) semaphore(%run_scoped3A : memref<!tpu.dma_semaphore, #tpu.memory_space<semaphore_mem>>) {add = true}
        %dma_wait3A_102 = arith.constant 0 : i32
        %dma_wait3A_103 = tpu.memref_slice %arg7[%add3A_73, %dma_wait3A_102] : memref<40x128xi32, #tpu.memory_space<vmem>> -> memref<1x128xi32, #tpu.memory_space<vmem>>
        %dma_wait3A_104 = tpu.memref_squeeze %dma_wait3A_103 : memref<1x128xi32, #tpu.memory_space<vmem>> -> memref<128xi32, #tpu.memory_space<vmem>>
        %dma_wait3A_105 = arith.constant 0 : i32
        %dma_wait3A_106 = arith.constant 0 : i32
        %dma_wait3A_107 = tpu.memref_slice %arg10[%dma_wait3A_105, %dma_wait3A_106] : memref<10240x128xf32, #tpu.memory_space<vmem_shared>> -> memref<10240x128xf32, #tpu.memory_space<vmem_shared>>
        tpu.wait_indirect_dma semaphore(%run_scoped3A : memref<!tpu.dma_semaphore, #tpu.memory_space<semaphore_mem>>) src(%arg8 : memref<128x128xf32, #tpu.memory_space<vmem>>) dst(%dma_wait3A_107 : memref<10240x128xf32, #tpu.memory_space<vmem_shared>>)
        tpu.yield
      }) : () -> ()
      %lt3A = arith.constant 19 : i32
      %lt3A_79 = arith.cmpi slt, %scan3A_69, %lt3A : i32
      %convert_element_type3A = arith.extui %lt3A_79 : i1 to i32
      %cond3A = arith.constant 0 : i32
      %cond3A_80 = arith.cmpi ne, %convert_element_type3A, %cond3A : i32
      scf.if %cond3A_80 {
        %add3A_96 = arith.constant 2 : i32
        %add3A_97 = arith.addi %add3A_73, %add3A_96 : i32
        %dma_start3A_98 = arith.constant 0 : i32
        %dma_start3A_99 = tpu.memref_slice %arg6[%add3A_97, %dma_start3A_98] : memref<40x128xi32, #tpu.memory_space<vmem>> -> memref<1x128xi32, #tpu.memory_space<vmem>>
        %dma_start3A_100 = tpu.memref_squeeze %dma_start3A_99 : memref<1x128xi32, #tpu.memory_space<vmem>> -> memref<128xi32, #tpu.memory_space<vmem>>
        %dma_start3A_101 = arith.constant 0 : i32
        %dma_start3A_102 = arith.constant 0 : i32
        %dma_start3A_103 = tpu.memref_slice %arg2[%dma_start3A_101, %dma_start3A_102] : memref<10240x128xf32, #tpu.memory_space<hbm>> -> memref<10240x128xf32, #tpu.memory_space<hbm>>
        tpu.enqueue_indirect_dma source(%dma_start3A_103 : memref<10240x128xf32, #tpu.memory_space<hbm>>) target(%arg8 : memref<128x128xf32, #tpu.memory_space<vmem>>) offsets(%dma_start3A_100 : memref<128xi32, #tpu.memory_space<vmem>>) semaphore(%arg11 : memref<!tpu.dma_semaphore, #tpu.memory_space<semaphore_mem>>)
      } else {
      }
      %mul3A_81 = arith.constant 2 : i32
      %mul3A_82 = arith.muli %mul3A_81, %scan3A_69 : i32
      %add3A_83 = arith.constant 1 : i32
      %add3A_84 = arith.addi %mul3A_82, %add3A_83 : i32
      %dma_wait3A_85 = arith.constant 0 : i32
      %dma_wait3A_86 = tpu.memref_slice %arg6[%add3A_84, %dma_wait3A_85] : memref<40x128xi32, #tpu.memory_space<vmem>> -> memref<1x128xi32, #tpu.memory_space<vmem>>
      %dma_wait3A_87 = tpu.memref_squeeze %dma_wait3A_86 : memref<1x128xi32, #tpu.memory_space<vmem>> -> memref<128xi32, #tpu.memory_space<vmem>>
      %dma_wait3A_88 = arith.constant 0 : i32
      %dma_wait3A_89 = arith.constant 0 : i32
      %dma_wait3A_90 = tpu.memref_slice %arg2[%dma_wait3A_88, %dma_wait3A_89] : memref<10240x128xf32, #tpu.memory_space<hbm>> -> memref<10240x128xf32, #tpu.memory_space<hbm>>
      tpu.wait_indirect_dma semaphore(%arg12 : memref<!tpu.dma_semaphore, #tpu.memory_space<semaphore_mem>>) src(%dma_wait3A_90 : memref<10240x128xf32, #tpu.memory_space<hbm>>) dst(%arg9 : memref<128x128xf32, #tpu.memory_space<vmem>>)
      "tpu.region"() ({
        %run_scoped3A = tpu.sem_alloc : memref<!tpu.dma_semaphore, #tpu.memory_space<semaphore_mem>>
        %dma_start3A_96 = arith.constant 0 : i32
        %dma_start3A_97 = tpu.memref_slice %arg7[%add3A_84, %dma_start3A_96] : memref<40x128xi32, #tpu.memory_space<vmem>> -> memref<1x128xi32, #tpu.memory_space<vmem>>
        %dma_start3A_98 = tpu.memref_squeeze %dma_start3A_97 : memref<1x128xi32, #tpu.memory_space<vmem>> -> memref<128xi32, #tpu.memory_space<vmem>>
        %dma_start3A_99 = arith.constant 0 : i32
        %dma_start3A_100 = arith.constant 0 : i32
        %dma_start3A_101 = tpu.memref_slice %arg10[%dma_start3A_99, %dma_start3A_100] : memref<10240x128xf32, #tpu.memory_space<vmem_shared>> -> memref<10240x128xf32, #tpu.memory_space<vmem_shared>>
        tpu.enqueue_indirect_dma source(%arg9 : memref<128x128xf32, #tpu.memory_space<vmem>>) target(%dma_start3A_101 : memref<10240x128xf32, #tpu.memory_space<vmem_shared>>) offsets(%dma_start3A_98 : memref<128xi32, #tpu.memory_space<vmem>>) semaphore(%run_scoped3A : memref<!tpu.dma_semaphore, #tpu.memory_space<semaphore_mem>>) {add = true}
        %dma_wait3A_102 = arith.constant 0 : i32
        %dma_wait3A_103 = tpu.memref_slice %arg7[%add3A_84, %dma_wait3A_102] : memref<40x128xi32, #tpu.memory_space<vmem>> -> memref<1x128xi32, #tpu.memory_space<vmem>>
        %dma_wait3A_104 = tpu.memref_squeeze %dma_wait3A_103 : memref<1x128xi32, #tpu.memory_space<vmem>> -> memref<128xi32, #tpu.memory_space<vmem>>
        %dma_wait3A_105 = arith.constant 0 : i32
        %dma_wait3A_106 = arith.constant 0 : i32
        %dma_wait3A_107 = tpu.memref_slice %arg10[%dma_wait3A_105, %dma_wait3A_106] : memref<10240x128xf32, #tpu.memory_space<vmem_shared>> -> memref<10240x128xf32, #tpu.memory_space<vmem_shared>>
        tpu.wait_indirect_dma semaphore(%run_scoped3A : memref<!tpu.dma_semaphore, #tpu.memory_space<semaphore_mem>>) src(%arg9 : memref<128x128xf32, #tpu.memory_space<vmem>>) dst(%dma_wait3A_107 : memref<10240x128xf32, #tpu.memory_space<vmem_shared>>)
        tpu.yield
      }) : () -> ()
      %lt3A_91 = arith.constant 19 : i32
      %lt3A_92 = arith.cmpi slt, %scan3A_69, %lt3A_91 : i32
      %convert_element_type3A_93 = arith.extui %lt3A_92 : i1 to i32
      %cond3A_94 = arith.constant 0 : i32
      %cond3A_95 = arith.cmpi ne, %convert_element_type3A_93, %cond3A_94 : i32
      scf.if %cond3A_95 {
        %add3A_96 = arith.constant 2 : i32
        %add3A_97 = arith.addi %add3A_84, %add3A_96 : i32
        %dma_start3A_98 = arith.constant 0 : i32
        %dma_start3A_99 = tpu.memref_slice %arg6[%add3A_97, %dma_start3A_98] : memref<40x128xi32, #tpu.memory_space<vmem>> -> memref<1x128xi32, #tpu.memory_space<vmem>>
        %dma_start3A_100 = tpu.memref_squeeze %dma_start3A_99 : memref<1x128xi32, #tpu.memory_space<vmem>> -> memref<128xi32, #tpu.memory_space<vmem>>
        %dma_start3A_101 = arith.constant 0 : i32
        %dma_start3A_102 = arith.constant 0 : i32
        %dma_start3A_103 = tpu.memref_slice %arg2[%dma_start3A_101, %dma_start3A_102] : memref<10240x128xf32, #tpu.memory_space<hbm>> -> memref<10240x128xf32, #tpu.memory_space<hbm>>
        tpu.enqueue_indirect_dma source(%dma_start3A_103 : memref<10240x128xf32, #tpu.memory_space<hbm>>) target(%arg9 : memref<128x128xf32, #tpu.memory_space<vmem>>) offsets(%dma_start3A_100 : memref<128xi32, #tpu.memory_space<vmem>>) semaphore(%arg12 : memref<!tpu.dma_semaphore, #tpu.memory_space<semaphore_mem>>)
      } else {
      }
    }
    %scan3A_42 = arith.constant 20 : i32
    %mul3A_43 = arith.constant 80 : i32
    %mul3A_44 = arith.muli %add3A, %mul3A_43 : i32
    %add3A_45 = arith.constant 40 : i32
    %add3A_46 = arith.addi %mul3A_44, %add3A_45 : i32
    %multiple_of3A_47 = tpu.assume_multiple %add3A_46, 8 : i32
    "tpu.region"() ({
      %run_scoped3A = tpu.sem_alloc : memref<!tpu.dma_semaphore, #tpu.memory_space<semaphore_mem>>
      %dma_start3A_69 = arith.constant 0 : i32
      %dma_start3A_70 = tpu.memref_slice %arg3[%multiple_of3A_47, %dma_start3A_69] : memref<2560x128xi32, #tpu.memory_space<hbm>> -> memref<40x128xi32, #tpu.memory_space<hbm>>
      %dma_start3A_71 = arith.constant 0 : i32
      %dma_start3A_72 = tpu.memref_slice %arg3[%multiple_of3A_47, %dma_start3A_71] : memref<2560x128xi32, #tpu.memory_space<hbm>> -> memref<40x128xi32, #tpu.memory_space<hbm>>
      tpu.enqueue_dma source(%dma_start3A_72 : memref<40x128xi32, #tpu.memory_space<hbm>>) target(%arg6 : memref<40x128xi32, #tpu.memory_space<vmem>>) target_semaphore(%run_scoped3A : memref<!tpu.dma_semaphore, #tpu.memory_space<semaphore_mem>>)
      %dma_wait3A = arith.constant 0 : i32
      %dma_wait3A_73 = tpu.memref_slice %arg3[%multiple_of3A_47, %dma_wait3A] : memref<2560x128xi32, #tpu.memory_space<hbm>> -> memref<40x128xi32, #tpu.memory_space<hbm>>
      %dma_wait3A_74 = arith.constant 0 : i32
      %dma_wait3A_75 = tpu.memref_slice %arg3[%multiple_of3A_47, %dma_wait3A_74] : memref<2560x128xi32, #tpu.memory_space<hbm>> -> memref<40x128xi32, #tpu.memory_space<hbm>>
      tpu.wait_dma2 semaphore(%run_scoped3A : memref<!tpu.dma_semaphore, #tpu.memory_space<semaphore_mem>>) src(%dma_wait3A_75 : memref<40x128xi32, #tpu.memory_space<hbm>>) dst(%arg6 : memref<40x128xi32, #tpu.memory_space<vmem>>)
      tpu.yield
    }) : () -> ()
    "tpu.region"() ({
      %run_scoped3A = tpu.sem_alloc : memref<!tpu.dma_semaphore, #tpu.memory_space<semaphore_mem>>
      %dma_start3A_69 = arith.constant 0 : i32
      %dma_start3A_70 = tpu.memref_slice %arg4[%multiple_of3A_47, %dma_start3A_69] : memref<2560x128xi32, #tpu.memory_space<hbm>> -> memref<40x128xi32, #tpu.memory_space<hbm>>
      %dma_start3A_71 = arith.constant 0 : i32
      %dma_start3A_72 = tpu.memref_slice %arg4[%multiple_of3A_47, %dma_start3A_71] : memref<2560x128xi32, #tpu.memory_space<hbm>> -> memref<40x128xi32, #tpu.memory_space<hbm>>
      tpu.enqueue_dma source(%dma_start3A_72 : memref<40x128xi32, #tpu.memory_space<hbm>>) target(%arg7 : memref<40x128xi32, #tpu.memory_space<vmem>>) target_semaphore(%run_scoped3A : memref<!tpu.dma_semaphore, #tpu.memory_space<semaphore_mem>>)
      %dma_wait3A = arith.constant 0 : i32
      %dma_wait3A_73 = tpu.memref_slice %arg4[%multiple_of3A_47, %dma_wait3A] : memref<2560x128xi32, #tpu.memory_space<hbm>> -> memref<40x128xi32, #tpu.memory_space<hbm>>
      %dma_wait3A_74 = arith.constant 0 : i32
      %dma_wait3A_75 = tpu.memref_slice %arg4[%multiple_of3A_47, %dma_wait3A_74] : memref<2560x128xi32, #tpu.memory_space<hbm>> -> memref<40x128xi32, #tpu.memory_space<hbm>>
      tpu.wait_dma2 semaphore(%run_scoped3A : memref<!tpu.dma_semaphore, #tpu.memory_space<semaphore_mem>>) src(%dma_wait3A_75 : memref<40x128xi32, #tpu.memory_space<hbm>>) dst(%arg7 : memref<40x128xi32, #tpu.memory_space<vmem>>)
      tpu.yield
    }) : () -> ()
    %dma_start3A_48 = arith.constant 0 : i32
    %dma_start3A_49 = arith.constant 0 : i32
    %dma_start3A_50 = tpu.memref_slice %arg6[%dma_start3A_48, %dma_start3A_49] : memref<40x128xi32, #tpu.memory_space<vmem>> -> memref<1x128xi32, #tpu.memory_space<vmem>>
    %dma_start3A_51 = tpu.memref_squeeze %dma_start3A_50 : memref<1x128xi32, #tpu.memory_space<vmem>> -> memref<128xi32, #tpu.memory_space<vmem>>
    %dma_start3A_52 = arith.constant 0 : i32
    %dma_start3A_53 = arith.constant 0 : i32
    %dma_start3A_54 = tpu.memref_slice %arg2[%dma_start3A_52, %dma_start3A_53] : memref<10240x128xf32, #tpu.memory_space<hbm>> -> memref<10240x128xf32, #tpu.memory_space<hbm>>
    tpu.enqueue_indirect_dma source(%dma_start3A_54 : memref<10240x128xf32, #tpu.memory_space<hbm>>) target(%arg8 : memref<128x128xf32, #tpu.memory_space<vmem>>) offsets(%dma_start3A_51 : memref<128xi32, #tpu.memory_space<vmem>>) semaphore(%arg11 : memref<!tpu.dma_semaphore, #tpu.memory_space<semaphore_mem>>)
    %dma_start3A_55 = arith.constant 1 : i32
    %dma_start3A_56 = arith.constant 0 : i32
    %dma_start3A_57 = tpu.memref_slice %arg6[%dma_start3A_55, %dma_start3A_56] : memref<40x128xi32, #tpu.memory_space<vmem>> -> memref<1x128xi32, #tpu.memory_space<vmem>>
    %dma_start3A_58 = tpu.memref_squeeze %dma_start3A_57 : memref<1x128xi32, #tpu.memory_space<vmem>> -> memref<128xi32, #tpu.memory_space<vmem>>
    %dma_start3A_59 = arith.constant 0 : i32
    %dma_start3A_60 = arith.constant 0 : i32
    %dma_start3A_61 = tpu.memref_slice %arg2[%dma_start3A_59, %dma_start3A_60] : memref<10240x128xf32, #tpu.memory_space<hbm>> -> memref<10240x128xf32, #tpu.memory_space<hbm>>
    tpu.enqueue_indirect_dma source(%dma_start3A_61 : memref<10240x128xf32, #tpu.memory_space<hbm>>) target(%arg9 : memref<128x128xf32, #tpu.memory_space<vmem>>) offsets(%dma_start3A_58 : memref<128xi32, #tpu.memory_space<vmem>>) semaphore(%arg12 : memref<!tpu.dma_semaphore, #tpu.memory_space<semaphore_mem>>)
    %scan3A_62 = arith.constant 0 : i32
    %scan3A_63 = arith.constant 0 : i32
    %scan3A_64 = arith.constant 20 : i32
    %scan3A_65 = arith.addi %scan3A_63, %scan3A_64 : i32
    %scan3A_66 = arith.constant 1 : i32
    scf.for %scan3A_69 = %scan3A_63 to %scan3A_65 step %scan3A_66  : i32 {
      %mul3A_70 = arith.constant 2 : i32
      %mul3A_71 = arith.muli %mul3A_70, %scan3A_69 : i32
      %add3A_72 = arith.constant 0 : i32
      %add3A_73 = arith.addi %mul3A_71, %add3A_72 : i32
      %dma_wait3A = arith.constant 0 : i32
      %dma_wait3A_74 = tpu.memref_slice %arg6[%add3A_73, %dma_wait3A] : memref<40x128xi32, #tpu.memory_space<vmem>> -> memref<1x128xi32, #tpu.memory_space<vmem>>
      %dma_wait3A_75 = tpu.memref_squeeze %dma_wait3A_74 : memref<1x128xi32, #tpu.memory_space<vmem>> -> memref<128xi32, #tpu.memory_space<vmem>>
      %dma_wait3A_76 = arith.constant 0 : i32
      %dma_wait3A_77 = arith.constant 0 : i32
      %dma_wait3A_78 = tpu.memref_slice %arg2[%dma_wait3A_76, %dma_wait3A_77] : memref<10240x128xf32, #tpu.memory_space<hbm>> -> memref<10240x128xf32, #tpu.memory_space<hbm>>
      tpu.wait_indirect_dma semaphore(%arg11 : memref<!tpu.dma_semaphore, #tpu.memory_space<semaphore_mem>>) src(%dma_wait3A_78 : memref<10240x128xf32, #tpu.memory_space<hbm>>) dst(%arg8 : memref<128x128xf32, #tpu.memory_space<vmem>>)
      "tpu.region"() ({
        %run_scoped3A = tpu.sem_alloc : memref<!tpu.dma_semaphore, #tpu.memory_space<semaphore_mem>>
        %dma_start3A_96 = arith.constant 0 : i32
        %dma_start3A_97 = tpu.memref_slice %arg7[%add3A_73, %dma_start3A_96] : memref<40x128xi32, #tpu.memory_space<vmem>> -> memref<1x128xi32, #tpu.memory_space<vmem>>
        %dma_start3A_98 = tpu.memref_squeeze %dma_start3A_97 : memref<1x128xi32, #tpu.memory_space<vmem>> -> memref<128xi32, #tpu.memory_space<vmem>>
        %dma_start3A_99 = arith.constant 0 : i32
        %dma_start3A_100 = arith.constant 0 : i32
        %dma_start3A_101 = tpu.memref_slice %arg10[%dma_start3A_99, %dma_start3A_100] : memref<10240x128xf32, #tpu.memory_space<vmem_shared>> -> memref<10240x128xf32, #tpu.memory_space<vmem_shared>>
        tpu.enqueue_indirect_dma source(%arg8 : memref<128x128xf32, #tpu.memory_space<vmem>>) target(%dma_start3A_101 : memref<10240x128xf32, #tpu.memory_space<vmem_shared>>) offsets(%dma_start3A_98 : memref<128xi32, #tpu.memory_space<vmem>>) semaphore(%run_scoped3A : memref<!tpu.dma_semaphore, #tpu.memory_space<semaphore_mem>>) {add = true}
        %dma_wait3A_102 = arith.constant 0 : i32
        %dma_wait3A_103 = tpu.memref_slice %arg7[%add3A_73, %dma_wait3A_102] : memref<40x128xi32, #tpu.memory_space<vmem>> -> memref<1x128xi32, #tpu.memory_space<vmem>>
        %dma_wait3A_104 = tpu.memref_squeeze %dma_wait3A_103 : memref<1x128xi32, #tpu.memory_space<vmem>> -> memref<128xi32, #tpu.memory_space<vmem>>
        %dma_wait3A_105 = arith.constant 0 : i32
        %dma_wait3A_106 = arith.constant 0 : i32
        %dma_wait3A_107 = tpu.memref_slice %arg10[%dma_wait3A_105, %dma_wait3A_106] : memref<10240x128xf32, #tpu.memory_space<vmem_shared>> -> memref<10240x128xf32, #tpu.memory_space<vmem_shared>>
        tpu.wait_indirect_dma semaphore(%run_scoped3A : memref<!tpu.dma_semaphore, #tpu.memory_space<semaphore_mem>>) src(%arg8 : memref<128x128xf32, #tpu.memory_space<vmem>>) dst(%dma_wait3A_107 : memref<10240x128xf32, #tpu.memory_space<vmem_shared>>)
        tpu.yield
      }) : () -> ()
      %lt3A = arith.constant 19 : i32
      %lt3A_79 = arith.cmpi slt, %scan3A_69, %lt3A : i32
      %convert_element_type3A = arith.extui %lt3A_79 : i1 to i32
      %cond3A = arith.constant 0 : i32
      %cond3A_80 = arith.cmpi ne, %convert_element_type3A, %cond3A : i32
      scf.if %cond3A_80 {
        %add3A_96 = arith.constant 2 : i32
        %add3A_97 = arith.addi %add3A_73, %add3A_96 : i32
        %dma_start3A_98 = arith.constant 0 : i32
        %dma_start3A_99 = tpu.memref_slice %arg6[%add3A_97, %dma_start3A_98] : memref<40x128xi32, #tpu.memory_space<vmem>> -> memref<1x128xi32, #tpu.memory_space<vmem>>
        %dma_start3A_100 = tpu.memref_squeeze %dma_start3A_99 : memref<1x128xi32, #tpu.memory_space<vmem>> -> memref<128xi32, #tpu.memory_space<vmem>>
        %dma_start3A_101 = arith.constant 0 : i32
        %dma_start3A_102 = arith.constant 0 : i32
        %dma_start3A_103 = tpu.memref_slice %arg2[%dma_start3A_101, %dma_start3A_102] : memref<10240x128xf32, #tpu.memory_space<hbm>> -> memref<10240x128xf32, #tpu.memory_space<hbm>>
        tpu.enqueue_indirect_dma source(%dma_start3A_103 : memref<10240x128xf32, #tpu.memory_space<hbm>>) target(%arg8 : memref<128x128xf32, #tpu.memory_space<vmem>>) offsets(%dma_start3A_100 : memref<128xi32, #tpu.memory_space<vmem>>) semaphore(%arg11 : memref<!tpu.dma_semaphore, #tpu.memory_space<semaphore_mem>>)
      } else {
      }
      %mul3A_81 = arith.constant 2 : i32
      %mul3A_82 = arith.muli %mul3A_81, %scan3A_69 : i32
      %add3A_83 = arith.constant 1 : i32
      %add3A_84 = arith.addi %mul3A_82, %add3A_83 : i32
      %dma_wait3A_85 = arith.constant 0 : i32
      %dma_wait3A_86 = tpu.memref_slice %arg6[%add3A_84, %dma_wait3A_85] : memref<40x128xi32, #tpu.memory_space<vmem>> -> memref<1x128xi32, #tpu.memory_space<vmem>>
      %dma_wait3A_87 = tpu.memref_squeeze %dma_wait3A_86 : memref<1x128xi32, #tpu.memory_space<vmem>> -> memref<128xi32, #tpu.memory_space<vmem>>
      %dma_wait3A_88 = arith.constant 0 : i32
      %dma_wait3A_89 = arith.constant 0 : i32
      %dma_wait3A_90 = tpu.memref_slice %arg2[%dma_wait3A_88, %dma_wait3A_89] : memref<10240x128xf32, #tpu.memory_space<hbm>> -> memref<10240x128xf32, #tpu.memory_space<hbm>>
      tpu.wait_indirect_dma semaphore(%arg12 : memref<!tpu.dma_semaphore, #tpu.memory_space<semaphore_mem>>) src(%dma_wait3A_90 : memref<10240x128xf32, #tpu.memory_space<hbm>>) dst(%arg9 : memref<128x128xf32, #tpu.memory_space<vmem>>)
      "tpu.region"() ({
        %run_scoped3A = tpu.sem_alloc : memref<!tpu.dma_semaphore, #tpu.memory_space<semaphore_mem>>
        %dma_start3A_96 = arith.constant 0 : i32
        %dma_start3A_97 = tpu.memref_slice %arg7[%add3A_84, %dma_start3A_96] : memref<40x128xi32, #tpu.memory_space<vmem>> -> memref<1x128xi32, #tpu.memory_space<vmem>>
        %dma_start3A_98 = tpu.memref_squeeze %dma_start3A_97 : memref<1x128xi32, #tpu.memory_space<vmem>> -> memref<128xi32, #tpu.memory_space<vmem>>
        %dma_start3A_99 = arith.constant 0 : i32
        %dma_start3A_100 = arith.constant 0 : i32
        %dma_start3A_101 = tpu.memref_slice %arg10[%dma_start3A_99, %dma_start3A_100] : memref<10240x128xf32, #tpu.memory_space<vmem_shared>> -> memref<10240x128xf32, #tpu.memory_space<vmem_shared>>
        tpu.enqueue_indirect_dma source(%arg9 : memref<128x128xf32, #tpu.memory_space<vmem>>) target(%dma_start3A_101 : memref<10240x128xf32, #tpu.memory_space<vmem_shared>>) offsets(%dma_start3A_98 : memref<128xi32, #tpu.memory_space<vmem>>) semaphore(%run_scoped3A : memref<!tpu.dma_semaphore, #tpu.memory_space<semaphore_mem>>) {add = true}
        %dma_wait3A_102 = arith.constant 0 : i32
        %dma_wait3A_103 = tpu.memref_slice %arg7[%add3A_84, %dma_wait3A_102] : memref<40x128xi32, #tpu.memory_space<vmem>> -> memref<1x128xi32, #tpu.memory_space<vmem>>
        %dma_wait3A_104 = tpu.memref_squeeze %dma_wait3A_103 : memref<1x128xi32, #tpu.memory_space<vmem>> -> memref<128xi32, #tpu.memory_space<vmem>>
        %dma_wait3A_105 = arith.constant 0 : i32
        %dma_wait3A_106 = arith.constant 0 : i32
        %dma_wait3A_107 = tpu.memref_slice %arg10[%dma_wait3A_105, %dma_wait3A_106] : memref<10240x128xf32, #tpu.memory_space<vmem_shared>> -> memref<10240x128xf32, #tpu.memory_space<vmem_shared>>
        tpu.wait_indirect_dma semaphore(%run_scoped3A : memref<!tpu.dma_semaphore, #tpu.memory_space<semaphore_mem>>) src(%arg9 : memref<128x128xf32, #tpu.memory_space<vmem>>) dst(%dma_wait3A_107 : memref<10240x128xf32, #tpu.memory_space<vmem_shared>>)
        tpu.yield
      }) : () -> ()
      %lt3A_91 = arith.constant 19 : i32
      %lt3A_92 = arith.cmpi slt, %scan3A_69, %lt3A_91 : i32
      %convert_element_type3A_93 = arith.extui %lt3A_92 : i1 to i32
      %cond3A_94 = arith.constant 0 : i32
      %cond3A_95 = arith.cmpi ne, %convert_element_type3A_93, %cond3A_94 : i32
      scf.if %cond3A_95 {
        %add3A_96 = arith.constant 2 : i32
        %add3A_97 = arith.addi %add3A_84, %add3A_96 : i32
        %dma_start3A_98 = arith.constant 0 : i32
        %dma_start3A_99 = tpu.memref_slice %arg6[%add3A_97, %dma_start3A_98] : memref<40x128xi32, #tpu.memory_space<vmem>> -> memref<1x128xi32, #tpu.memory_space<vmem>>
        %dma_start3A_100 = tpu.memref_squeeze %dma_start3A_99 : memref<1x128xi32, #tpu.memory_space<vmem>> -> memref<128xi32, #tpu.memory_space<vmem>>
        %dma_start3A_101 = arith.constant 0 : i32
        %dma_start3A_102 = arith.constant 0 : i32
        %dma_start3A_103 = tpu.memref_slice %arg2[%dma_start3A_101, %dma_start3A_102] : memref<10240x128xf32, #tpu.memory_space<hbm>> -> memref<10240x128xf32, #tpu.memory_space<hbm>>
        tpu.enqueue_indirect_dma source(%dma_start3A_103 : memref<10240x128xf32, #tpu.memory_space<hbm>>) target(%arg9 : memref<128x128xf32, #tpu.memory_space<vmem>>) offsets(%dma_start3A_100 : memref<128xi32, #tpu.memory_space<vmem>>) semaphore(%arg12 : memref<!tpu.dma_semaphore, #tpu.memory_space<semaphore_mem>>)
      } else {
      }
    }
    %scan3A_67 = arith.constant 20 : i32
    %barrier3A_68 = arith.constant 0 : index
    tpu.barrier barrier_id(%barrier3A_68)
    "tpu.region"() ({
      %run_scoped3A = tpu.sem_alloc : memref<!tpu.dma_semaphore, #tpu.memory_space<semaphore_mem>>
      %dma_start3A_69 = arith.constant 0 : i32
      %dma_start3A_70 = tpu.memref_slice %arg5[%arg0, %multiple_of3A, %dma_start3A_69] : memref<2x10240x128xf32, #tpu.memory_space<hbm>> -> memref<1x640x128xf32, #tpu.memory_space<hbm>>
      %dma_start3A_71 = tpu.memref_squeeze %dma_start3A_70 : memref<1x640x128xf32, #tpu.memory_space<hbm>> -> memref<640x128xf32, #tpu.memory_space<hbm>>
      %dma_start3A_72 = arith.constant 0 : i32
      %dma_start3A_73 = tpu.memref_slice %arg10[%multiple_of3A, %dma_start3A_72] : memref<10240x128xf32, #tpu.memory_space<vmem_shared>> -> memref<640x128xf32, #tpu.memory_space<vmem_shared>>
      tpu.enqueue_dma source(%dma_start3A_73 : memref<640x128xf32, #tpu.memory_space<vmem_shared>>) target(%dma_start3A_71 : memref<640x128xf32, #tpu.memory_space<hbm>>) target_semaphore(%run_scoped3A : memref<!tpu.dma_semaphore, #tpu.memory_space<semaphore_mem>>)
      %dma_wait3A = arith.constant 0 : i32
      %dma_wait3A_74 = tpu.memref_slice %arg5[%arg0, %multiple_of3A, %dma_wait3A] : memref<2x10240x128xf32, #tpu.memory_space<hbm>> -> memref<1x640x128xf32, #tpu.memory_space<hbm>>
      %dma_wait3A_75 = tpu.memref_squeeze %dma_wait3A_74 : memref<1x640x128xf32, #tpu.memory_space<hbm>> -> memref<640x128xf32, #tpu.memory_space<hbm>>
      %dma_wait3A_76 = arith.constant 0 : i32
      %dma_wait3A_77 = tpu.memref_slice %arg10[%multiple_of3A, %dma_wait3A_76] : memref<10240x128xf32, #tpu.memory_space<vmem_shared>> -> memref<640x128xf32, #tpu.memory_space<vmem_shared>>
      tpu.wait_dma2 semaphore(%run_scoped3A : memref<!tpu.dma_semaphore, #tpu.memory_space<semaphore_mem>>) src(%dma_wait3A_77 : memref<640x128xf32, #tpu.memory_space<vmem_shared>>) dst(%dma_wait3A_75 : memref<640x128xf32, #tpu.memory_space<hbm>>)
      tpu.yield
    }) : () -> ()
    return
  }
}

module attributes {stable_mosaic.version = 14 : i64} {
  func.func @_tc1_body(%arg0: i32, %arg1: memref<2x2048x128xf32, #tpu.memory_space<vmem>>, %arg2: memref<2048x128xf32, #tpu.memory_space<vmem>>, %arg3: memref<128x128xf32, #tpu.memory_space<vmem>>, %arg4: memref<2048x128xf32, #tpu.memory_space<vmem>>, %arg5: memref<2048x128xf32, #tpu.memory_space<vmem>>) attributes {dimension_semantics = [#tpu.dimension_semantics<arbitrary>], iteration_bounds = array<i64: 5>, scalar_prefetch = 0 : i64, scratch_operands = 0 : i64, tpu.core_type = #tpu.core_type<tc>, window_params = [{transform_indices = @transform_0, window_bounds = array<i64: 2, 2048, 128>}, {transform_indices = @transform_1, window_bounds = array<i64: 2048, 128>}, {pipeline_mode = #tpu.pipeline_mode<synchronous>, transform_indices = @transform_2, window_bounds = array<i64: 128, 128>}, {transform_indices = @transform_3, window_bounds = array<i64: 2048, 128>}, {transform_indices = @transform_4, window_bounds = array<i64: 2048, 128>}]} {
    %get3A = arith.constant 0 : index
    %get3A_0 = arith.constant 0 : index
    %get3A_1 = arith.constant 0 : index
    %get3A_2 = vector.load %arg1[%get3A, %get3A_0, %get3A_1] : memref<2x2048x128xf32, #tpu.memory_space<vmem>>, vector<2x2048x128xf32>
    %slice3A = vector.extract_strided_slice %get3A_2 {offsets = [0, 0, 0], sizes = [1, 2048, 1], strides = [1, 1, 1]} : vector<2x2048x128xf32> to vector<1x2048x1xf32>
    %squeeze3A = vector.shape_cast %slice3A : vector<1x2048x1xf32> to vector<2048x1xf32>
    %slice3A_3 = vector.extract_strided_slice %get3A_2 {offsets = [1, 0, 0], sizes = [1, 2048, 1], strides = [1, 1, 1]} : vector<2x2048x128xf32> to vector<1x2048x1xf32>
    %squeeze3A_4 = vector.shape_cast %slice3A_3 : vector<1x2048x1xf32> to vector<2048x1xf32>
    %add3A = arith.addf %squeeze3A, %squeeze3A_4 : vector<2048x1xf32>
    %add3A_5 = arith.constant 1.000000e+00 : f32
    %add3A_6 = vector.broadcast %add3A_5 : f32 to vector<2048x1xf32>
    %add3A_7 = arith.addf %add3A, %add3A_6 : vector<2048x1xf32>
    %rsqrt3A = math.rsqrt %add3A_7 : vector<2048x1xf32>
    %get3A_8 = arith.constant 0 : index
    %get3A_9 = arith.constant 0 : index
    %get3A_10 = vector.load %arg2[%get3A_8, %get3A_9] : memref<2048x128xf32, #tpu.memory_space<vmem>>, vector<2048x128xf32>
    %get3A_11 = arith.constant 0 : index
    %get3A_12 = arith.constant 0 : index
    %get3A_13 = vector.load %arg3[%get3A_11, %get3A_12] : memref<128x128xf32, #tpu.memory_space<vmem>>, vector<128x128xf32>
    %dot_general3A = arith.constant dense<0.000000e+00> : vector<2048x128xf32>
    %dot_general3A_14 = tpu.matmul %get3A_10, %get3A_13, %dot_general3A {dimension_numbers = #tpu.dot_dimension_numbers<[1], [0], [0], [1], [0, 0, 1, 1], [], []>, transpose_lhs_hint = false} : vector<2048x128xf32>, vector<128x128xf32>, vector<2048x128xf32> -> vector<2048x128xf32>
    %broadcast_in_dim3A = vector.shape_cast %rsqrt3A : vector<2048x1xf32> to vector<2048x1xf32>
    %broadcast_in_dim3A_15 = vector.broadcast %broadcast_in_dim3A : vector<2048x1xf32> to vector<2048x128xf32>
    %swap3A = arith.constant 0 : index
    %swap3A_16 = arith.constant 0 : index
    %swap3A_17 = vector.load %arg4[%swap3A, %swap3A_16] : memref<2048x128xf32, #tpu.memory_space<vmem>>, vector<2048x128xf32>
    tpu.vector_store %arg4[%swap3A, %swap3A_16], %broadcast_in_dim3A_15 {strides = array<i32>} : memref<2048x128xf32, #tpu.memory_space<vmem>>, vector<2048x128xf32>,
    %mul3A = arith.mulf %dot_general3A_14, %broadcast_in_dim3A_15 : vector<2048x128xf32>
    %swap3A_18 = arith.constant 0 : index
    %swap3A_19 = arith.constant 0 : index
    %swap3A_20 = vector.load %arg5[%swap3A_18, %swap3A_19] : memref<2048x128xf32, #tpu.memory_space<vmem>>, vector<2048x128xf32>
    tpu.vector_store %arg5[%swap3A_18, %swap3A_19], %mul3A {strides = array<i32>} : memref<2048x128xf32, #tpu.memory_space<vmem>>, vector<2048x128xf32>,
    return
  }
  func.func @transform_0(%arg0: i32) -> (i32, i32, i32) {
    %c0_i32 = arith.constant 0 : i32
    %c0_i32_0 = arith.constant 0 : i32
    %c0_i32_1 = arith.constant 0 : i32
    return %c0_i32, %arg0, %c0_i32_0 : i32, i32, i32
  }
  func.func @transform_1(%arg0: i32) -> (i32, i32) {
    %c0_i32 = arith.constant 0 : i32
    %c0_i32_0 = arith.constant 0 : i32
    return %arg0, %c0_i32 : i32, i32
  }
  func.func @transform_2(%arg0: i32) -> (i32, i32) {
    %c0_i32 = arith.constant 0 : i32
    %c0_i32_0 = arith.constant 0 : i32
    %c0_i32_1 = arith.constant 0 : i32
    return %c0_i32, %c0_i32_0 : i32, i32
  }
  func.func @transform_3(%arg0: i32) -> (i32, i32) {
    %c0_i32 = arith.constant 0 : i32
    %c0_i32_0 = arith.constant 0 : i32
    return %arg0, %c0_i32 : i32, i32
  }
  func.func @transform_4(%arg0: i32) -> (i32, i32) {
    %c0_i32 = arith.constant 0 : i32
    %c0_i32_0 = arith.constant 0 : i32
    return %arg0, %c0_i32 : i32, i32
  }
}

module attributes {stable_mosaic.version = 14 : i64} {
  func.func @_tc2_body(%arg0: i32, %arg1: memref<2x2048x128xf32, #tpu.memory_space<vmem>>, %arg2: memref<2048x128xf32, #tpu.memory_space<vmem>>, %arg3: memref<2048x128xf32, #tpu.memory_space<vmem>>, %arg4: memref<1x128xf32, #tpu.memory_space<vmem>>, %arg5: memref<128x128xf32, #tpu.memory_space<vmem>>, %arg6: memref<2048x128xf32, #tpu.memory_space<vmem>>) attributes {dimension_semantics = [#tpu.dimension_semantics<arbitrary>], iteration_bounds = array<i64: 5>, scalar_prefetch = 0 : i64, scratch_operands = 0 : i64, tpu.core_type = #tpu.core_type<tc>, window_params = [{transform_indices = @transform_0, window_bounds = array<i64: 2, 2048, 128>}, {transform_indices = @transform_1, window_bounds = array<i64: 2048, 128>}, {transform_indices = @transform_2, window_bounds = array<i64: 2048, 128>}, {pipeline_mode = #tpu.pipeline_mode<synchronous>, transform_indices = @transform_3, window_bounds = array<i64: 1, 128>}, {pipeline_mode = #tpu.pipeline_mode<synchronous>, transform_indices = @transform_4, window_bounds = array<i64: 128, 128>}, {transform_indices = @transform_5, window_bounds = array<i64: 2048, 128>}]} {
    %get3A = arith.constant 0 : index
    %get3A_0 = arith.constant 0 : index
    %get3A_1 = arith.constant 0 : index
    %get3A_2 = vector.load %arg1[%get3A, %get3A_0, %get3A_1] : memref<2x2048x128xf32, #tpu.memory_space<vmem>>, vector<2x2048x128xf32>
    %slice3A = vector.extract_strided_slice %get3A_2 {offsets = [0, 0, 0], sizes = [1, 2048, 128], strides = [1, 1, 1]} : vector<2x2048x128xf32> to vector<1x2048x128xf32>
    %squeeze3A = vector.shape_cast %slice3A : vector<1x2048x128xf32> to vector<2048x128xf32>
    %slice3A_3 = vector.extract_strided_slice %get3A_2 {offsets = [1, 0, 0], sizes = [1, 2048, 128], strides = [1, 1, 1]} : vector<2x2048x128xf32> to vector<1x2048x128xf32>
    %squeeze3A_4 = vector.shape_cast %slice3A_3 : vector<1x2048x128xf32> to vector<2048x128xf32>
    %add3A = arith.addf %squeeze3A, %squeeze3A_4 : vector<2048x128xf32>
    %get3A_5 = arith.constant 0 : index
    %get3A_6 = arith.constant 0 : index
    %get3A_7 = vector.load %arg2[%get3A_5, %get3A_6] : memref<2048x128xf32, #tpu.memory_space<vmem>>, vector<2048x128xf32>
    %add3A_8 = arith.addf %add3A, %get3A_7 : vector<2048x128xf32>
    %get3A_9 = arith.constant 0 : index
    %get3A_10 = arith.constant 0 : index
    %get3A_11 = vector.load %arg3[%get3A_9, %get3A_10] : memref<2048x128xf32, #tpu.memory_space<vmem>>, vector<2048x128xf32>
    %mul3A = arith.mulf %get3A_11, %add3A_8 : vector<2048x128xf32>
    %get3A_12 = arith.constant 0 : index
    %get3A_13 = arith.constant 0 : index
    %get3A_14 = vector.load %arg4[%get3A_12, %get3A_13] : memref<1x128xf32, #tpu.memory_space<vmem>>, vector<1x128xf32>
    %add3A_15 = vector.broadcast %get3A_14 : vector<1x128xf32> to vector<2048x128xf32>
    %add3A_16 = arith.addf %mul3A, %add3A_15 : vector<2048x128xf32>
    %max3A = arith.constant 0.000000e+00 : f32
    %max3A_17 = vector.broadcast %max3A : f32 to vector<2048x128xf32>
    %max3A_18 = arith.maximumf %add3A_16, %max3A_17 : vector<2048x128xf32>
    %get3A_19 = arith.constant 0 : index
    %get3A_20 = arith.constant 0 : index
    %get3A_21 = vector.load %arg5[%get3A_19, %get3A_20] : memref<128x128xf32, #tpu.memory_space<vmem>>, vector<128x128xf32>
    %dot_general3A = arith.constant dense<0.000000e+00> : vector<2048x128xf32>
    %dot_general3A_22 = tpu.matmul %max3A_18, %get3A_21, %dot_general3A {dimension_numbers = #tpu.dot_dimension_numbers<[1], [0], [0], [1], [0, 0, 1, 1], [], []>, transpose_lhs_hint = false} : vector<2048x128xf32>, vector<128x128xf32>, vector<2048x128xf32> -> vector<2048x128xf32>
    %get3A_23 = arith.constant 0 : index
    %get3A_24 = arith.constant 0 : index
    %get3A_25 = vector.load %arg3[%get3A_23, %get3A_24] : memref<2048x128xf32, #tpu.memory_space<vmem>>, vector<2048x128xf32>
    %mul3A_26 = arith.mulf %dot_general3A_22, %get3A_25 : vector<2048x128xf32>
    %swap3A = arith.constant 0 : index
    %swap3A_27 = arith.constant 0 : index
    %swap3A_28 = vector.load %arg6[%swap3A, %swap3A_27] : memref<2048x128xf32, #tpu.memory_space<vmem>>, vector<2048x128xf32>
    tpu.vector_store %arg6[%swap3A, %swap3A_27], %mul3A_26 {strides = array<i32>} : memref<2048x128xf32, #tpu.memory_space<vmem>>, vector<2048x128xf32>,
    return
  }
  func.func @transform_0(%arg0: i32) -> (i32, i32, i32) {
    %c0_i32 = arith.constant 0 : i32
    %c0_i32_0 = arith.constant 0 : i32
    %c0_i32_1 = arith.constant 0 : i32
    return %c0_i32, %arg0, %c0_i32_0 : i32, i32, i32
  }
  func.func @transform_1(%arg0: i32) -> (i32, i32) {
    %c0_i32 = arith.constant 0 : i32
    %c0_i32_0 = arith.constant 0 : i32
    return %arg0, %c0_i32 : i32, i32
  }
  func.func @transform_2(%arg0: i32) -> (i32, i32) {
    %c0_i32 = arith.constant 0 : i32
    %c0_i32_0 = arith.constant 0 : i32
    return %arg0, %c0_i32 : i32, i32
  }
  func.func @transform_3(%arg0: i32) -> (i32, i32) {
    %c0_i32 = arith.constant 0 : i32
    %c0_i32_0 = arith.constant 0 : i32
    %c0_i32_1 = arith.constant 0 : i32
    return %c0_i32, %c0_i32_0 : i32, i32
  }
  func.func @transform_4(%arg0: i32) -> (i32, i32) {
    %c0_i32 = arith.constant 0 : i32
    %c0_i32_0 = arith.constant 0 : i32
    %c0_i32_1 = arith.constant 0 : i32
    return %c0_i32, %c0_i32_0 : i32, i32
  }
  func.func @transform_5(%arg0: i32) -> (i32, i32) {
    %c0_i32 = arith.constant 0 : i32
    %c0_i32_0 = arith.constant 0 : i32
    return %arg0, %c0_i32 : i32, i32
  }
}

module attributes {stable_mosaic.version = 14 : i64} {
  func.func @_tc3_body(%arg0: i32, %arg1: memref<2x2000x128xf32, #tpu.memory_space<vmem>>, %arg2: memref<2000x128xf32, #tpu.memory_space<vmem>>, %arg3: memref<2000x128xf32, #tpu.memory_space<vmem>>, %arg4: memref<1x128xf32, #tpu.memory_space<vmem>>, %arg5: memref<2000x128xf32, #tpu.memory_space<vmem>>) attributes {dimension_semantics = [#tpu.dimension_semantics<arbitrary>], iteration_bounds = array<i64: 5>, scalar_prefetch = 0 : i64, scratch_operands = 0 : i64, tpu.core_type = #tpu.core_type<tc>, window_params = [{transform_indices = @transform_0, window_bounds = array<i64: 2, 2000, 128>}, {transform_indices = @transform_1, window_bounds = array<i64: 2000, 128>}, {transform_indices = @transform_2, window_bounds = array<i64: 2000, 128>}, {pipeline_mode = #tpu.pipeline_mode<synchronous>, transform_indices = @transform_3, window_bounds = array<i64: 1, 128>}, {transform_indices = @transform_4, window_bounds = array<i64: 2000, 128>}]} {
    %get3A = arith.constant 0 : index
    %get3A_0 = arith.constant 0 : index
    %get3A_1 = arith.constant 0 : index
    %get3A_2 = vector.load %arg1[%get3A, %get3A_0, %get3A_1] : memref<2x2000x128xf32, #tpu.memory_space<vmem>>, vector<2x2000x128xf32>
    %slice3A = vector.extract_strided_slice %get3A_2 {offsets = [0, 0, 0], sizes = [1, 2000, 128], strides = [1, 1, 1]} : vector<2x2000x128xf32> to vector<1x2000x128xf32>
    %squeeze3A = vector.shape_cast %slice3A : vector<1x2000x128xf32> to vector<2000x128xf32>
    %slice3A_3 = vector.extract_strided_slice %get3A_2 {offsets = [1, 0, 0], sizes = [1, 2000, 128], strides = [1, 1, 1]} : vector<2x2000x128xf32> to vector<1x2000x128xf32>
    %squeeze3A_4 = vector.shape_cast %slice3A_3 : vector<1x2000x128xf32> to vector<2000x128xf32>
    %add3A = arith.addf %squeeze3A, %squeeze3A_4 : vector<2000x128xf32>
    %get3A_5 = arith.constant 0 : index
    %get3A_6 = arith.constant 0 : index
    %get3A_7 = vector.load %arg2[%get3A_5, %get3A_6] : memref<2000x128xf32, #tpu.memory_space<vmem>>, vector<2000x128xf32>
    %add3A_8 = arith.addf %add3A, %get3A_7 : vector<2000x128xf32>
    %get3A_9 = arith.constant 0 : index
    %get3A_10 = arith.constant 0 : index
    %get3A_11 = vector.load %arg3[%get3A_9, %get3A_10] : memref<2000x128xf32, #tpu.memory_space<vmem>>, vector<2000x128xf32>
    %mul3A = arith.mulf %get3A_11, %add3A_8 : vector<2000x128xf32>
    %get3A_12 = arith.constant 0 : index
    %get3A_13 = arith.constant 0 : index
    %get3A_14 = vector.load %arg4[%get3A_12, %get3A_13] : memref<1x128xf32, #tpu.memory_space<vmem>>, vector<1x128xf32>
    %add3A_15 = vector.broadcast %get3A_14 : vector<1x128xf32> to vector<2000x128xf32>
    %add3A_16 = arith.addf %mul3A, %add3A_15 : vector<2000x128xf32>
    %swap3A = arith.constant 0 : index
    %swap3A_17 = arith.constant 0 : index
    %swap3A_18 = vector.load %arg5[%swap3A, %swap3A_17] : memref<2000x128xf32, #tpu.memory_space<vmem>>, vector<2000x128xf32>
    tpu.vector_store %arg5[%swap3A, %swap3A_17], %add3A_16 {strides = array<i32>} : memref<2000x128xf32, #tpu.memory_space<vmem>>, vector<2000x128xf32>,
    return
  }
  func.func @transform_0(%arg0: i32) -> (i32, i32, i32) {
    %c0_i32 = arith.constant 0 : i32
    %c0_i32_0 = arith.constant 0 : i32
    %c0_i32_1 = arith.constant 0 : i32
    return %c0_i32, %arg0, %c0_i32_0 : i32, i32, i32
  }
  func.func @transform_1(%arg0: i32) -> (i32, i32) {
    %c0_i32 = arith.constant 0 : i32
    %c0_i32_0 = arith.constant 0 : i32
    return %arg0, %c0_i32 : i32, i32
  }
  func.func @transform_2(%arg0: i32) -> (i32, i32) {
    %c0_i32 = arith.constant 0 : i32
    %c0_i32_0 = arith.constant 0 : i32
    return %arg0, %c0_i32 : i32, i32
  }
  func.func @transform_3(%arg0: i32) -> (i32, i32) {
    %c0_i32 = arith.constant 0 : i32
    %c0_i32_0 = arith.constant 0 : i32
    %c0_i32_1 = arith.constant 0 : i32
    return %c0_i32, %c0_i32_0 : i32, i32
  }
  func.func @transform_4(%arg0: i32) -> (i32, i32) {
    %c0_i32 = arith.constant 0 : i32
    %c0_i32_0 = arith.constant 0 : i32
    return %arg0, %c0_i32 : i32, i32
  }
}

</mosaic_0001>

<sc_bundles>
// kernel: kernel.11.cloned.1.call-start
scs
__scs_entry_jumppad:
0x0: {  	(pc) =	sbr.rel $0x88, $3  }
0x1: {  	(tag) =	ssettag $0x0;
	lr =	simm.s32 $0x1  }
0x2: {  	[smem:$0x3F9B] =	sst lr;
	_ =	strace $0xD0000000  }
0x3: {  	_ = 	snop  }
0x4: {  	_ = 	snop  }
0x5: {  	_ = 	snop  }
0x6: {  	_ = 	snop  }
0x7: {  	_ = 	snop  }
__scs_overlays_trampoline_lowered:
0x8: {  	[smem:$0x3FAA] =	sst s0  }
0x9: {  	[smem:$0x3FAB] =	sst s1  }
0xa: {  	[smem:$0x3FAC] =	sst s2  }
0xb: {  	[smem:$0x3FAD] =	sst s3  }
0xc: {  	[smem:$0x3FAE] =	sst s4  }
0xd: {  	[smem:$0x3FAF] =	sst s5  }
0xe: {  	[smem:$0x3FB0] =	sst s6  }
0xf: {  	[smem:$0x3FB1] =	sst s7  }
0x10: {  	[smem:$0x3FB2] =	sst s8  }
0x11: {  	[smem:$0x3FB3] =	sst s9;
	s0 =	simm.s32 @!p0 $0x0  }
0x12: {  	s1 =	sld [smem:$0x3F99];
	s0 =	simm.s32 @p0 $0x1  }
0x13: {  	[smem:$0x3FB4] =	sst s0;
	s0 =	simm.s32 @!p1 $0x0  }
0x14: {  	s2 =	sld [smem:$0x3F98];
	s0 =	simm.s32 @p1 $0x1  }
0x15: {  	[smem:$0x3FB5] =	sst s0;
	s0 =	simm.s32 @!p2 $0x0  }
0x16: {  	s3 =	sld [smem:$0x3FDB];
	s0 =	simm.s32 @p2 $0x1  }
0x17: {  	s4 =	simm.s32 $0x1BF5;
	[smem:$0x3FB7] =	sst s0  }
0x18: {  	s0 =	sld [smem:$0x3F9A];
	_ =	swait.ge [sflag:s4], $0x0  }
0x19: {  	s7 =	sld [smem:$0x3F9B]  }
0x1a: {  	s8 =	sadd.s32 $0xFFFFE003, lr  }
0x1b: {  	s9 =	sadd.s32 $0xFFFFFEF7, lr;
	s5 =	simm.s32 $0xFFFFFFFF;
	p2 =	slt.u32 s8, $0xFFFFF086  }
0x1c: {  	p1 =	slt.u32 s9, $0xF7A;
	s5 =	simm.s32 @!p2 $0x0  }
0x1d: {  	s5 =	simm.s32 @p1 $0x1;
	p0 =	seq.s32 s7, s2  }
0x1e: {  	s7 =	smul.u32 @!p0 $0xF7A, s2;
	p2 =	seq.s32 @!p0 s5, $0x0  }
0x1f: {  	s9 =	smul.u32 $0xF7A, s1;
	s8 =	simm.s32 @!p0 $0x1BF5;
	p2 =	por !p2, p0  }
0x20: {  	[sflag:s8] =	ssyncset.s32 @!p0 $0xFFFFF086;
	s6 =	sadd.s32 @!p0 s3, s7;
	s7 =	simm.s32 @!p0 $0x108  }
0x21: {  	s3 =	sadd.s32 s3, s9;
	s6 =	sadd.s32 @!p0 $0x88, s6;
	s7 =	simm.s32 @p2 $0x1082  }
0x22: {  	[simem:s7], [sflag:s8] =	dma.local @!p0 [hbm:s6], $0xF7A  }
0x23: {  	s9 =	sor.u32 $0xD0000000, s2;
	s6 =	simm.s32 $0x108;
	_ =	swait.ge @!p0 [sflag:s8], $0x0  }
0x24: {  	s3 =	sadd.s32 $0x88, s3;
	s6 =	simm.s32 @!p1 $0x1082;
	[sflag:s4] =	ssyncset.s32 $0xFFFFF086  }
0x25: {  	[simem:s6], [sflag:s4] =	dma.local [hbm:s3], $0xF7A  }
0x26: {  	[smem:$0x3F9B] =	sst s1;
	(tag) =	ssettag s2;
	_ =	strace s9  }
0x27: {  	s1 =	sld [smem:$0x3FAB]  }
0x28: {  	s2 =	sld [smem:$0x3FAC]  }
0x29: {  	s4 =	sld [smem:$0x3FAE]  }
0x2a: {  	p0 =	seq.s32 s5, $0x0;
	s5 =	sld [smem:$0x3FAF]  }
0x2b: {  	s6 =	sld [smem:$0x3FB0]  }
0x2c: {  	s7 =	sld [smem:$0x3FB1]  }
0x2d: {  	s3 =	simm.s32 $0x108;
	s8 =	sld [smem:$0x3FB2]  }
0x2e: {  	s3 =	simm.s32 @!p0 $0x1082;
	s9 =	sld [smem:$0x3FB3]  }
0x2f: {  	lr =	sadd.s32 s0, s3;
	s0 =	sld [smem:$0x3FAA]  }
0x30: {  	s3 =	sld [smem:$0x3FAD]  }
0x31: {  	[smem:$0x3FB6] =	sst s10  }
0x32: {  	s10 =	sld [smem:$0x3FB4];
	_ =	sdelay $0x3  }
0x33: {  	p0 =	seq.s32 s10, $0x1;
	s10 =	sld [smem:$0x3FB6];
	_ =	sdelay $0x3  }
0x34: {  	[smem:$0x3FB6] =	sst s10  }
0x35: {  	s10 =	sld [smem:$0x3FB5];
	_ =	sdelay $0x3  }
0x36: {  	p1 =	seq.s32 s10, $0x1;
	s10 =	sld [smem:$0x3FB6];
	_ =	sdelay $0x3  }
0x37: {  	[smem:$0x3FB6] =	sst s10  }
0x38: {  	s10 =	sld [smem:$0x3FB7]  }
0x39: {  	_ = 	snop;
	(pc) =	sbr.ind lr, $3  }
0x3a: {  	_ = 	snop  }
0x3b: {  	_ = 	snop  }
0x3c: {  	p2 =	seq.s32 s10, $0x1;
	s10 =	sld [smem:$0x3FB6]  }
0x3d: {  	_ =	shalt  }
0x3e: {  	_ =	shalt  }
0x3f: {  	_ =	shalt  }
0x40: {  	_ =	shalt  }
0x41: {  	_ =	shalt  }
0x42: {  	_ =	shalt  }
0x43: {  	_ =	shalt  }
0x44: {  	_ =	shalt  }
0x45: {  	_ =	shalt  }
0x46: {  	_ =	shalt  }
0x47: {  	_ =	shalt  }
0x48: {  	_ =	shalt  }
0x49: {  	_ =	shalt  }
0x4a: {  	_ =	shalt  }
0x4b: {  	_ =	shalt  }
0x4c: {  	_ =	shalt  }
0x4d: {  	_ =	shalt  }
0x4e: {  	_ =	shalt  }
0x4f: {  	_ =	shalt  }
0x50: {  	_ =	shalt  }
0x51: {  	_ =	shalt  }
0x52: {  	_ =	shalt  }
0x53: {  	_ =	shalt  }
0x54: {  	_ =	shalt  }
0x55: {  	_ =	shalt  }
0x56: {  	_ =	shalt  }
0x57: {  	_ =	shalt  }
0x58: {  	_ =	shalt  }
0x59: {  	_ =	shalt  }
0x5a: {  	_ =	shalt  }
0x5b: {  	_ =	shalt  }
0x5c: {  	_ =	shalt  }
0x5d: {  	_ =	shalt  }
0x5e: {  	_ =	shalt  }
0x5f: {  	_ =	shalt  }
0x60: {  	_ =	shalt  }
0x61: {  	_ =	shalt  }
0x62: {  	_ =	shalt  }
0x63: {  	_ =	shalt  }
0x64: {  	_ =	shalt  }
0x65: {  	_ =	shalt  }
0x66: {  	_ =	shalt  }
0x67: {  	_ =	shalt  }
0x68: {  	_ =	shalt  }
0x69: {  	_ =	shalt  }
0x6a: {  	_ =	shalt  }
0x6b: {  	_ =	shalt  }
0x6c: {  	_ =	shalt  }
0x6d: {  	_ =	shalt  }
0x6e: {  	_ =	shalt  }
0x6f: {  	_ =	shalt  }
0x70: {  	_ =	shalt  }
0x71: {  	_ =	shalt  }
0x72: {  	_ =	shalt  }
0x73: {  	_ =	shalt  }
0x74: {  	_ =	shalt  }
0x75: {  	_ =	shalt  }
0x76: {  	_ =	shalt  }
0x77: {  	_ =	shalt  }
0x78: {  	_ =	shalt  }
0x79: {  	_ =	shalt  }
0x7a: {  	_ =	shalt  }
0x7b: {  	_ =	shalt  }
0x7c: {  	_ =	shalt  }
0x7d: {  	_ =	shalt  }
0x7e: {  	_ =	shalt  }
0x7f: {  	_ =	shalt  }
0x80: {  	_ =	shalt  }
0x81: {  	_ =	shalt  }
0x82: {  	_ =	shalt  }
0x83: {  	_ =	shalt  }
0x84: {  	_ =	shalt  }
0x85: {  	_ =	shalt  }
0x86: {  	_ =	shalt  }
0x87: {  	_ =	shalt  }
.Lfunc_end0:
.L_simem_size_0:
called_computation.1_lowered:
.L_overlay_start_0:
0x88: {  	s2 =	sld [smem:$0x3FD9]  }
0x89: {  	s3 =	sld [smem:$0x3FFE];
	_ =	sdelay $0x1  }
0x8a: {  	s1 =	srdreg.scid  }
0x8b: {  	s0 =	sand.u32 $0x1, s1  }
0x8c: {  	s17 =	sshll.u32 s0, $0xA;
	s2 =	sadd.s32 s3, s2  }
0x8d: {  	s2 =	sadd.s32 s2, s17  }
0x8e: {  	[smem:$0x3FC2] =	sst s2  }
0x8f: {  	_ = 	snop  }
0x90: {  	s2 =	sld [smem:$0x3FD0];
	(tm) =	ssettm $0x1  }
0x91: {  	s18 =	sld [smem:$0x3FFB];
	_ =	sdelay $0x3  }
0x92: {  	_ =	strace s18  }
0x93: {  	s3 =	sld [smem:$0x3FFC];
	_ =	sdelay $0x3  }
0x94: {  	_ =	strace s3  }
0x95: {  	s3 =	sld [smem:$0x3FFD];
	_ =	sdelay $0x3  }
0x96: {  	_ =	strace s3  }
0x97: {  	_ =	strace $0x8FFFFFFF  }
0x98: {  	s19 =	sld [smem:$0x3FDB];
	_ =	sdelay $0x1  }
0x99: {  	s4 =	simm.s32 $_scs_section_size  }
0x9a: {  	s5 =	simm.s32 $_size__tile_overlayer_lowered;
	s6 =	simm.s32 $_tile_overlayer_lowered  }
0x9b: {  	s22 =	simm.s32 $0x1BFF;
	s21 =	sshll.u32 s6, $0x1;
	s3 =	sadd.s32 s4, s19  }
0x9c: {  	s7 =	simm.s32 $0x0;
	s20 =	sshll.u32 s5, $0x1;
	s5 =	sadd.s32 s21, s3  }
0x9d: {  	[timem:s7], [sflag:s22] =	dma.local [hbm:s5], s20  }
0x9e: {  	_ =	swait.ge [sflag:s22], s20  }
0x9f: {  	s4 =	ssub.s32 $0x0, s20;
	[sflag:s22] =	ssyncset.done $0x0  }
0xa0: {  	[sflag:s22] =	ssyncadd.s32 s4;
	_ =	sdelay $0x1  }
0xa1: {  	s23 =	simm.s32 $0x1B8B  }
0xa2: {  	_ =	swait.ge [sflag:s23], $0x1  }
0xa3: {  	[sflag:s23] =	ssyncset.done $0x0  }
0xa4: {  	s25 =	simm.s32 $0x1B8E;
	s24 =	sld [smem:$0x3FFE];
	[sflag:s23] =	ssyncadd.s32 $0xFFFFFFFF  }
0xa5: {  	s26 =	simm.s32 $execute0_lowered;
	[smem:$0x3FD2] =	sst s25  }
0xa6: {  	s5 =	sshll.u32 s26, $0x1;
	_ =	strace $0x80000049;
	[dreg:$0x1] =	wrdreg $0xFFFFFFFF  }
0xa7: {  	s28 =	simm.s32 $_size_execute0_lowered;
	s3 =	sadd.s32 s3, s5;
	[dreg:$0x0] =	wrdreg $0x0  }
0xa8: {  	s5 =	sshll.u32 s28, $0x1;
	[dreg:$0x2] =	wrdreg s3  }
0xa9: {  	[dreg:$0x3] =	wrdreg s5  }
0xaa: {  	[dreg:$0x4] =	wrdreg $0xC0  }
0xab: {  	_ =	task [dreg:s7], $0x5FFFF  }
0xac: {  	[dreg:$0x1] =	wrdreg $0xFFFFFFFF  }
0xad: {  	[dreg:$0x0] =	wrdreg $0x60  }
0xae: {  	[dreg:$0x2] =	wrdreg s24  }
0xaf: {  	[dreg:$0x3] =	wrdreg s2  }
0xb0: {  	[dreg:$0x4] =	wrdreg $0xA8000  }
0xb1: {  	[dreg:$0x5] =	wrdreg $0x9  }
0xb2: {  	_ =	task.clear_ibuf [dreg:s7], $0x6FFFF;
	_ =	strace $0x90000049  }
0xb3: {  	s29 =	simm.s32 $0x9;
	_ =	strace $0x8000004B  }
0xb4: {  	_ =	swait.ge [sflag:s29], $0x1  }
0xb5: {  	[sflag:s29] =	ssyncadd.s32 $0xFFFFFFFF  }
0xb6: {  	_ =	strace $0x9000004B  }
0xb7: {  	_ =	sfence  }
0xb8: {  	s30 =	sld [smem:$0x0];
	_ =	sdelay $0x2  }
0xb9: {  	s31 =	sshll.u32 s1, $0xD;
	s1 =	sshrl.u32 s1, $0x2  }
0xba: {  	s3 =	sand.u32 $0x4000, s31;
	s1 =	sadd.s32 s1, s30  }
0xbb: {  	s0 =	sor.u32 s3, s0;
	s1 =	sshll.u32 s1, $0x11  }
0xbc: {  	s0 =	sor.u32 s1, s0  }
0xbd: {  	s0 =	sadd.s32 $0x8F2B, s0  }
0xbe: {  	[sflag:s0] =	ssyncadd.remote.s32 $0x1  }
0xbf: {  	_ =	sfence.sel $0xFFFF  }
0xc0: {  	[dreg:$0x0] =	wrdreg $0xFFFFFFFF;
	(pc) =	sbr.abs _section_cstart, $3  }
0xc1: {  	[dreg:$0x1] =	wrdreg $0xFFFFFFFF  }
0xc2: {  	_ =	task.clear_ibuf [dreg:s7], $0x2FFFF;
	_ =	strace $0x9FFFFFFF  }
0xc3: {  	(tm) =	ssettm $0x7FFFFFFF  }
tec
execute0_lowered:
.L_overlay_start_1:
0x0: {  	(tag) =	ssettag $0x1  }
0x1: {  	s6 =	rddreg [dreg:$0x0]  }
0x2: {  	s12 =	rddreg [dreg:$0x1]  }
0x3: {  	s1 =	rddreg [dreg:$0x2]  }
0x4: {  	s2 =	srdreg.scid;
	s0 =	rddreg [dreg:$0x3];
	s3 =	simm.s32 $0x0  }
0x5: {  	s18 =	simm.s32 $0x1400;
	s19 =	simm.s32 $0x80;
	s20 =	simm.s32 $0x6800  }
0x6: {  	s21 =	simm.s32 $0x1;
	s22 =	simm.s32 $0x2;
	s23 =	simm.s32 $0x2700  }
0x7: {  	s24 =	simm.s32 $0x2780;
	s5 =	sand.u32 $0x1, s2;
	s2 =	stileid.u32  }
0x8: {  	[smem:$0x7FF] =	sst s3;
	s4 =	sadd.s32 $0xC800, s6;
	s7 =	smul.u32 $0x140000, s5  }
0x9: {  	s13 =	sadd.s32 $0x2800, s6;
	s8 =	smul.u32 $0x14000, s2;
	_ =	strace $0x8000004A  }
0xa: {  	s28 =	smul.u32 $0x50000, s2;
	s9 =	sshll.u32 s5, $0x4;
	s10 =	ssub.s32 $0x2, s5  }
0xb: {  	s9 =	sor.u32 s2, s9;
	s30 =	sshrl.u32 s10, $0x1;
	s7 =	sadd.s32 s8, s7  }
0xc: {  	s29 =	sshrl.u32 s28, $0x2;
	s11 =	smul.u32 $0x2800, s9;
	s15 =	ssub.s32 s10, s30  }
0xd: {  	s16 =	smul.u32 $0x500, s9;
	s7 =	sshrl.u32 s7, $0x3;
	s5 =	sadd.s32 s29, s1  }
0xe: {  	s15 =	smax.u32 s15, $0x1;
	s14 =	sadd.s32 s7, s6;
	s6 =	sadd.s32 $0x4000, s5  }
0xf: {  	s7 =	sadd.s32 $0x8000, s5;
	s31 =	sshrl.u32 s11, $0x3;
	s8 =	sadd.s32 $0xC000, s5  }
0x10: {  	s9 =	sadd.s32 $0x10000, s5;
	s10 =	sadd.s32 s12, s16;
	s11 =	sadd.s32 s13, s16  }
0x11: {  	s16 =	simm.s32 $0x2800;
	s17 =	sadd.s32 $0x280, s31;
	s14 =	sadd.s32 $0x34800, s14  }
0x12: {  	v0 =	vimm.f32 $0.0e+00;
	s12 =	sadd.s32 s12, s17;
	s13 =	sadd.s32 s13, s17;
	s17 =	simm.s32 $0x3  }
.LBB2_1:
0x13: {  	s25 =	simm.s32 $0x0;
	s26 =	simm.s32 $0x200  }
.LBB2_2:
0x14: {  	p0 =	sne.s32 s26, $0xFE00;
	[tilespmem:s25+$0x2870] =	vst v0  }
0x15: {  	[tilespmem:s25+$0x2800] =	vst v0  }
0x16: {  	[tilespmem:s25+$0x2810] =	vst v0  }
.Ltmp0:
0x17: {  	[tilespmem:s25+$0x2820] =	vst v0;
	(pc) =	sbr.rel @p0 .LBB2_2-.Ltmp0, $4  }
0x18: {  	[tilespmem:s25+$0x2830] =	vst v0  }
0x19: {  	[tilespmem:s25+$0x2840] =	vst v0  }
0x1a: {  	[tilespmem:s25+$0x2850] =	vst v0  }
0x1b: {  	[tilespmem:s25+$0x2860] =	vst v0;
	s25 =	sshra.s32 s26, $0x2;
	s26 =	sadd.s32 $0x200, s26  }
0x1c: {  	[tilespmem:s25+$0x2870] =	vst v0  }
0x1d: {  	[tilespmem:s25+$0x2800] =	vst v0  }
0x1e: {  	[tilespmem:s25+$0x2810] =	vst v0  }
0x1f: {  	[tilespmem:s25+$0x2820] =	vst v0  }
0x20: {  	[tilespmem:s25+$0x2830] =	vst v0  }
0x21: {  	[tilespmem:s25+$0x2840] =	vst v0  }
0x22: {  	[tilespmem:s25+$0x2850] =	vst v0  }
0x23: {  	[tilespmem:s25+$0x2860] =	vst v0  }
0x24: {  	[spmem:s5] =	stream.linear.scatter [tilespmem:s16], [sflag:$0x3], $0x4000, $0x38;
	[tilespmem:$0x1E800] =	vst v63  }
0x25: {  	_ =	swait.ge [sflag:s17], $0x4000  }
0x26: {  	[sflag:s17] =	ssyncset.done $0x0  }
0x27: {  	[sflag:s17] =	ssyncadd.s32 $0xFFFFC000  }
0x28: {  	[spmem:s6] =	stream.linear.scatter [tilespmem:s16], [sflag:$0x3], $0x4000, $0x38;
	[tilespmem:$0x1E800] =	vst v63  }
0x29: {  	_ =	swait.ge [sflag:s17], $0x4000  }
0x2a: {  	[sflag:s17] =	ssyncset.done $0x0  }
0x2b: {  	[sflag:s17] =	ssyncadd.s32 $0xFFFFC000  }
0x2c: {  	[spmem:s7] =	stream.linear.scatter [tilespmem:s16], [sflag:$0x3], $0x4000, $0x38;
	[tilespmem:$0x1E800] =	vst v63  }
0x2d: {  	_ =	swait.ge [sflag:s17], $0x4000  }
0x2e: {  	[sflag:s17] =	ssyncset.done $0x0  }
0x2f: {  	[sflag:s17] =	ssyncadd.s32 $0xFFFFC000  }
0x30: {  	[spmem:s8] =	stream.linear.scatter [tilespmem:s16], [sflag:$0x3], $0x4000, $0x38;
	[tilespmem:$0x1E800] =	vst v63  }
0x31: {  	_ =	swait.ge [sflag:s17], $0x4000  }
0x32: {  	[sflag:s17] =	ssyncset.done $0x0  }
0x33: {  	[sflag:s17] =	ssyncadd.s32 $0xFFFFC000  }
0x34: {  	[spmem:s9] =	stream.linear.scatter [tilespmem:s16], [sflag:$0x3], $0x4000, $0x38;
	[tilespmem:$0x1E800] =	vst v63  }
0x35: {  	_ =	swait.ge [sflag:s17], $0x4000  }
0x36: {  	[sflag:s17] =	ssyncset.done $0x0  }
0x37: {  	[sflag:s17] =	ssyncadd.s32 $0xFFFFC000  }
0x38: {  	s28 =	simm.s32 $0x0;
	[bflag:$0x0] =	sbarrier.arrive $0xFFFF  }
0x39: {  	[tilespmem:s28], [sflag:$0x3] =	stream.linear.gather [hbm4b:s10+s28], $0x1400, $0x38;
	[tilespmem:$0x1E800] =	vst v63  }
0x3a: {  	_ =	swait.ge [sflag:s17], $0x1400  }
0x3b: {  	[sflag:s17] =	ssyncset.done $0x0  }
0x3c: {  	[sflag:s17] =	ssyncadd.s32 $0xFFFFEC00  }
0x3d: {  	[tilespmem:s18], [sflag:$0x3] =	stream.linear.gather [hbm4b:s11+s28], $0x1400, $0x38;
	[tilespmem:$0x1E800] =	vst v63  }
0x3e: {  	_ =	swait.ge [sflag:s17], $0x1400  }
0x3f: {  	[sflag:s17] =	ssyncset.done $0x0  }
0x40: {  	[sflag:s17] =	ssyncadd.s32 $0xFFFFEC00  }
0x41: {  	[tilespmem:s16], [sflag:$0x1] =	stream.indirect.gather [hbm4b:s4+s19], $0x80, s28, s19, $0xb8;
	[tilespmem:$0x1E800] =	vst v63  }
0x42: {  	_ = 	snop  }
0x43: {  	[tilespmem:s20], [sflag:$0x2] =	stream.indirect.gather [hbm4b:s4+s19], $0x80, s19, s19, $0xb8;
	[tilespmem:$0x1E800] =	vst v63  }
0x44: {  	_ =	swait.ge [sflag:s21], $0x4000  }
0x45: {  	[sflag:s21] =	ssyncset.done $0x0  }
0x46: {  	s29 =	simm.s32 $0x1400;
	[sflag:s21] =	ssyncadd.s32 $0xFFFFC000  }
0x47: {  	[spmem:s1] =	stream.indirect.scatter.add.f32 [tilespmem:s16], [sflag:$0x3], $0x80, s29, s19, $0xb8;
	[tilespmem:$0x1E800] =	vst v63  }
0x48: {  	_ =	swait.ge [sflag:s17], $0x4000  }
0x49: {  	[sflag:s17] =	ssyncset.done $0x0  }
0x4a: {  	s30 =	simm.s32 $0x100;
	[sflag:s17] =	ssyncadd.s32 $0xFFFFC000  }
0x4b: {  	[tilespmem:s16], [sflag:$0x1] =	stream.indirect.gather [hbm4b:s4+s19], $0x80, s30, s19, $0xb8;
	[tilespmem:$0x1E800] =	vst v63  }
0x4c: {  	_ =	swait.ge [sflag:s22], $0x4000  }
0x4d: {  	[sflag:s22] =	ssyncset.done $0x0  }
0x4e: {  	s31 =	simm.s32 $0x1480;
	[sflag:s22] =	ssyncadd.s32 $0xFFFFC000  }
0x4f: {  	[spmem:s1] =	stream.indirect.scatter.add.f32 [tilespmem:s20], [sflag:$0x3], $0x80, s31, s19, $0xb8;
	[tilespmem:$0x1E800] =	vst v63  }
0x50: {  	_ =	swait.ge [sflag:s17], $0x4000  }
0x51: {  	[sflag:s17] =	ssyncset.done $0x0  }
0x52: {  	s25 =	simm.s32 $0x400;
	s26 =	simm.s32 $0x180;
	[sflag:s17] =	ssyncadd.s32 $0xFFFFC000  }
.LBB2_4:
0x53: {  	[tilespmem:s20], [sflag:$0x2] =	stream.indirect.gather [hbm4b:s4+s19], $0x80, s26, s19, $0xb8;
	[tilespmem:$0x1E800] =	vst v63  }
0x54: {  	s26 =	smov.u32 s25  }
0x55: {  	p0 =	sne.s32 s25, $0x4800;
	s25 =	sadd.s32 $0x400, s25;
	_ =	swait.ge [sflag:s21], $0x4000  }
0x56: {  	s26 =	sshra.s32 s26, $0x2;
	[sflag:s21] =	ssyncset.done $0x0  }
0x57: {  	s28 =	sadd.s32 $0x1400, s26;
	[sflag:s21] =	ssyncadd.s32 $0xFFFFC000  }
0x58: {  	[spmem:s1] =	stream.indirect.scatter.add.f32 [tilespmem:s16], [sflag:$0x3], $0x80, s28, s19, $0xb8;
	[tilespmem:$0x1E800] =	vst v63  }
0x59: {  	_ =	swait.ge [sflag:s17], $0x4000  }
0x5a: {  	[sflag:s17] =	ssyncset.done $0x0  }
0x5b: {  	s28 =	sadd.s32 $0x100, s26;
	[sflag:s17] =	ssyncadd.s32 $0xFFFFC000  }
0x5c: {  	[tilespmem:s16], [sflag:$0x1] =	stream.indirect.gather [hbm4b:s4+s19], $0x80, s28, s19, $0xb8;
	[tilespmem:$0x1E800] =	vst v63  }
0x5d: {  	_ =	swait.ge [sflag:s22], $0x4000  }
0x5e: {  	[sflag:s22] =	ssyncset.done $0x0  }
.Ltmp1:
0x5f: {  	s28 =	sadd.s32 $0x1480, s26;
	[sflag:s22] =	ssyncadd.s32 $0xFFFFC000;
	(pc) =	sbr.rel @p0 .LBB2_4-.Ltmp1, $4  }
0x60: {  	[spmem:s1] =	stream.indirect.scatter.add.f32 [tilespmem:s20], [sflag:$0x3], $0x80, s28, s19, $0xb8;
	[tilespmem:$0x1E800] =	vst v63  }
0x61: {  	_ =	swait.ge [sflag:s17], $0x4000  }
0x62: {  	[sflag:s17] =	ssyncset.done $0x0  }
0x63: {  	s26 =	sadd.s32 $0x180, s26;
	[sflag:s17] =	ssyncadd.s32 $0xFFFFC000  }
0x64: {  	[tilespmem:s20], [sflag:$0x2] =	stream.indirect.gather [hbm4b:s4+s19], $0x80, s26, s19, $0xb8;
	[tilespmem:$0x1E800] =	vst v63  }
0x65: {  	_ =	swait.ge [sflag:s21], $0x4000  }
0x66: {  	[sflag:s21] =	ssyncset.done $0x0  }
0x67: {  	[sflag:s21] =	ssyncadd.s32 $0xFFFFC000  }
0x68: {  	[spmem:s1] =	stream.indirect.scatter.add.f32 [tilespmem:s16], [sflag:$0x3], $0x80, s23, s19, $0xb8;
	[tilespmem:$0x1E800] =	vst v63  }
0x69: {  	_ =	swait.ge [sflag:s17], $0x4000  }
0x6a: {  	[sflag:s17] =	ssyncset.done $0x0  }
0x6b: {  	[sflag:s17] =	ssyncadd.s32 $0xFFFFC000  }
0x6c: {  	_ =	swait.ge [sflag:s22], $0x4000  }
0x6d: {  	[sflag:s22] =	ssyncset.done $0x0  }
0x6e: {  	[sflag:s22] =	ssyncadd.s32 $0xFFFFC000  }
0x6f: {  	[spmem:s1] =	stream.indirect.scatter.add.f32 [tilespmem:s20], [sflag:$0x3], $0x80, s24, s19, $0xb8;
	[tilespmem:$0x1E800] =	vst v63  }
0x70: {  	_ =	swait.ge [sflag:s17], $0x4000  }
0x71: {  	[sflag:s17] =	ssyncset.done $0x0  }
0x72: {  	s25 =	simm.s32 $0x0;
	[sflag:s17] =	ssyncadd.s32 $0xFFFFC000  }
0x73: {  	[tilespmem:s25], [sflag:$0x3] =	stream.linear.gather [hbm4b:s12+s25], $0x1400, $0x38;
	[tilespmem:$0x1E800] =	vst v63  }
0x74: {  	_ =	swait.ge [sflag:s17], $0x1400  }
0x75: {  	[sflag:s17] =	ssyncset.done $0x0  }
0x76: {  	[sflag:s17] =	ssyncadd.s32 $0xFFFFEC00  }
0x77: {  	[tilespmem:s18], [sflag:$0x3] =	stream.linear.gather [hbm4b:s13+s25], $0x1400, $0x38;
	[tilespmem:$0x1E800] =	vst v63  }
0x78: {  	_ =	swait.ge [sflag:s17], $0x1400  }
0x79: {  	[sflag:s17] =	ssyncset.done $0x0  }
0x7a: {  	[sflag:s17] =	ssyncadd.s32 $0xFFFFEC00  }
0x7b: {  	[tilespmem:s16], [sflag:$0x1] =	stream.indirect.gather [hbm4b:s4+s19], $0x80, s25, s19, $0xb8;
	[tilespmem:$0x1E800] =	vst v63  }
0x7c: {  	_ = 	snop  }
0x7d: {  	[tilespmem:s20], [sflag:$0x2] =	stream.indirect.gather [hbm4b:s4+s19], $0x80, s19, s19, $0xb8;
	[tilespmem:$0x1E800] =	vst v63  }
0x7e: {  	_ =	swait.ge [sflag:s21], $0x4000  }
0x7f: {  	[sflag:s21] =	ssyncset.done $0x0  }
0x80: {  	s29 =	simm.s32 $0x1400;
	[sflag:s21] =	ssyncadd.s32 $0xFFFFC000  }
0x81: {  	[spmem:s1] =	stream.indirect.scatter.add.f32 [tilespmem:s16], [sflag:$0x3], $0x80, s29, s19, $0xb8;
	[tilespmem:$0x1E800] =	vst v63  }
0x82: {  	_ =	swait.ge [sflag:s17], $0x4000  }
0x83: {  	[sflag:s17] =	ssyncset.done $0x0  }
0x84: {  	s30 =	simm.s32 $0x100;
	[sflag:s17] =	ssyncadd.s32 $0xFFFFC000  }
0x85: {  	[tilespmem:s16], [sflag:$0x1] =	stream.indirect.gather [hbm4b:s4+s19], $0x80, s30, s19, $0xb8;
	[tilespmem:$0x1E800] =	vst v63  }
0x86: {  	_ =	swait.ge [sflag:s22], $0x4000  }
0x87: {  	[sflag:s22] =	ssyncset.done $0x0  }
0x88: {  	s31 =	simm.s32 $0x1480;
	[sflag:s22] =	ssyncadd.s32 $0xFFFFC000  }
0x89: {  	[spmem:s1] =	stream.indirect.scatter.add.f32 [tilespmem:s20], [sflag:$0x3], $0x80, s31, s19, $0xb8;
	[tilespmem:$0x1E800] =	vst v63  }
0x8a: {  	_ =	swait.ge [sflag:s17], $0x4000  }
0x8b: {  	[sflag:s17] =	ssyncset.done $0x0  }
0x8c: {  	s26 =	simm.s32 $0x180;
	s25 =	simm.s32 $0x400;
	[sflag:s17] =	ssyncadd.s32 $0xFFFFC000  }
.LBB2_6:
0x8d: {  	[tilespmem:s20], [sflag:$0x2] =	stream.indirect.gather [hbm4b:s4+s19], $0x80, s26, s19, $0xb8;
	[tilespmem:$0x1E800] =	vst v63  }
0x8e: {  	s26 =	smov.u32 s25  }
0x8f: {  	p0 =	sne.s32 s25, $0x4800;
	s25 =	sadd.s32 $0x400, s25;
	_ =	swait.ge [sflag:s21], $0x4000  }
0x90: {  	s26 =	sshra.s32 s26, $0x2;
	[sflag:s21] =	ssyncset.done $0x0  }
0x91: {  	s28 =	sadd.s32 $0x1400, s26;
	[sflag:s21] =	ssyncadd.s32 $0xFFFFC000  }
0x92: {  	[spmem:s1] =	stream.indirect.scatter.add.f32 [tilespmem:s16], [sflag:$0x3], $0x80, s28, s19, $0xb8;
	[tilespmem:$0x1E800] =	vst v63  }
0x93: {  	_ =	swait.ge [sflag:s17], $0x4000  }
0x94: {  	[sflag:s17] =	ssyncset.done $0x0  }
0x95: {  	s28 =	sadd.s32 $0x100, s26;
	[sflag:s17] =	ssyncadd.s32 $0xFFFFC000  }
0x96: {  	[tilespmem:s16], [sflag:$0x1] =	stream.indirect.gather [hbm4b:s4+s19], $0x80, s28, s19, $0xb8;
	[tilespmem:$0x1E800] =	vst v63  }
0x97: {  	_ =	swait.ge [sflag:s22], $0x4000  }
0x98: {  	[sflag:s22] =	ssyncset.done $0x0  }
.Ltmp2:
0x99: {  	s28 =	sadd.s32 $0x1480, s26;
	[sflag:s22] =	ssyncadd.s32 $0xFFFFC000;
	(pc) =	sbr.rel @p0 .LBB2_6-.Ltmp2, $4  }
0x9a: {  	[spmem:s1] =	stream.indirect.scatter.add.f32 [tilespmem:s20], [sflag:$0x3], $0x80, s28, s19, $0xb8;
	[tilespmem:$0x1E800] =	vst v63  }
0x9b: {  	_ =	swait.ge [sflag:s17], $0x4000  }
0x9c: {  	[sflag:s17] =	ssyncset.done $0x0  }
0x9d: {  	s26 =	sadd.s32 $0x180, s26;
	[sflag:s17] =	ssyncadd.s32 $0xFFFFC000  }
0x9e: {  	[tilespmem:s20], [sflag:$0x2] =	stream.indirect.gather [hbm4b:s4+s19], $0x80, s26, s19, $0xb8;
	[tilespmem:$0x1E800] =	vst v63  }
0x9f: {  	_ =	swait.ge [sflag:s21], $0x4000  }
0xa0: {  	[sflag:s21] =	ssyncset.done $0x0  }
0xa1: {  	[sflag:s21] =	ssyncadd.s32 $0xFFFFC000  }
0xa2: {  	[spmem:s1] =	stream.indirect.scatter.add.f32 [tilespmem:s16], [sflag:$0x3], $0x80, s23, s19, $0xb8;
	[tilespmem:$0x1E800] =	vst v63  }
0xa3: {  	_ =	swait.ge [sflag:s17], $0x4000  }
0xa4: {  	[sflag:s17] =	ssyncset.done $0x0  }
0xa5: {  	[sflag:s17] =	ssyncadd.s32 $0xFFFFC000  }
0xa6: {  	_ =	swait.ge [sflag:s22], $0x4000  }
0xa7: {  	[sflag:s22] =	ssyncset.done $0x0  }
0xa8: {  	[sflag:s22] =	ssyncadd.s32 $0xFFFFC000  }
0xa9: {  	[spmem:s1] =	stream.indirect.scatter.add.f32 [tilespmem:s20], [sflag:$0x3], $0x80, s24, s19, $0xb8;
	[tilespmem:$0x1E800] =	vst v63  }
0xaa: {  	_ =	swait.ge [sflag:s17], $0x4000  }
0xab: {  	s25 =	sshll.u32 s2, $0x6;
	s3 =	sadd.s32 $0x1, s3;
	[sflag:s17] =	ssyncset.done $0x0  }
0xac: {  	s31 =	sshrl.u32 s5, $0x3;
	p0 =	sne.s32 s3, s15;
	[sflag:s17] =	ssyncadd.s32 $0xFFFFC000  }
.Ltmp3:
0xad: {  	s25 =	sor.u32 $0x1C03, s25;
	[bflag:$0x0] =	sbarrier.arrive $0xFFFF;
	(pc) =	sbr.rel @p0 .LBB2_1-.Ltmp3, $4  }
0xae: {  	[hbm:s14], [sflag:s25] =	dma.local [spmem:s31], $0x2800  }
0xaf: {  	_ =	swait.ge [sflag:s17], $0x2800  }
0xb0: {  	[sflag:s17] =	ssyncset.done $0x0  }
0xb1: {  	[sflag:s17] =	ssyncadd.s32 $0xFFFFD800  }
0xb2: {  	_ =	sfence.sel $0x180000  }
0xb3: {  	[bflag:$0x0] =	sbarrier.arrive $0xFFFF  }
0xb4: {  	p0 =	sne.s32 s2, $0x0;
	_ =	strace $0x9000004A  }
0xb5: {  	s0 =	sadd.s32 @!p0 $0x100000, s0;
	[bflag:$0x2] =	sbarrier.arrive $0xFFFF  }
0xb6: {  	[sflag:s0] =	ssyncadd.tile.s32 @!p0 $0x1;
	_ =	shalt  }
.Lfunc_end2:
_tile_overlayer_lowered:
.L_overlay_start_2:
0xb7: {  	(tag) =	ssettag $0x2  }
0xb8: {  	s0 =	rddreg [dreg:$0x0];
	s2 =	stileid.u32  }
0xb9: {  	s1 =	rddreg [dreg:$0x1];
	p0 =	sne.s32 s2, $0x0  }
0xba: {  	s3 =	rddreg [dreg:$0x2];
	[bflag:$0x3] =	sbarrier.arrive $0xFFFF;
	s2 =	simm.s32 @!p0 $0x1C03  }
0xbb: {  	[timem:s3], [sflag:s2] =	dma.local @!p0 [hbm:s0], s1  }
0xbc: {  	s0 =	simm.s32 @!p0 $0x3  }
0xbd: {  	_ =	swait.ge @!p0 [sflag:s0], s1  }
0xbe: {  	s1 =	ssub.s32 @!p0 $0x0, s1;
	[sflag:s0] =	ssyncset.done @!p0 $0x0  }
0xbf: {  	[sflag:s0] =	ssyncadd.s32 @!p0 s1  }
0xc0: {  	[bflag:$0x3] =	sbarrier.arrive $0xFFFF  }
0xc1: {  	_ =	shalt  }

// kernel: kernel.14.cloned.1.call-start
scs
__scs_entry_jumppad:
0x0: {  	(pc) =	sbr.rel $0x88, $3  }
0x1: {  	(tag) =	ssettag $0x0;
	lr =	simm.s32 $0x1  }
0x2: {  	[smem:$0x3F9B] =	sst lr;
	_ =	strace $0xD0000000  }
0x3: {  	_ = 	snop  }
0x4: {  	_ = 	snop  }
0x5: {  	_ = 	snop  }
0x6: {  	_ = 	snop  }
0x7: {  	_ = 	snop  }
__scs_overlays_trampoline_lowered:
0x8: {  	[smem:$0x3FAA] =	sst s0  }
0x9: {  	[smem:$0x3FAB] =	sst s1  }
0xa: {  	[smem:$0x3FAC] =	sst s2  }
0xb: {  	[smem:$0x3FAD] =	sst s3  }
0xc: {  	[smem:$0x3FAE] =	sst s4  }
0xd: {  	[smem:$0x3FAF] =	sst s5  }
0xe: {  	[smem:$0x3FB0] =	sst s6  }
0xf: {  	[smem:$0x3FB1] =	sst s7  }
0x10: {  	[smem:$0x3FB2] =	sst s8  }
0x11: {  	[smem:$0x3FB3] =	sst s9;
	s0 =	simm.s32 @!p0 $0x0  }
0x12: {  	s1 =	sld [smem:$0x3F99];
	s0 =	simm.s32 @p0 $0x1  }
0x13: {  	[smem:$0x3FB4] =	sst s0;
	s0 =	simm.s32 @!p1 $0x0  }
0x14: {  	s2 =	sld [smem:$0x3F98];
	s0 =	simm.s32 @p1 $0x1  }
0x15: {  	[smem:$0x3FB5] =	sst s0;
	s0 =	simm.s32 @!p2 $0x0  }
0x16: {  	s3 =	sld [smem:$0x3FDB];
	s0 =	simm.s32 @p2 $0x1  }
0x17: {  	s4 =	simm.s32 $0x1BF5;
	[smem:$0x3FB7] =	sst s0  }
0x18: {  	s0 =	sld [smem:$0x3F9A];
	_ =	swait.ge [sflag:s4], $0x0  }
0x19: {  	s7 =	sld [smem:$0x3F9B]  }
0x1a: {  	s8 =	sadd.s32 $0xFFFFE003, lr  }
0x1b: {  	s9 =	sadd.s32 $0xFFFFFEF7, lr;
	s5 =	simm.s32 $0xFFFFFFFF;
	p2 =	slt.u32 s8, $0xFFFFF086  }
0x1c: {  	p1 =	slt.u32 s9, $0xF7A;
	s5 =	simm.s32 @!p2 $0x0  }
0x1d: {  	s5 =	simm.s32 @p1 $0x1;
	p0 =	seq.s32 s7, s2  }
0x1e: {  	s7 =	smul.u32 @!p0 $0xF7A, s2;
	p2 =	seq.s32 @!p0 s5, $0x0  }
0x1f: {  	s9 =	smul.u32 $0xF7A, s1;
	s8 =	simm.s32 @!p0 $0x1BF5;
	p2 =	por !p2, p0  }
0x20: {  	[sflag:s8] =	ssyncset.s32 @!p0 $0xFFFFF086;
	s6 =	sadd.s32 @!p0 s3, s7;
	s7 =	simm.s32 @!p0 $0x108  }
0x21: {  	s3 =	sadd.s32 s3, s9;
	s6 =	sadd.s32 @!p0 $0x88, s6;
	s7 =	simm.s32 @p2 $0x1082  }
0x22: {  	[simem:s7], [sflag:s8] =	dma.local @!p0 [hbm:s6], $0xF7A  }
0x23: {  	s9 =	sor.u32 $0xD0000000, s2;
	s6 =	simm.s32 $0x108;
	_ =	swait.ge @!p0 [sflag:s8], $0x0  }
0x24: {  	s3 =	sadd.s32 $0x88, s3;
	s6 =	simm.s32 @!p1 $0x1082;
	[sflag:s4] =	ssyncset.s32 $0xFFFFF086  }
0x25: {  	[simem:s6], [sflag:s4] =	dma.local [hbm:s3], $0xF7A  }
0x26: {  	[smem:$0x3F9B] =	sst s1;
	(tag) =	ssettag s2;
	_ =	strace s9  }
0x27: {  	s1 =	sld [smem:$0x3FAB]  }
0x28: {  	s2 =	sld [smem:$0x3FAC]  }
0x29: {  	s4 =	sld [smem:$0x3FAE]  }
0x2a: {  	p0 =	seq.s32 s5, $0x0;
	s5 =	sld [smem:$0x3FAF]  }
0x2b: {  	s6 =	sld [smem:$0x3FB0]  }
0x2c: {  	s7 =	sld [smem:$0x3FB1]  }
0x2d: {  	s3 =	simm.s32 $0x108;
	s8 =	sld [smem:$0x3FB2]  }
0x2e: {  	s3 =	simm.s32 @!p0 $0x1082;
	s9 =	sld [smem:$0x3FB3]  }
0x2f: {  	lr =	sadd.s32 s0, s3;
	s0 =	sld [smem:$0x3FAA]  }
0x30: {  	s3 =	sld [smem:$0x3FAD]  }
0x31: {  	[smem:$0x3FB6] =	sst s10  }
0x32: {  	s10 =	sld [smem:$0x3FB4];
	_ =	sdelay $0x3  }
0x33: {  	p0 =	seq.s32 s10, $0x1;
	s10 =	sld [smem:$0x3FB6];
	_ =	sdelay $0x3  }
0x34: {  	[smem:$0x3FB6] =	sst s10  }
0x35: {  	s10 =	sld [smem:$0x3FB5];
	_ =	sdelay $0x3  }
0x36: {  	p1 =	seq.s32 s10, $0x1;
	s10 =	sld [smem:$0x3FB6];
	_ =	sdelay $0x3  }
0x37: {  	[smem:$0x3FB6] =	sst s10  }
0x38: {  	s10 =	sld [smem:$0x3FB7]  }
0x39: {  	_ = 	snop;
	(pc) =	sbr.ind lr, $3  }
0x3a: {  	_ = 	snop  }
0x3b: {  	_ = 	snop  }
0x3c: {  	p2 =	seq.s32 s10, $0x1;
	s10 =	sld [smem:$0x3FB6]  }
0x3d: {  	_ =	shalt  }
0x3e: {  	_ =	shalt  }
0x3f: {  	_ =	shalt  }
0x40: {  	_ =	shalt  }
0x41: {  	_ =	shalt  }
0x42: {  	_ =	shalt  }
0x43: {  	_ =	shalt  }
0x44: {  	_ =	shalt  }
0x45: {  	_ =	shalt  }
0x46: {  	_ =	shalt  }
0x47: {  	_ =	shalt  }
0x48: {  	_ =	shalt  }
0x49: {  	_ =	shalt  }
0x4a: {  	_ =	shalt  }
0x4b: {  	_ =	shalt  }
0x4c: {  	_ =	shalt  }
0x4d: {  	_ =	shalt  }
0x4e: {  	_ =	shalt  }
0x4f: {  	_ =	shalt  }
0x50: {  	_ =	shalt  }
0x51: {  	_ =	shalt  }
0x52: {  	_ =	shalt  }
0x53: {  	_ =	shalt  }
0x54: {  	_ =	shalt  }
0x55: {  	_ =	shalt  }
0x56: {  	_ =	shalt  }
0x57: {  	_ =	shalt  }
0x58: {  	_ =	shalt  }
0x59: {  	_ =	shalt  }
0x5a: {  	_ =	shalt  }
0x5b: {  	_ =	shalt  }
0x5c: {  	_ =	shalt  }
0x5d: {  	_ =	shalt  }
0x5e: {  	_ =	shalt  }
0x5f: {  	_ =	shalt  }
0x60: {  	_ =	shalt  }
0x61: {  	_ =	shalt  }
0x62: {  	_ =	shalt  }
0x63: {  	_ =	shalt  }
0x64: {  	_ =	shalt  }
0x65: {  	_ =	shalt  }
0x66: {  	_ =	shalt  }
0x67: {  	_ =	shalt  }
0x68: {  	_ =	shalt  }
0x69: {  	_ =	shalt  }
0x6a: {  	_ =	shalt  }
0x6b: {  	_ =	shalt  }
0x6c: {  	_ =	shalt  }
0x6d: {  	_ =	shalt  }
0x6e: {  	_ =	shalt  }
0x6f: {  	_ =	shalt  }
0x70: {  	_ =	shalt  }
0x71: {  	_ =	shalt  }
0x72: {  	_ =	shalt  }
0x73: {  	_ =	shalt  }
0x74: {  	_ =	shalt  }
0x75: {  	_ =	shalt  }
0x76: {  	_ =	shalt  }
0x77: {  	_ =	shalt  }
0x78: {  	_ =	shalt  }
0x79: {  	_ =	shalt  }
0x7a: {  	_ =	shalt  }
0x7b: {  	_ =	shalt  }
0x7c: {  	_ =	shalt  }
0x7d: {  	_ =	shalt  }
0x7e: {  	_ =	shalt  }
0x7f: {  	_ =	shalt  }
0x80: {  	_ =	shalt  }
0x81: {  	_ =	shalt  }
0x82: {  	_ =	shalt  }
0x83: {  	_ =	shalt  }
0x84: {  	_ =	shalt  }
0x85: {  	_ =	shalt  }
0x86: {  	_ =	shalt  }
0x87: {  	_ =	shalt  }
.Lfunc_end0:
.L_simem_size_0:
called_computation.2_lowered:
.L_overlay_start_0:
0x88: {  	s2 =	sld [smem:$0x3FD9]  }
0x89: {  	s3 =	sld [smem:$0x3FFE];
	_ =	sdelay $0x1  }
0x8a: {  	s1 =	srdreg.scid  }
0x8b: {  	s0 =	sand.u32 $0x1, s1  }
0x8c: {  	s17 =	sshll.u32 s0, $0xA;
	s2 =	sadd.s32 s3, s2  }
0x8d: {  	s2 =	sadd.s32 s2, s17  }
0x8e: {  	[smem:$0x3FC2] =	sst s2  }
0x8f: {  	_ = 	snop  }
0x90: {  	s2 =	sld [smem:$0x3FD0];
	(tm) =	ssettm $0x1  }
0x91: {  	s18 =	sld [smem:$0x3FFB];
	_ =	sdelay $0x3  }
0x92: {  	_ =	strace s18  }
0x93: {  	s3 =	sld [smem:$0x3FFC];
	_ =	sdelay $0x3  }
0x94: {  	_ =	strace s3  }
0x95: {  	s3 =	sld [smem:$0x3FFD];
	_ =	sdelay $0x3  }
0x96: {  	_ =	strace s3  }
0x97: {  	_ =	strace $0x8FFFFFFF  }
0x98: {  	s19 =	sld [smem:$0x3FDB];
	_ =	sdelay $0x1  }
0x99: {  	s4 =	simm.s32 $_scs_section_size  }
0x9a: {  	s5 =	simm.s32 $_size__tile_overlayer_lowered;
	s6 =	simm.s32 $_tile_overlayer_lowered  }
0x9b: {  	s22 =	simm.s32 $0x1BFF;
	s21 =	sshll.u32 s6, $0x1;
	s3 =	sadd.s32 s4, s19  }
0x9c: {  	s7 =	simm.s32 $0x0;
	s20 =	sshll.u32 s5, $0x1;
	s5 =	sadd.s32 s21, s3  }
0x9d: {  	[timem:s7], [sflag:s22] =	dma.local [hbm:s5], s20  }
0x9e: {  	_ =	swait.ge [sflag:s22], s20  }
0x9f: {  	s4 =	ssub.s32 $0x0, s20;
	[sflag:s22] =	ssyncset.done $0x0  }
0xa0: {  	[sflag:s22] =	ssyncadd.s32 s4;
	_ =	sdelay $0x1  }
0xa1: {  	s23 =	simm.s32 $0x1B8B  }
0xa2: {  	_ =	swait.ge [sflag:s23], $0x1  }
0xa3: {  	[sflag:s23] =	ssyncset.done $0x0  }
0xa4: {  	s25 =	simm.s32 $0x1B8E;
	s24 =	sld [smem:$0x3FFE];
	[sflag:s23] =	ssyncadd.s32 $0xFFFFFFFF  }
0xa5: {  	s26 =	simm.s32 $execute0_lowered;
	[smem:$0x3FD2] =	sst s25  }
0xa6: {  	s5 =	sshll.u32 s26, $0x1;
	_ =	strace $0x8000004C;
	[dreg:$0x1] =	wrdreg $0xFFFFFFFF  }
0xa7: {  	s28 =	simm.s32 $_size_execute0_lowered;
	s3 =	sadd.s32 s3, s5;
	[dreg:$0x0] =	wrdreg $0x0  }
0xa8: {  	s5 =	sshll.u32 s28, $0x1;
	[dreg:$0x2] =	wrdreg s3  }
0xa9: {  	[dreg:$0x3] =	wrdreg s5  }
0xaa: {  	[dreg:$0x4] =	wrdreg $0xC0  }
0xab: {  	_ =	task [dreg:s7], $0x5FFFF  }
0xac: {  	[dreg:$0x1] =	wrdreg $0xFFFFFFFF  }
0xad: {  	[dreg:$0x0] =	wrdreg $0x60  }
0xae: {  	[dreg:$0x2] =	wrdreg s24  }
0xaf: {  	[dreg:$0x3] =	wrdreg s2  }
0xb0: {  	[dreg:$0x4] =	wrdreg $0xA8000  }
0xb1: {  	[dreg:$0x5] =	wrdreg $0x9  }
0xb2: {  	_ =	task.clear_ibuf [dreg:s7], $0x6FFFF;
	_ =	strace $0x9000004C  }
0xb3: {  	s29 =	simm.s32 $0x9;
	_ =	strace $0x8000004E  }
0xb4: {  	_ =	swait.ge [sflag:s29], $0x1  }
0xb5: {  	[sflag:s29] =	ssyncadd.s32 $0xFFFFFFFF  }
0xb6: {  	_ =	strace $0x9000004E  }
0xb7: {  	_ =	sfence  }
0xb8: {  	s30 =	sld [smem:$0x0];
	_ =	sdelay $0x2  }
0xb9: {  	s31 =	sshll.u32 s1, $0xD;
	s1 =	sshrl.u32 s1, $0x2  }
0xba: {  	s3 =	sand.u32 $0x4000, s31;
	s1 =	sadd.s32 s1, s30  }
0xbb: {  	s0 =	sor.u32 s3, s0;
	s1 =	sshll.u32 s1, $0x11  }
0xbc: {  	s0 =	sor.u32 s1, s0  }
0xbd: {  	s0 =	sadd.s32 $0x8F2B, s0  }
0xbe: {  	[sflag:s0] =	ssyncadd.remote.s32 $0x1  }
0xbf: {  	_ =	sfence.sel $0xFFFF  }
0xc0: {  	[dreg:$0x0] =	wrdreg $0xFFFFFFFF;
	(pc) =	sbr.abs _section_cstart, $3  }
0xc1: {  	[dreg:$0x1] =	wrdreg $0xFFFFFFFF  }
0xc2: {  	_ =	task.clear_ibuf [dreg:s7], $0x2FFFF;
	_ =	strace $0x9FFFFFFF  }
0xc3: {  	(tm) =	ssettm $0x7FFFFFFF  }
tec
execute0_lowered:
.L_overlay_start_1:
0x0: {  	(tag) =	ssettag $0x1  }
0x1: {  	s6 =	rddreg [dreg:$0x0]  }
0x2: {  	s12 =	rddreg [dreg:$0x1]  }
0x3: {  	s1 =	rddreg [dreg:$0x2]  }
0x4: {  	s2 =	srdreg.scid;
	s0 =	rddreg [dreg:$0x3];
	s3 =	simm.s32 $0x0  }
0x5: {  	s18 =	simm.s32 $0x1400;
	s19 =	simm.s32 $0x80;
	s20 =	simm.s32 $0x6800  }
0x6: {  	s21 =	simm.s32 $0x1;
	s22 =	simm.s32 $0x2;
	s23 =	simm.s32 $0x2700  }
0x7: {  	s24 =	simm.s32 $0x2780;
	s5 =	sand.u32 $0x1, s2;
	s2 =	stileid.u32  }
0x8: {  	[smem:$0x7FF] =	sst s3;
	s4 =	sadd.s32 $0xC800, s6;
	s7 =	smul.u32 $0x140000, s5  }
0x9: {  	s13 =	sadd.s32 $0x2800, s6;
	s8 =	smul.u32 $0x14000, s2;
	_ =	strace $0x8000004D  }
0xa: {  	s28 =	smul.u32 $0x50000, s2;
	s9 =	sshll.u32 s5, $0x4;
	s10 =	ssub.s32 $0x2, s5  }
0xb: {  	s9 =	sor.u32 s2, s9;
	s30 =	sshrl.u32 s10, $0x1;
	s7 =	sadd.s32 s8, s7  }
0xc: {  	s29 =	sshrl.u32 s28, $0x2;
	s11 =	smul.u32 $0x2800, s9;
	s15 =	ssub.s32 s10, s30  }
0xd: {  	s16 =	smul.u32 $0x500, s9;
	s7 =	sshrl.u32 s7, $0x3;
	s5 =	sadd.s32 s29, s1  }
0xe: {  	s15 =	smax.u32 s15, $0x1;
	s14 =	sadd.s32 s7, s6;
	s6 =	sadd.s32 $0x4000, s5  }
0xf: {  	s7 =	sadd.s32 $0x8000, s5;
	s31 =	sshrl.u32 s11, $0x3;
	s8 =	sadd.s32 $0xC000, s5  }
0x10: {  	s9 =	sadd.s32 $0x10000, s5;
	s10 =	sadd.s32 s12, s16;
	s11 =	sadd.s32 s13, s16  }
0x11: {  	s16 =	simm.s32 $0x2800;
	s17 =	sadd.s32 $0x280, s31;
	s14 =	sadd.s32 $0x34800, s14  }
0x12: {  	v0 =	vimm.f32 $0.0e+00;
	s12 =	sadd.s32 s12, s17;
	s13 =	sadd.s32 s13, s17;
	s17 =	simm.s32 $0x3  }
.LBB2_1:
0x13: {  	s25 =	simm.s32 $0x0;
	s26 =	simm.s32 $0x200  }
.LBB2_2:
0x14: {  	p0 =	sne.s32 s26, $0xFE00;
	[tilespmem:s25+$0x2870] =	vst v0  }
0x15: {  	[tilespmem:s25+$0x2800] =	vst v0  }
0x16: {  	[tilespmem:s25+$0x2810] =	vst v0  }
.Ltmp0:
0x17: {  	[tilespmem:s25+$0x2820] =	vst v0;
	(pc) =	sbr.rel @p0 .LBB2_2-.Ltmp0, $4  }
0x18: {  	[tilespmem:s25+$0x2830] =	vst v0  }
0x19: {  	[tilespmem:s25+$0x2840] =	vst v0  }
0x1a: {  	[tilespmem:s25+$0x2850] =	vst v0  }
0x1b: {  	[tilespmem:s25+$0x2860] =	vst v0;
	s25 =	sshra.s32 s26, $0x2;
	s26 =	sadd.s32 $0x200, s26  }
0x1c: {  	[tilespmem:s25+$0x2870] =	vst v0  }
0x1d: {  	[tilespmem:s25+$0x2800] =	vst v0  }
0x1e: {  	[tilespmem:s25+$0x2810] =	vst v0  }
0x1f: {  	[tilespmem:s25+$0x2820] =	vst v0  }
0x20: {  	[tilespmem:s25+$0x2830] =	vst v0  }
0x21: {  	[tilespmem:s25+$0x2840] =	vst v0  }
0x22: {  	[tilespmem:s25+$0x2850] =	vst v0  }
0x23: {  	[tilespmem:s25+$0x2860] =	vst v0  }
0x24: {  	[spmem:s5] =	stream.linear.scatter [tilespmem:s16], [sflag:$0x3], $0x4000, $0x38;
	[tilespmem:$0x1E800] =	vst v63  }
0x25: {  	_ =	swait.ge [sflag:s17], $0x4000  }
0x26: {  	[sflag:s17] =	ssyncset.done $0x0  }
0x27: {  	[sflag:s17] =	ssyncadd.s32 $0xFFFFC000  }
0x28: {  	[spmem:s6] =	stream.linear.scatter [tilespmem:s16], [sflag:$0x3], $0x4000, $0x38;
	[tilespmem:$0x1E800] =	vst v63  }
0x29: {  	_ =	swait.ge [sflag:s17], $0x4000  }
0x2a: {  	[sflag:s17] =	ssyncset.done $0x0  }
0x2b: {  	[sflag:s17] =	ssyncadd.s32 $0xFFFFC000  }
0x2c: {  	[spmem:s7] =	stream.linear.scatter [tilespmem:s16], [sflag:$0x3], $0x4000, $0x38;
	[tilespmem:$0x1E800] =	vst v63  }
0x2d: {  	_ =	swait.ge [sflag:s17], $0x4000  }
0x2e: {  	[sflag:s17] =	ssyncset.done $0x0  }
0x2f: {  	[sflag:s17] =	ssyncadd.s32 $0xFFFFC000  }
0x30: {  	[spmem:s8] =	stream.linear.scatter [tilespmem:s16], [sflag:$0x3], $0x4000, $0x38;
	[tilespmem:$0x1E800] =	vst v63  }
0x31: {  	_ =	swait.ge [sflag:s17], $0x4000  }
0x32: {  	[sflag:s17] =	ssyncset.done $0x0  }
0x33: {  	[sflag:s17] =	ssyncadd.s32 $0xFFFFC000  }
0x34: {  	[spmem:s9] =	stream.linear.scatter [tilespmem:s16], [sflag:$0x3], $0x4000, $0x38;
	[tilespmem:$0x1E800] =	vst v63  }
0x35: {  	_ =	swait.ge [sflag:s17], $0x4000  }
0x36: {  	[sflag:s17] =	ssyncset.done $0x0  }
0x37: {  	[sflag:s17] =	ssyncadd.s32 $0xFFFFC000  }
0x38: {  	s28 =	simm.s32 $0x0;
	[bflag:$0x0] =	sbarrier.arrive $0xFFFF  }
0x39: {  	[tilespmem:s28], [sflag:$0x3] =	stream.linear.gather [hbm4b:s10+s28], $0x1400, $0x38;
	[tilespmem:$0x1E800] =	vst v63  }
0x3a: {  	_ =	swait.ge [sflag:s17], $0x1400  }
0x3b: {  	[sflag:s17] =	ssyncset.done $0x0  }
0x3c: {  	[sflag:s17] =	ssyncadd.s32 $0xFFFFEC00  }
0x3d: {  	[tilespmem:s18], [sflag:$0x3] =	stream.linear.gather [hbm4b:s11+s28], $0x1400, $0x38;
	[tilespmem:$0x1E800] =	vst v63  }
0x3e: {  	_ =	swait.ge [sflag:s17], $0x1400  }
0x3f: {  	[sflag:s17] =	ssyncset.done $0x0  }
0x40: {  	[sflag:s17] =	ssyncadd.s32 $0xFFFFEC00  }
0x41: {  	[tilespmem:s16], [sflag:$0x1] =	stream.indirect.gather [hbm4b:s4+s19], $0x80, s28, s19, $0xb8;
	[tilespmem:$0x1E800] =	vst v63  }
0x42: {  	_ = 	snop  }
0x43: {  	[tilespmem:s20], [sflag:$0x2] =	stream.indirect.gather [hbm4b:s4+s19], $0x80, s19, s19, $0xb8;
	[tilespmem:$0x1E800] =	vst v63  }
0x44: {  	_ =	swait.ge [sflag:s21], $0x4000  }
0x45: {  	[sflag:s21] =	ssyncset.done $0x0  }
0x46: {  	s29 =	simm.s32 $0x1400;
	[sflag:s21] =	ssyncadd.s32 $0xFFFFC000  }
0x47: {  	[spmem:s1] =	stream.indirect.scatter.add.f32 [tilespmem:s16], [sflag:$0x3], $0x80, s29, s19, $0xb8;
	[tilespmem:$0x1E800] =	vst v63  }
0x48: {  	_ =	swait.ge [sflag:s17], $0x4000  }
0x49: {  	[sflag:s17] =	ssyncset.done $0x0  }
0x4a: {  	s30 =	simm.s32 $0x100;
	[sflag:s17] =	ssyncadd.s32 $0xFFFFC000  }
0x4b: {  	[tilespmem:s16], [sflag:$0x1] =	stream.indirect.gather [hbm4b:s4+s19], $0x80, s30, s19, $0xb8;
	[tilespmem:$0x1E800] =	vst v63  }
0x4c: {  	_ =	swait.ge [sflag:s22], $0x4000  }
0x4d: {  	[sflag:s22] =	ssyncset.done $0x0  }
0x4e: {  	s31 =	simm.s32 $0x1480;
	[sflag:s22] =	ssyncadd.s32 $0xFFFFC000  }
0x4f: {  	[spmem:s1] =	stream.indirect.scatter.add.f32 [tilespmem:s20], [sflag:$0x3], $0x80, s31, s19, $0xb8;
	[tilespmem:$0x1E800] =	vst v63  }
0x50: {  	_ =	swait.ge [sflag:s17], $0x4000  }
0x51: {  	[sflag:s17] =	ssyncset.done $0x0  }
0x52: {  	s25 =	simm.s32 $0x400;
	s26 =	simm.s32 $0x180;
	[sflag:s17] =	ssyncadd.s32 $0xFFFFC000  }
.LBB2_4:
0x53: {  	[tilespmem:s20], [sflag:$0x2] =	stream.indirect.gather [hbm4b:s4+s19], $0x80, s26, s19, $0xb8;
	[tilespmem:$0x1E800] =	vst v63  }
0x54: {  	s26 =	smov.u32 s25  }
0x55: {  	p0 =	sne.s32 s25, $0x4800;
	s25 =	sadd.s32 $0x400, s25;
	_ =	swait.ge [sflag:s21], $0x4000  }
0x56: {  	s26 =	sshra.s32 s26, $0x2;
	[sflag:s21] =	ssyncset.done $0x0  }
0x57: {  	s28 =	sadd.s32 $0x1400, s26;
	[sflag:s21] =	ssyncadd.s32 $0xFFFFC000  }
0x58: {  	[spmem:s1] =	stream.indirect.scatter.add.f32 [tilespmem:s16], [sflag:$0x3], $0x80, s28, s19, $0xb8;
	[tilespmem:$0x1E800] =	vst v63  }
0x59: {  	_ =	swait.ge [sflag:s17], $0x4000  }
0x5a: {  	[sflag:s17] =	ssyncset.done $0x0  }
0x5b: {  	s28 =	sadd.s32 $0x100, s26;
	[sflag:s17] =	ssyncadd.s32 $0xFFFFC000  }
0x5c: {  	[tilespmem:s16], [sflag:$0x1] =	stream.indirect.gather [hbm4b:s4+s19], $0x80, s28, s19, $0xb8;
	[tilespmem:$0x1E800] =	vst v63  }
0x5d: {  	_ =	swait.ge [sflag:s22], $0x4000  }
0x5e: {  	[sflag:s22] =	ssyncset.done $0x0  }
.Ltmp1:
0x5f: {  	s28 =	sadd.s32 $0x1480, s26;
	[sflag:s22] =	ssyncadd.s32 $0xFFFFC000;
	(pc) =	sbr.rel @p0 .LBB2_4-.Ltmp1, $4  }
0x60: {  	[spmem:s1] =	stream.indirect.scatter.add.f32 [tilespmem:s20], [sflag:$0x3], $0x80, s28, s19, $0xb8;
	[tilespmem:$0x1E800] =	vst v63  }
0x61: {  	_ =	swait.ge [sflag:s17], $0x4000  }
0x62: {  	[sflag:s17] =	ssyncset.done $0x0  }
0x63: {  	s26 =	sadd.s32 $0x180, s26;
	[sflag:s17] =	ssyncadd.s32 $0xFFFFC000  }
0x64: {  	[tilespmem:s20], [sflag:$0x2] =	stream.indirect.gather [hbm4b:s4+s19], $0x80, s26, s19, $0xb8;
	[tilespmem:$0x1E800] =	vst v63  }
0x65: {  	_ =	swait.ge [sflag:s21], $0x4000  }
0x66: {  	[sflag:s21] =	ssyncset.done $0x0  }
0x67: {  	[sflag:s21] =	ssyncadd.s32 $0xFFFFC000  }
0x68: {  	[spmem:s1] =	stream.indirect.scatter.add.f32 [tilespmem:s16], [sflag:$0x3], $0x80, s23, s19, $0xb8;
	[tilespmem:$0x1E800] =	vst v63  }
0x69: {  	_ =	swait.ge [sflag:s17], $0x4000  }
0x6a: {  	[sflag:s17] =	ssyncset.done $0x0  }
0x6b: {  	[sflag:s17] =	ssyncadd.s32 $0xFFFFC000  }
0x6c: {  	_ =	swait.ge [sflag:s22], $0x4000  }
0x6d: {  	[sflag:s22] =	ssyncset.done $0x0  }
0x6e: {  	[sflag:s22] =	ssyncadd.s32 $0xFFFFC000  }
0x6f: {  	[spmem:s1] =	stream.indirect.scatter.add.f32 [tilespmem:s20], [sflag:$0x3], $0x80, s24, s19, $0xb8;
	[tilespmem:$0x1E800] =	vst v63  }
0x70: {  	_ =	swait.ge [sflag:s17], $0x4000  }
0x71: {  	[sflag:s17] =	ssyncset.done $0x0  }
0x72: {  	s25 =	simm.s32 $0x0;
	[sflag:s17] =	ssyncadd.s32 $0xFFFFC000  }
0x73: {  	[tilespmem:s25], [sflag:$0x3] =	stream.linear.gather [hbm4b:s12+s25], $0x1400, $0x38;
	[tilespmem:$0x1E800] =	vst v63  }
0x74: {  	_ =	swait.ge [sflag:s17], $0x1400  }
0x75: {  	[sflag:s17] =	ssyncset.done $0x0  }
0x76: {  	[sflag:s17] =	ssyncadd.s32 $0xFFFFEC00  }
0x77: {  	[tilespmem:s18], [sflag:$0x3] =	stream.linear.gather [hbm4b:s13+s25], $0x1400, $0x38;
	[tilespmem:$0x1E800] =	vst v63  }
0x78: {  	_ =	swait.ge [sflag:s17], $0x1400  }
0x79: {  	[sflag:s17] =	ssyncset.done $0x0  }
0x7a: {  	[sflag:s17] =	ssyncadd.s32 $0xFFFFEC00  }
0x7b: {  	[tilespmem:s16], [sflag:$0x1] =	stream.indirect.gather [hbm4b:s4+s19], $0x80, s25, s19, $0xb8;
	[tilespmem:$0x1E800] =	vst v63  }
0x7c: {  	_ = 	snop  }
0x7d: {  	[tilespmem:s20], [sflag:$0x2] =	stream.indirect.gather [hbm4b:s4+s19], $0x80, s19, s19, $0xb8;
	[tilespmem:$0x1E800] =	vst v63  }
0x7e: {  	_ =	swait.ge [sflag:s21], $0x4000  }
0x7f: {  	[sflag:s21] =	ssyncset.done $0x0  }
0x80: {  	s29 =	simm.s32 $0x1400;
	[sflag:s21] =	ssyncadd.s32 $0xFFFFC000  }
0x81: {  	[spmem:s1] =	stream.indirect.scatter.add.f32 [tilespmem:s16], [sflag:$0x3], $0x80, s29, s19, $0xb8;
	[tilespmem:$0x1E800] =	vst v63  }
0x82: {  	_ =	swait.ge [sflag:s17], $0x4000  }
0x83: {  	[sflag:s17] =	ssyncset.done $0x0  }
0x84: {  	s30 =	simm.s32 $0x100;
	[sflag:s17] =	ssyncadd.s32 $0xFFFFC000  }
0x85: {  	[tilespmem:s16], [sflag:$0x1] =	stream.indirect.gather [hbm4b:s4+s19], $0x80, s30, s19, $0xb8;
	[tilespmem:$0x1E800] =	vst v63  }
0x86: {  	_ =	swait.ge [sflag:s22], $0x4000  }
0x87: {  	[sflag:s22] =	ssyncset.done $0x0  }
0x88: {  	s31 =	simm.s32 $0x1480;
	[sflag:s22] =	ssyncadd.s32 $0xFFFFC000  }
0x89: {  	[spmem:s1] =	stream.indirect.scatter.add.f32 [tilespmem:s20], [sflag:$0x3], $0x80, s31, s19, $0xb8;
	[tilespmem:$0x1E800] =	vst v63  }
0x8a: {  	_ =	swait.ge [sflag:s17], $0x4000  }
0x8b: {  	[sflag:s17] =	ssyncset.done $0x0  }
0x8c: {  	s26 =	simm.s32 $0x180;
	s25 =	simm.s32 $0x400;
	[sflag:s17] =	ssyncadd.s32 $0xFFFFC000  }
.LBB2_6:
0x8d: {  	[tilespmem:s20], [sflag:$0x2] =	stream.indirect.gather [hbm4b:s4+s19], $0x80, s26, s19, $0xb8;
	[tilespmem:$0x1E800] =	vst v63  }
0x8e: {  	s26 =	smov.u32 s25  }
0x8f: {  	p0 =	sne.s32 s25, $0x4800;
	s25 =	sadd.s32 $0x400, s25;
	_ =	swait.ge [sflag:s21], $0x4000  }
0x90: {  	s26 =	sshra.s32 s26, $0x2;
	[sflag:s21] =	ssyncset.done $0x0  }
0x91: {  	s28 =	sadd.s32 $0x1400, s26;
	[sflag:s21] =	ssyncadd.s32 $0xFFFFC000  }
0x92: {  	[spmem:s1] =	stream.indirect.scatter.add.f32 [tilespmem:s16], [sflag:$0x3], $0x80, s28, s19, $0xb8;
	[tilespmem:$0x1E800] =	vst v63  }
0x93: {  	_ =	swait.ge [sflag:s17], $0x4000  }
0x94: {  	[sflag:s17] =	ssyncset.done $0x0  }
0x95: {  	s28 =	sadd.s32 $0x100, s26;
	[sflag:s17] =	ssyncadd.s32 $0xFFFFC000  }
0x96: {  	[tilespmem:s16], [sflag:$0x1] =	stream.indirect.gather [hbm4b:s4+s19], $0x80, s28, s19, $0xb8;
	[tilespmem:$0x1E800] =	vst v63  }
0x97: {  	_ =	swait.ge [sflag:s22], $0x4000  }
0x98: {  	[sflag:s22] =	ssyncset.done $0x0  }
.Ltmp2:
0x99: {  	s28 =	sadd.s32 $0x1480, s26;
	[sflag:s22] =	ssyncadd.s32 $0xFFFFC000;
	(pc) =	sbr.rel @p0 .LBB2_6-.Ltmp2, $4  }
0x9a: {  	[spmem:s1] =	stream.indirect.scatter.add.f32 [tilespmem:s20], [sflag:$0x3], $0x80, s28, s19, $0xb8;
	[tilespmem:$0x1E800] =	vst v63  }
0x9b: {  	_ =	swait.ge [sflag:s17], $0x4000  }
0x9c: {  	[sflag:s17] =	ssyncset.done $0x0  }
0x9d: {  	s26 =	sadd.s32 $0x180, s26;
	[sflag:s17] =	ssyncadd.s32 $0xFFFFC000  }
0x9e: {  	[tilespmem:s20], [sflag:$0x2] =	stream.indirect.gather [hbm4b:s4+s19], $0x80, s26, s19, $0xb8;
	[tilespmem:$0x1E800] =	vst v63  }
0x9f: {  	_ =	swait.ge [sflag:s21], $0x4000  }
0xa0: {  	[sflag:s21] =	ssyncset.done $0x0  }
0xa1: {  	[sflag:s21] =	ssyncadd.s32 $0xFFFFC000  }
0xa2: {  	[spmem:s1] =	stream.indirect.scatter.add.f32 [tilespmem:s16], [sflag:$0x3], $0x80, s23, s19, $0xb8;
	[tilespmem:$0x1E800] =	vst v63  }
0xa3: {  	_ =	swait.ge [sflag:s17], $0x4000  }
0xa4: {  	[sflag:s17] =	ssyncset.done $0x0  }
0xa5: {  	[sflag:s17] =	ssyncadd.s32 $0xFFFFC000  }
0xa6: {  	_ =	swait.ge [sflag:s22], $0x4000  }
0xa7: {  	[sflag:s22] =	ssyncset.done $0x0  }
0xa8: {  	[sflag:s22] =	ssyncadd.s32 $0xFFFFC000  }
0xa9: {  	[spmem:s1] =	stream.indirect.scatter.add.f32 [tilespmem:s20], [sflag:$0x3], $0x80, s24, s19, $0xb8;
	[tilespmem:$0x1E800] =	vst v63  }
0xaa: {  	_ =	swait.ge [sflag:s17], $0x4000  }
0xab: {  	s25 =	sshll.u32 s2, $0x6;
	s3 =	sadd.s32 $0x1, s3;
	[sflag:s17] =	ssyncset.done $0x0  }
0xac: {  	s31 =	sshrl.u32 s5, $0x3;
	p0 =	sne.s32 s3, s15;
	[sflag:s17] =	ssyncadd.s32 $0xFFFFC000  }
.Ltmp3:
0xad: {  	s25 =	sor.u32 $0x1C03, s25;
	[bflag:$0x0] =	sbarrier.arrive $0xFFFF;
	(pc) =	sbr.rel @p0 .LBB2_1-.Ltmp3, $4  }
0xae: {  	[hbm:s14], [sflag:s25] =	dma.local [spmem:s31], $0x2800  }
0xaf: {  	_ =	swait.ge [sflag:s17], $0x2800  }
0xb0: {  	[sflag:s17] =	ssyncset.done $0x0  }
0xb1: {  	[sflag:s17] =	ssyncadd.s32 $0xFFFFD800  }
0xb2: {  	_ =	sfence.sel $0x180000  }
0xb3: {  	[bflag:$0x0] =	sbarrier.arrive $0xFFFF  }
0xb4: {  	p0 =	sne.s32 s2, $0x0;
	_ =	strace $0x9000004D  }
0xb5: {  	s0 =	sadd.s32 @!p0 $0x100000, s0;
	[bflag:$0x2] =	sbarrier.arrive $0xFFFF  }
0xb6: {  	[sflag:s0] =	ssyncadd.tile.s32 @!p0 $0x1;
	_ =	shalt  }
.Lfunc_end2:
_tile_overlayer_lowered:
.L_overlay_start_2:
0xb7: {  	(tag) =	ssettag $0x2  }
0xb8: {  	s0 =	rddreg [dreg:$0x0];
	s2 =	stileid.u32  }
0xb9: {  	s1 =	rddreg [dreg:$0x1];
	p0 =	sne.s32 s2, $0x0  }
0xba: {  	s3 =	rddreg [dreg:$0x2];
	[bflag:$0x3] =	sbarrier.arrive $0xFFFF;
	s2 =	simm.s32 @!p0 $0x1C03  }
0xbb: {  	[timem:s3], [sflag:s2] =	dma.local @!p0 [hbm:s0], s1  }
0xbc: {  	s0 =	simm.s32 @!p0 $0x3  }
0xbd: {  	_ =	swait.ge @!p0 [sflag:s0], s1  }
0xbe: {  	s1 =	ssub.s32 @!p0 $0x0, s1;
	[sflag:s0] =	ssyncset.done @!p0 $0x0  }
0xbf: {  	[sflag:s0] =	ssyncadd.s32 @!p0 s1  }
0xc0: {  	[bflag:$0x3] =	sbarrier.arrive $0xFFFF  }
0xc1: {  	_ =	shalt  }

// kernel: kernel.8.cloned.1.call-start
scs
__scs_entry_jumppad:
0x0: {  	(pc) =	sbr.rel $0x88, $3  }
0x1: {  	(tag) =	ssettag $0x0;
	lr =	simm.s32 $0x1  }
0x2: {  	[smem:$0x3F9B] =	sst lr;
	_ =	strace $0xD0000000  }
0x3: {  	_ = 	snop  }
0x4: {  	_ = 	snop  }
0x5: {  	_ = 	snop  }
0x6: {  	_ = 	snop  }
0x7: {  	_ = 	snop  }
__scs_overlays_trampoline_lowered:
0x8: {  	[smem:$0x3FAA] =	sst s0  }
0x9: {  	[smem:$0x3FAB] =	sst s1  }
0xa: {  	[smem:$0x3FAC] =	sst s2  }
0xb: {  	[smem:$0x3FAD] =	sst s3  }
0xc: {  	[smem:$0x3FAE] =	sst s4  }
0xd: {  	[smem:$0x3FAF] =	sst s5  }
0xe: {  	[smem:$0x3FB0] =	sst s6  }
0xf: {  	[smem:$0x3FB1] =	sst s7  }
0x10: {  	[smem:$0x3FB2] =	sst s8  }
0x11: {  	[smem:$0x3FB3] =	sst s9;
	s0 =	simm.s32 @!p0 $0x0  }
0x12: {  	s1 =	sld [smem:$0x3F99];
	s0 =	simm.s32 @p0 $0x1  }
0x13: {  	[smem:$0x3FB4] =	sst s0;
	s0 =	simm.s32 @!p1 $0x0  }
0x14: {  	s2 =	sld [smem:$0x3F98];
	s0 =	simm.s32 @p1 $0x1  }
0x15: {  	[smem:$0x3FB5] =	sst s0;
	s0 =	simm.s32 @!p2 $0x0  }
0x16: {  	s3 =	sld [smem:$0x3FDB];
	s0 =	simm.s32 @p2 $0x1  }
0x17: {  	s4 =	simm.s32 $0x1BF5;
	[smem:$0x3FB7] =	sst s0  }
0x18: {  	s0 =	sld [smem:$0x3F9A];
	_ =	swait.ge [sflag:s4], $0x0  }
0x19: {  	s7 =	sld [smem:$0x3F9B]  }
0x1a: {  	s8 =	sadd.s32 $0xFFFFE003, lr  }
0x1b: {  	s9 =	sadd.s32 $0xFFFFFEF7, lr;
	s5 =	simm.s32 $0xFFFFFFFF;
	p2 =	slt.u32 s8, $0xFFFFF086  }
0x1c: {  	p1 =	slt.u32 s9, $0xF7A;
	s5 =	simm.s32 @!p2 $0x0  }
0x1d: {  	s5 =	simm.s32 @p1 $0x1;
	p0 =	seq.s32 s7, s2  }
0x1e: {  	s7 =	smul.u32 @!p0 $0xF7A, s2;
	p2 =	seq.s32 @!p0 s5, $0x0  }
0x1f: {  	s9 =	smul.u32 $0xF7A, s1;
	s8 =	simm.s32 @!p0 $0x1BF5;
	p2 =	por !p2, p0  }
0x20: {  	[sflag:s8] =	ssyncset.s32 @!p0 $0xFFFFF086;
	s6 =	sadd.s32 @!p0 s3, s7;
	s7 =	simm.s32 @!p0 $0x108  }
0x21: {  	s3 =	sadd.s32 s3, s9;
	s6 =	sadd.s32 @!p0 $0x88, s6;
	s7 =	simm.s32 @p2 $0x1082  }
0x22: {  	[simem:s7], [sflag:s8] =	dma.local @!p0 [hbm:s6], $0xF7A  }
0x23: {  	s9 =	sor.u32 $0xD0000000, s2;
	s6 =	simm.s32 $0x108;
	_ =	swait.ge @!p0 [sflag:s8], $0x0  }
0x24: {  	s3 =	sadd.s32 $0x88, s3;
	s6 =	simm.s32 @!p1 $0x1082;
	[sflag:s4] =	ssyncset.s32 $0xFFFFF086  }
0x25: {  	[simem:s6], [sflag:s4] =	dma.local [hbm:s3], $0xF7A  }
0x26: {  	[smem:$0x3F9B] =	sst s1;
	(tag) =	ssettag s2;
	_ =	strace s9  }
0x27: {  	s1 =	sld [smem:$0x3FAB]  }
0x28: {  	s2 =	sld [smem:$0x3FAC]  }
0x29: {  	s4 =	sld [smem:$0x3FAE]  }
0x2a: {  	p0 =	seq.s32 s5, $0x0;
	s5 =	sld [smem:$0x3FAF]  }
0x2b: {  	s6 =	sld [smem:$0x3FB0]  }
0x2c: {  	s7 =	sld [smem:$0x3FB1]  }
0x2d: {  	s3 =	simm.s32 $0x108;
	s8 =	sld [smem:$0x3FB2]  }
0x2e: {  	s3 =	simm.s32 @!p0 $0x1082;
	s9 =	sld [smem:$0x3FB3]  }
0x2f: {  	lr =	sadd.s32 s0, s3;
	s0 =	sld [smem:$0x3FAA]  }
0x30: {  	s3 =	sld [smem:$0x3FAD]  }
0x31: {  	[smem:$0x3FB6] =	sst s10  }
0x32: {  	s10 =	sld [smem:$0x3FB4];
	_ =	sdelay $0x3  }
0x33: {  	p0 =	seq.s32 s10, $0x1;
	s10 =	sld [smem:$0x3FB6];
	_ =	sdelay $0x3  }
0x34: {  	[smem:$0x3FB6] =	sst s10  }
0x35: {  	s10 =	sld [smem:$0x3FB5];
	_ =	sdelay $0x3  }
0x36: {  	p1 =	seq.s32 s10, $0x1;
	s10 =	sld [smem:$0x3FB6];
	_ =	sdelay $0x3  }
0x37: {  	[smem:$0x3FB6] =	sst s10  }
0x38: {  	s10 =	sld [smem:$0x3FB7]  }
0x39: {  	_ = 	snop;
	(pc) =	sbr.ind lr, $3  }
0x3a: {  	_ = 	snop  }
0x3b: {  	_ = 	snop  }
0x3c: {  	p2 =	seq.s32 s10, $0x1;
	s10 =	sld [smem:$0x3FB6]  }
0x3d: {  	_ =	shalt  }
0x3e: {  	_ =	shalt  }
0x3f: {  	_ =	shalt  }
0x40: {  	_ =	shalt  }
0x41: {  	_ =	shalt  }
0x42: {  	_ =	shalt  }
0x43: {  	_ =	shalt  }
0x44: {  	_ =	shalt  }
0x45: {  	_ =	shalt  }
0x46: {  	_ =	shalt  }
0x47: {  	_ =	shalt  }
0x48: {  	_ =	shalt  }
0x49: {  	_ =	shalt  }
0x4a: {  	_ =	shalt  }
0x4b: {  	_ =	shalt  }
0x4c: {  	_ =	shalt  }
0x4d: {  	_ =	shalt  }
0x4e: {  	_ =	shalt  }
0x4f: {  	_ =	shalt  }
0x50: {  	_ =	shalt  }
0x51: {  	_ =	shalt  }
0x52: {  	_ =	shalt  }
0x53: {  	_ =	shalt  }
0x54: {  	_ =	shalt  }
0x55: {  	_ =	shalt  }
0x56: {  	_ =	shalt  }
0x57: {  	_ =	shalt  }
0x58: {  	_ =	shalt  }
0x59: {  	_ =	shalt  }
0x5a: {  	_ =	shalt  }
0x5b: {  	_ =	shalt  }
0x5c: {  	_ =	shalt  }
0x5d: {  	_ =	shalt  }
0x5e: {  	_ =	shalt  }
0x5f: {  	_ =	shalt  }
0x60: {  	_ =	shalt  }
0x61: {  	_ =	shalt  }
0x62: {  	_ =	shalt  }
0x63: {  	_ =	shalt  }
0x64: {  	_ =	shalt  }
0x65: {  	_ =	shalt  }
0x66: {  	_ =	shalt  }
0x67: {  	_ =	shalt  }
0x68: {  	_ =	shalt  }
0x69: {  	_ =	shalt  }
0x6a: {  	_ =	shalt  }
0x6b: {  	_ =	shalt  }
0x6c: {  	_ =	shalt  }
0x6d: {  	_ =	shalt  }
0x6e: {  	_ =	shalt  }
0x6f: {  	_ =	shalt  }
0x70: {  	_ =	shalt  }
0x71: {  	_ =	shalt  }
0x72: {  	_ =	shalt  }
0x73: {  	_ =	shalt  }
0x74: {  	_ =	shalt  }
0x75: {  	_ =	shalt  }
0x76: {  	_ =	shalt  }
0x77: {  	_ =	shalt  }
0x78: {  	_ =	shalt  }
0x79: {  	_ =	shalt  }
0x7a: {  	_ =	shalt  }
0x7b: {  	_ =	shalt  }
0x7c: {  	_ =	shalt  }
0x7d: {  	_ =	shalt  }
0x7e: {  	_ =	shalt  }
0x7f: {  	_ =	shalt  }
0x80: {  	_ =	shalt  }
0x81: {  	_ =	shalt  }
0x82: {  	_ =	shalt  }
0x83: {  	_ =	shalt  }
0x84: {  	_ =	shalt  }
0x85: {  	_ =	shalt  }
0x86: {  	_ =	shalt  }
0x87: {  	_ =	shalt  }
.Lfunc_end0:
.L_simem_size_0:
called_computation_lowered:
.L_overlay_start_0:
0x88: {  	s2 =	sld [smem:$0x3FD9]  }
0x89: {  	s3 =	sld [smem:$0x3FFE];
	_ =	sdelay $0x1  }
0x8a: {  	s1 =	srdreg.scid  }
0x8b: {  	s0 =	sand.u32 $0x1, s1  }
0x8c: {  	s16 =	sshll.u32 s0, $0xA;
	s2 =	sadd.s32 s3, s2  }
0x8d: {  	s2 =	sadd.s32 s2, s16  }
0x8e: {  	[smem:$0x3FC2] =	sst s2  }
0x8f: {  	_ = 	snop  }
0x90: {  	(tm) =	ssettm $0x1  }
0x91: {  	s17 =	sld [smem:$0x3FFB];
	_ =	sdelay $0x3  }
0x92: {  	_ =	strace s17  }
0x93: {  	s2 =	sld [smem:$0x3FFC];
	_ =	sdelay $0x3  }
0x94: {  	_ =	strace s2  }
0x95: {  	s2 =	sld [smem:$0x3FFD];
	_ =	sdelay $0x3  }
0x96: {  	_ =	strace s2  }
0x97: {  	_ =	strace $0x8FFFFFFF  }
0x98: {  	s18 =	sld [smem:$0x3FDB];
	_ =	sdelay $0x1  }
0x99: {  	s19 =	simm.s32 $_scs_section_size  }
0x9a: {  	s4 =	simm.s32 $_size__tile_overlayer_lowered;
	s5 =	simm.s32 $_tile_overlayer_lowered  }
0x9b: {  	s22 =	simm.s32 $0x1BFF;
	s21 =	sshll.u32 s5, $0x1;
	s2 =	sadd.s32 s19, s18  }
0x9c: {  	s6 =	simm.s32 $0x0;
	s20 =	sshll.u32 s4, $0x1;
	s4 =	sadd.s32 s21, s2  }
0x9d: {  	[timem:s6], [sflag:s22] =	dma.local [hbm:s4], s20  }
0x9e: {  	_ =	swait.ge [sflag:s22], s20  }
0x9f: {  	s3 =	ssub.s32 $0x0, s20;
	[sflag:s22] =	ssyncset.done $0x0  }
0xa0: {  	[sflag:s22] =	ssyncadd.s32 s3;
	_ =	sdelay $0x1  }
0xa1: {  	s23 =	simm.s32 $0x1B8B  }
0xa2: {  	_ =	swait.ge [sflag:s23], $0x1  }
0xa3: {  	[sflag:s23] =	ssyncset.done $0x0  }
0xa4: {  	s25 =	simm.s32 $0x1B8E;
	s24 =	sld [smem:$0x3FFE];
	[sflag:s23] =	ssyncadd.s32 $0xFFFFFFFF  }
0xa5: {  	s26 =	simm.s32 $execute0_lowered;
	[smem:$0x3FD2] =	sst s25  }
0xa6: {  	s4 =	sshll.u32 s26, $0x1;
	_ =	strace $0x80000046;
	[dreg:$0x1] =	wrdreg $0xFFFFFFFF  }
0xa7: {  	s28 =	simm.s32 $_size_execute0_lowered;
	s2 =	sadd.s32 s2, s4;
	[dreg:$0x0] =	wrdreg $0x0  }
0xa8: {  	s4 =	sshll.u32 s28, $0x1;
	[dreg:$0x2] =	wrdreg s2  }
0xa9: {  	[dreg:$0x3] =	wrdreg s4  }
0xaa: {  	[dreg:$0x4] =	wrdreg $0xC0  }
0xab: {  	_ =	task [dreg:s6], $0x5FFFF  }
0xac: {  	[dreg:$0x1] =	wrdreg $0xFFFFFFFF  }
0xad: {  	[dreg:$0x0] =	wrdreg $0x60  }
0xae: {  	[dreg:$0x2] =	wrdreg s24  }
0xaf: {  	[dreg:$0x3] =	wrdreg $0x68000  }
0xb0: {  	[dreg:$0x4] =	wrdreg $0x9  }
0xb1: {  	_ =	task.clear_ibuf [dreg:s6], $0x5FFFF;
	_ =	strace $0x90000046  }
0xb2: {  	s29 =	simm.s32 $0x9;
	_ =	strace $0x80000048  }
0xb3: {  	_ =	swait.ge [sflag:s29], $0x1  }
0xb4: {  	[sflag:s29] =	ssyncadd.s32 $0xFFFFFFFF  }
0xb5: {  	_ =	strace $0x90000048  }
0xb6: {  	_ =	sfence  }
0xb7: {  	s30 =	sld [smem:$0x0];
	_ =	sdelay $0x2  }
0xb8: {  	s31 =	sshll.u32 s1, $0xD;
	s1 =	sshrl.u32 s1, $0x2  }
0xb9: {  	s3 =	sand.u32 $0x4000, s31;
	s1 =	sadd.s32 s1, s30  }
0xba: {  	s0 =	sor.u32 s3, s0;
	s1 =	sshll.u32 s1, $0x11  }
0xbb: {  	s0 =	sor.u32 s1, s0  }
0xbc: {  	s0 =	sadd.s32 $0x8F2B, s0  }
0xbd: {  	[sflag:s0] =	ssyncadd.remote.s32 $0x1  }
0xbe: {  	_ =	sfence.sel $0xFFFF  }
0xbf: {  	[dreg:$0x0] =	wrdreg $0xFFFFFFFF;
	(pc) =	sbr.abs _section_cstart, $3  }
0xc0: {  	[dreg:$0x1] =	wrdreg $0xFFFFFFFF  }
0xc1: {  	_ =	task.clear_ibuf [dreg:s6], $0x2FFFF;
	_ =	strace $0x9FFFFFFF  }
0xc2: {  	(tm) =	ssettm $0x7FFFFFFF  }
0xc3: {  	_ =	shalt  }
tec
execute0_lowered:
.L_overlay_start_1:
0x0: {  	(tag) =	ssettag $0x1  }
0x1: {  	s0 =	srdreg.scid;
	s5 =	rddreg [dreg:$0x0]  }
0x2: {  	s2 =	rddreg [dreg:$0x1];
	s4 =	sand.u32 $0x1, s0  }
0x3: {  	s3 =	simm.s32 $0x0;
	s0 =	stileid.u32;
	s7 =	smul.u32 $0x140000, s4  }
0x4: {  	s13 =	simm.s32 $0x1;
	s14 =	simm.s32 $0x80;
	s8 =	smul.u32 $0x14000, s0  }
0x5: {  	[smem:$0x7FF] =	sst s3;
	s1 =	sshll.u32 s4, $0x4;
	s9 =	smul.u32 $0x50000, s0  }
0x6: {  	s29 =	ssub.s32 $0x2, s4;
	s15 =	sshll.u32 s0, $0x6;
	s1 =	sor.u32 s0, s1  }
0x7: {  	s31 =	sshrl.u32 s29, $0x1;
	s15 =	sor.u32 $0x1C01, s15;
	s6 =	smul.u32 $0x500, s1  }
0x8: {  	s1 =	rddreg [dreg:$0x2];
	_ =	strace $0x80000047;
	s30 =	sshrl.u32 s9, $0x2  }
0x9: {  	s28 =	sadd.s32 s8, s7;
	s12 =	ssub.s32 s29, s31;
	s4 =	sadd.s32 s30, s2  }
0xa: {  	s10 =	sadd.s32 s6, s5;
	s6 =	sshrl.u32 s28, $0x3;
	s7 =	sadd.s32 $0xC000, s4  }
0xb: {  	s8 =	sadd.s32 $0x10000, s4;
	s16 =	sshrl.u32 s4, $0x3;
	s11 =	sadd.s32 s6, s5  }
0xc: {  	s5 =	sadd.s32 $0x4000, s4;
	s6 =	sadd.s32 $0x8000, s4;
	s9 =	sadd.s32 $0x2800, s10  }
0xd: {  	v0 =	vimm.f32 $0.0e+00;
	v1 =	vimm.f32 $1.000000000e+00;
	s10 =	sadd.s32 $0xC800, s11;
	s11 =	smax.u32 s12, $0x1;
	s12 =	simm.s32 $0x2800  }
.LBB2_1:
0xe: {  	s17 =	simm.s32 $0x0;
	s18 =	simm.s32 $0x200  }
.LBB2_2:
0xf: {  	p0 =	sne.s32 s18, $0xFE00;
	[tilespmem:s17+$0x2870] =	vst v0  }
0x10: {  	[tilespmem:s17+$0x2800] =	vst v0  }
0x11: {  	[tilespmem:s17+$0x2810] =	vst v0  }
.Ltmp0:
0x12: {  	[tilespmem:s17+$0x2820] =	vst v0;
	(pc) =	sbr.rel @p0 .LBB2_2-.Ltmp0, $4  }
0x13: {  	[tilespmem:s17+$0x2830] =	vst v0  }
0x14: {  	[tilespmem:s17+$0x2840] =	vst v0  }
0x15: {  	[tilespmem:s17+$0x2850] =	vst v0  }
0x16: {  	[tilespmem:s17+$0x2860] =	vst v0;
	s17 =	sshra.s32 s18, $0x2;
	s18 =	sadd.s32 $0x200, s18  }
0x17: {  	[tilespmem:s17+$0x2870] =	vst v0  }
0x18: {  	[tilespmem:s17+$0x2800] =	vst v0  }
0x19: {  	[tilespmem:s17+$0x2810] =	vst v0  }
0x1a: {  	[tilespmem:s17+$0x2820] =	vst v0  }
0x1b: {  	[tilespmem:s17+$0x2830] =	vst v0  }
0x1c: {  	[tilespmem:s17+$0x2840] =	vst v0  }
0x1d: {  	[tilespmem:s17+$0x2850] =	vst v0  }
0x1e: {  	[tilespmem:s17+$0x2860] =	vst v0  }
0x1f: {  	[spmem:s4] =	stream.linear.scatter [tilespmem:s12], [sflag:$0x1], $0x4000, $0x38;
	[tilespmem:$0x1A800] =	vst v63  }
0x20: {  	_ =	swait.ge [sflag:s13], $0x4000  }
0x21: {  	[sflag:s13] =	ssyncset.done $0x0  }
0x22: {  	[sflag:s13] =	ssyncadd.s32 $0xFFFFC000  }
0x23: {  	[spmem:s5] =	stream.linear.scatter [tilespmem:s12], [sflag:$0x1], $0x4000, $0x38;
	[tilespmem:$0x1A800] =	vst v63  }
0x24: {  	_ =	swait.ge [sflag:s13], $0x4000  }
0x25: {  	[sflag:s13] =	ssyncset.done $0x0  }
0x26: {  	[sflag:s13] =	ssyncadd.s32 $0xFFFFC000  }
0x27: {  	[spmem:s6] =	stream.linear.scatter [tilespmem:s12], [sflag:$0x1], $0x4000, $0x38;
	[tilespmem:$0x1A800] =	vst v63  }
0x28: {  	_ =	swait.ge [sflag:s13], $0x4000  }
0x29: {  	[sflag:s13] =	ssyncset.done $0x0  }
0x2a: {  	[sflag:s13] =	ssyncadd.s32 $0xFFFFC000  }
0x2b: {  	[spmem:s7] =	stream.linear.scatter [tilespmem:s12], [sflag:$0x1], $0x4000, $0x38;
	[tilespmem:$0x1A800] =	vst v63  }
0x2c: {  	_ =	swait.ge [sflag:s13], $0x4000  }
0x2d: {  	[sflag:s13] =	ssyncset.done $0x0  }
0x2e: {  	[sflag:s13] =	ssyncadd.s32 $0xFFFFC000  }
0x2f: {  	[spmem:s8] =	stream.linear.scatter [tilespmem:s12], [sflag:$0x1], $0x4000, $0x38;
	[tilespmem:$0x1A800] =	vst v63  }
0x30: {  	_ =	swait.ge [sflag:s13], $0x4000  }
0x31: {  	[sflag:s13] =	ssyncset.done $0x0  }
0x32: {  	s17 =	simm.s32 $0x0;
	s18 =	simm.s32 $0x200;
	[sflag:s13] =	ssyncadd.s32 $0xFFFFC000  }
.LBB2_4:
0x33: {  	p0 =	sne.s32 s18, $0xFE00;
	[tilespmem:s17+$0x2870] =	vst v1  }
0x34: {  	[tilespmem:s17+$0x2800] =	vst v1  }
0x35: {  	[tilespmem:s17+$0x2810] =	vst v1  }
.Ltmp1:
0x36: {  	[tilespmem:s17+$0x2820] =	vst v1;
	(pc) =	sbr.rel @p0 .LBB2_4-.Ltmp1, $4  }
0x37: {  	[tilespmem:s17+$0x2830] =	vst v1  }
0x38: {  	[tilespmem:s17+$0x2840] =	vst v1  }
0x39: {  	[tilespmem:s17+$0x2850] =	vst v1  }
0x3a: {  	[tilespmem:s17+$0x2860] =	vst v1;
	s17 =	sshra.s32 s18, $0x2;
	s18 =	sadd.s32 $0x200, s18  }
0x3b: {  	[tilespmem:s17+$0x2870] =	vst v1  }
0x3c: {  	[tilespmem:s17+$0x2800] =	vst v1  }
0x3d: {  	[tilespmem:s17+$0x2810] =	vst v1  }
0x3e: {  	[tilespmem:s17+$0x2820] =	vst v1  }
0x3f: {  	[tilespmem:s17+$0x2830] =	vst v1  }
0x40: {  	[tilespmem:s17+$0x2840] =	vst v1  }
0x41: {  	[tilespmem:s17+$0x2850] =	vst v1  }
0x42: {  	[tilespmem:s17+$0x2860] =	vst v1;
	s30 =	simm.s32 $0x0  }
0x43: {  	[tilespmem:s30], [sflag:$0x1] =	stream.linear.gather [hbm4b:s9+s30], $0x2800, $0x38;
	[tilespmem:$0x1A800] =	vst v63  }
0x44: {  	_ =	swait.ge [sflag:s13], $0x2800  }
0x45: {  	[sflag:s13] =	ssyncset.done $0x0  }
0x46: {  	[sflag:s13] =	ssyncadd.s32 $0xFFFFD800  }
0x47: {  	s31 =	simm.s32 $0x0;
	[bflag:$0x0] =	sbarrier.arrive $0xFFFF  }
0x48: {  	[spmem:s2] =	stream.indirect.scatter.add.f32 [tilespmem:s12], [sflag:$0x1], $0x80, s31, s14, $0xb8;
	[tilespmem:$0x1A800] =	vst v63  }
0x49: {  	_ =	swait.ge [sflag:s13], $0x4000  }
0x4a: {  	s17 =	simm.s32 $0x200;
	[sflag:s13] =	ssyncset.done $0x0  }
.LBB2_6:
0x4b: {  	s18 =	sshra.s32 s17, $0x2;
	[sflag:s13] =	ssyncadd.s32 $0xFFFFC000;
	p0 =	sne.s32 s17, $0x9E00  }
0x4c: {  	[spmem:s2] =	stream.indirect.scatter.add.f32 [tilespmem:s12], [sflag:$0x1], $0x80, s18, s14, $0xb8;
	[tilespmem:$0x1A800] =	vst v63  }
.Ltmp2:
0x4d: {  	_ = 	snop;
	(pc) =	sbr.rel @p0 .LBB2_6-.Ltmp2, $4  }
0x4e: {  	_ = 	snop  }
0x4f: {  	s17 =	sadd.s32 $0x200, s17  }
0x50: {  	_ =	swait.ge [sflag:s13], $0x4000  }
0x51: {  	[sflag:s13] =	ssyncset.done $0x0  }
0x52: {  	s3 =	sadd.s32 $0x1, s3  }
0x53: {  	[sflag:s13] =	ssyncadd.s32 $0xFFFFC000;
	p0 =	sne.s32 s3, s11  }
.Ltmp3:
0x54: {  	[bflag:$0x0] =	sbarrier.arrive $0xFFFF;
	(pc) =	sbr.rel @p0 .LBB2_1-.Ltmp3, $4  }
0x55: {  	[hbm:s10], [sflag:s15] =	dma.local [spmem:s16], $0x2800  }
0x56: {  	_ =	swait.ge [sflag:s13], $0x2800  }
0x57: {  	[sflag:s13] =	ssyncset.done $0x0  }
0x58: {  	[sflag:s13] =	ssyncadd.s32 $0xFFFFD800  }
0x59: {  	_ =	sfence.sel $0x180000  }
0x5a: {  	[bflag:$0x0] =	sbarrier.arrive $0xFFFF  }
0x5b: {  	p0 =	sne.s32 s0, $0x0;
	_ =	strace $0x90000047  }
0x5c: {  	s0 =	sadd.s32 @!p0 $0x100000, s1;
	[bflag:$0x2] =	sbarrier.arrive $0xFFFF  }
0x5d: {  	[sflag:s0] =	ssyncadd.tile.s32 @!p0 $0x1;
	_ =	shalt  }
.Lfunc_end2:
_tile_overlayer_lowered:
.L_overlay_start_2:
0x5e: {  	(tag) =	ssettag $0x2  }
0x5f: {  	s0 =	rddreg [dreg:$0x0];
	s2 =	stileid.u32  }
0x60: {  	s1 =	rddreg [dreg:$0x1];
	p0 =	sne.s32 s2, $0x0  }
0x61: {  	s3 =	rddreg [dreg:$0x2];
	[bflag:$0x3] =	sbarrier.arrive $0xFFFF;
	s2 =	simm.s32 @!p0 $0x1C01  }
0x62: {  	[timem:s3], [sflag:s2] =	dma.local @!p0 [hbm:s0], s1  }
0x63: {  	s0 =	simm.s32 @!p0 $0x1  }
0x64: {  	_ =	swait.ge @!p0 [sflag:s0], s1  }
0x65: {  	s1 =	ssub.s32 @!p0 $0x0, s1;
	[sflag:s0] =	ssyncset.done @!p0 $0x0  }
0x66: {  	[sflag:s0] =	ssyncadd.s32 @!p0 s1  }
0x67: {  	[bflag:$0x3] =	sbarrier.arrive $0xFFFF  }
0x68: {  	_ =	shalt  }

</sc_bundles>
